<compile_context>
chip_gen: v7x
topology: tpu7x:2x2x1
jax: 0.10.2.dev20260603
libtpu: 0.0.44.dev20260713+nightly
codegen_flags: <defaults>
</compile_context>

<pallas_src>
import functools

import jax
import jax.numpy as jnp
from jax import lax
from jax.experimental import pallas as pl
from jax.experimental.pallas import tpu as pltpu
from jax.experimental.pallas import tpu_sc as plsc

N = 10000
D = 128
E = 320000

_NC = 2
_NS = 16
_NW = _NC * _NS
_EPB = 128
_TPW = 80
_CAP = _TPW * _EPB
_SLACK = _CAP - E // _NW
_EPAD = _NW * _CAP
_ACC_ROWS = N + 8
_ZROWS = 8
_RPT = 624
_NBUF = 1
_HALF = _TPW // 2

def _seg_sum_body(h_hbm, src_hbm, dst_hbm, out_hbm,
                  src_i, dst_i, rows_v, zbuf, acc, sem0, sem1):
    cid = lax.axis_index("c")
    sid = lax.axis_index("s")
    wid = sid * _NC + cid

    def _z(i, _):
        zbuf[i // 8, pl.ds((i % 8) * 16, 16)] = jnp.zeros((16,), jnp.float32)
        return 0
    lax.fori_loop(0, _ZROWS * (D // 16), _z, 0)

    def _zc(i, _):
        pltpu.sync_copy(zbuf, acc.at[pl.ds(sid * _RPT + i * _ZROWS, _ZROWS)])
        return 0
    lax.fori_loop(0, _RPT // _ZROWS, _zc, 0)

    @pl.when(sid == _NS - 1)
    def _zc_tail():
        def _zt(i, _):
            pltpu.sync_copy(zbuf, acc.at[pl.ds(_NS * _RPT + i * _ZROWS, _ZROWS)])
            return 0
        lax.fori_loop(0, (_ACC_ROWS - _NS * _RPT) // _ZROWS, _zt, 0)

    plsc.subcore_barrier()

    sems = (sem0, sem1)
    for ph in range(_TPW // _HALF):
        pltpu.sync_copy(src_hbm.at[pl.ds(wid * _TPW + ph * _HALF, _HALF)],
                        src_i)
        pltpu.sync_copy(dst_hbm.at[pl.ds(wid * _TPW + ph * _HALF, _HALF)],
                        dst_i)
        for j in range(_NBUF):
            pltpu.async_copy(h_hbm.at[src_i.at[j]], rows_v.at[j], sems[j])

        def _et(g, _):
            base = g * _NBUF
            for j in range(_NBUF):
                t = base + j
                pltpu.make_async_copy(
                    h_hbm.at[src_i.at[t]], rows_v.at[j], sems[j]).wait()
                pltpu.sync_copy(rows_v.at[j], acc.at[dst_i.at[t]], add=True)

                @pl.when(t + _NBUF < _HALF)
                def _issue():
                    pltpu.async_copy(
                        h_hbm.at[src_i.at[t + _NBUF]], rows_v.at[j], sems[j])
            return 0
        lax.fori_loop(0, _HALF // _NBUF, _et, 0)

    plsc.subcore_barrier()

    @pl.when(sid < _NS - 1)
    def _dump():
        pltpu.sync_copy(acc.at[pl.ds(sid * _RPT, _RPT)],
                        out_hbm.at[cid, pl.ds(sid * _RPT, _RPT)])

    @pl.when(sid == _NS - 1)
    def _dump_tail():
        pltpu.sync_copy(acc.at[pl.ds((_NS - 1) * _RPT, N - (_NS - 1) * _RPT)],
                        out_hbm.at[cid, pl.ds((_NS - 1) * _RPT,
                                              N - (_NS - 1) * _RPT)])


@functools.cache
def _get_seg_sum():
    mesh = plsc.VectorSubcoreMesh(core_axis_name="c", subcore_axis_name="s")
    return pl.kernel(
        _seg_sum_body,
        out_type=jax.ShapeDtypeStruct((_NC, N, D), jnp.float32),
        mesh=mesh,
        scratch_types=[
            pltpu.VMEM((_HALF, _EPB), jnp.int32),
            pltpu.VMEM((_HALF, _EPB), jnp.int32),
            pltpu.VMEM((_NBUF, _EPB, D), jnp.float32),
            pltpu.VMEM((_ZROWS, D), jnp.float32),
            pltpu.VMEM_SHARED((_ACC_ROWS, D), jnp.float32),
            pltpu.SemaphoreType.DMA,
            pltpu.SemaphoreType.DMA,
        ],
    )


def _gin_mlp_body(h_ref, agg_ref, eps_ref, w1_ref, b1_ref, w2_ref, b2_ref,
                  o_ref):
    eps = eps_ref[0, 0]
    ht = (1.0 + eps) * h_ref[...] + agg_ref[0] + agg_ref[1]
    z = jnp.dot(ht, w1_ref[...], preferred_element_type=jnp.float32) + b1_ref[...]
    z = jnp.maximum(z, 0.0)
    o_ref[...] = jnp.dot(z, w2_ref[...], preferred_element_type=jnp.float32) + b2_ref[...]


_gin_mlp = pl.pallas_call(
    _gin_mlp_body,
    out_shape=jax.ShapeDtypeStruct((N, D), jnp.float32),
)


def _norm_body(z_ref, m_ref, v_ref, g_ref, be_ref, o_ref):
    zn = ((z_ref[...] - m_ref[...]) / jnp.sqrt(v_ref[...] + 1e-5)
          * g_ref[...] + be_ref[...])
    o_ref[...] = jnp.maximum(zn, 0.0)


def _norm(z, m, v, g, be):
    return pl.pallas_call(
        _norm_body,
        out_shape=jax.ShapeDtypeStruct(z.shape, jnp.float32),
    )(z, m.reshape(1, -1), v.reshape(1, -1), g.reshape(1, -1),
      be.reshape(1, -1))


def _mm_body(h_ref, w_ref, b_ref, o_ref):
    o_ref[...] = (jnp.dot(h_ref[...], w_ref[...],
                          preferred_element_type=jnp.float32) + b_ref[...])


def _mm(h, w, b):
    return pl.pallas_call(
        _mm_body,
        out_shape=jax.ShapeDtypeStruct((h.shape[0], w.shape[1]), jnp.float32),
    )(h, w, b.reshape(1, -1))


def kernel(x, edge_index, params):
    src = edge_index[0]
    dst = edge_index[1]
    perm = jnp.argsort(dst, stable=True)
    src = src[perm]
    dst = dst[perm]
    ideal = jnp.arange(1, _NW, dtype=jnp.int32) * (E // _NW)
    aligned = jnp.searchsorted(dst, dst[ideal], side='left').astype(jnp.int32)
    b = jnp.clip(aligned, ideal - _SLACK, ideal)
    b = jnp.concatenate([jnp.zeros((1,), jnp.int32), b])
    eidx = jnp.arange(E, dtype=jnp.int32)
    chunk = jnp.searchsorted(b, eidx, side='right').astype(jnp.int32) - 1
    newidx = chunk * _CAP + (eidx - b[chunk])
    src2d = jnp.zeros((_EPAD,), jnp.int32).at[newidx].set(
        src).reshape(_EPAD // _EPB, _EPB)
    dst2d = jnp.full((_EPAD,), N, jnp.int32).at[newidx].set(
        dst).reshape(_EPAD // _EPB, _EPB)

    seg_sum = _get_seg_sum()
    h = x
    for i in range(3):
        agg = seg_sum(h, src2d, dst2d)
        z = _gin_mlp(
            h, agg,
            params['eps%d' % i].reshape(1, 1),
            params['W1_%d' % i], params['b1_%d' % i].reshape(1, D),
            params['W2_%d' % i], params['b2_%d' % i].reshape(1, D),
        )
        m = jnp.mean(z, axis=0)
        v = jnp.var(z, axis=0)
        h = _norm(z, m, v, params['g%d' % i], params['be%d' % i])
    for j in range(2):
        z = _mm(h, params['Wc%d' % j], params['bc%d' % j])
        m = jnp.mean(z, axis=0)
        v = jnp.var(z, axis=0)
        h = _norm(z, m, v, params['gc%d' % j], params['bec%d' % j])
    return _mm(h, params['Wc2'], params['bc2'])

# --- scband reference (transcript-rebuilt; emitter-appended) ---
"""Pipeline reference for scband-gin-10917806866951 (READ-ONLY COPY).

The authoritative reference and input builder live on the scoring server;
editing this copy changes nothing except your own understanding.
"""

import jax, jax.numpy as jnp
import numpy as np

N = 10000
E = 320000
D = 128
H = 128
L = 3

def _bn(z, g, b):
    m = jnp.mean(z, axis=0)
    v = jnp.var(z, axis=0)
    return (z - m) / jnp.sqrt(v + 1e-5) * g + b

def setup_inputs(seed: int = 0):
    key = jax.random.key(seed)
    ks = jax.random.split(key, 32)
    x = jax.random.normal(ks[0], (N, D), dtype=jnp.float32)
    edge_index = jax.random.randint(ks[1], (2, E), 0, N, dtype=jnp.int32)
    params = {}
    k = 2
    for i in range(L):
        ind = D if i == 0 else H
        params['eps%d' % i] = jnp.zeros((), jnp.float32)
        params['W1_%d' % i] = jax.random.normal(ks[k], (ind, H), dtype=jnp.float32) / np.sqrt(ind); k += 1
        params['b1_%d' % i] = jnp.zeros((H,), jnp.float32)
        params['W2_%d' % i] = jax.random.normal(ks[k], (H, H), dtype=jnp.float32) / np.sqrt(H); k += 1
        params['b2_%d' % i] = jnp.zeros((H,), jnp.float32)
        params['g%d' % i] = jnp.ones((H,), jnp.float32)
        params['be%d' % i] = jnp.zeros((H,), jnp.float32)
    dims = [H, H, H, 3]
    for j in range(3):
        params['Wc%d' % j] = jax.random.normal(ks[k], (dims[j], dims[j + 1]), dtype=jnp.float32) / np.sqrt(dims[j]); k += 1
        params['bc%d' % j] = jnp.zeros((dims[j + 1],), jnp.float32)
        if j < 2:
            params['gc%d' % j] = jnp.ones((dims[j + 1],), jnp.float32)
            params['bec%d' % j] = jnp.zeros((dims[j + 1],), jnp.float32)
    return {'x': x, 'edge_index': edge_index, 'params': params}

def reference(x, edge_index, params):
    src = edge_index[0]
    dst = edge_index[1]
    h = x
    for i in range(L):
        agg = jax.ops.segment_sum(h[src], dst, num_segments=N)
        z = (1.0 + params['eps%d' % i]) * h + agg
        z = jax.nn.relu(z @ params['W1_%d' % i] + params['b1_%d' % i]) @ params['W2_%d' % i] + params['b2_%d' % i]
        z = _bn(z, params['g%d' % i], params['be%d' % i])
        h = jax.nn.relu(z)
    for j in range(2):
        h = jax.nn.relu(_bn(h @ params['Wc%d' % j] + params['bc%d' % j], params['gc%d' % j], params['bec%d' % j]))
    logits = h @ params['Wc2'] + params['bc2']
    return logits

if __name__ == "__main__":
    import jax
    _d = setup_inputs()
    print(jax.jit(kernel)(*tuple(_d.values())))

</pallas_src>

<mosaic_0001>
#map = affine_map<(d0, d1) -> (0, 0)>
#map1 = affine_map<(d0, d1) -> (0, 0, 0)>
module attributes {stable_mosaic.version = 14 : i64} {
  func.func @_seg_sum_body(%arg0: i32, %arg1: i32, %arg2: memref<10000x128xf32, #tpu.memory_space<hbm>>, %arg3: memref<2560x128xi32, #tpu.memory_space<hbm>>, %arg4: memref<2560x128xi32, #tpu.memory_space<hbm>>, %arg5: memref<2x10000x128xf32, #tpu.memory_space<hbm>>, %arg6: memref<40x128xi32, #tpu.memory_space<vmem>>, %arg7: memref<40x128xi32, #tpu.memory_space<vmem>>, %arg8: memref<1x128x128xf32, #tpu.memory_space<vmem>>, %arg9: memref<8x128xf32, #tpu.memory_space<vmem>>, %arg10: memref<10008x128xf32, #tpu.memory_space<vmem_shared>>, %arg11: memref<!tpu.dma_semaphore, #tpu.memory_space<semaphore_mem>>, %arg12: memref<!tpu.dma_semaphore, #tpu.memory_space<semaphore_mem>>) attributes {dimension_semantics = [#tpu.dimension_semantics<core_parallel>, #tpu.dimension_semantics<subcore_parallel>], iteration_bounds = array<i64: 2, 16>, scalar_prefetch = 0 : i64, scratch_operands = 7 : i64, tpu.core_type = #tpu.core_type<sc_vector_subcore>, window_params = [{transform_indices = #map}, {transform_indices = #map}, {transform_indices = #map}, {transform_indices = #map1}]} {
    %mul3A = arith.constant 2 : i32
    %mul3A_0 = arith.muli %arg1, %mul3A : i32
    %add3A = arith.addi %mul3A_0, %arg0 : i32
    %scan3A = arith.constant 0 : i32
    %scan3A_1 = arith.constant 0 : i32
    %scan3A_2 = arith.constant 64 : i32
    %scan3A_3 = arith.addi %scan3A_1, %scan3A_2 : i32
    %scan3A_4 = arith.constant 1 : i32
    %scan3A_5 = scf.for %scan3A_79 = %scan3A_1 to %scan3A_3 step %scan3A_4 iter_args(%scan3A_80 = %scan3A) -> (i32)  : i32 {
      %broadcast_in_dim3A = arith.constant 0.000000e+00 : f32
      %broadcast_in_dim3A_81 = vector.broadcast %broadcast_in_dim3A : f32 to vector<16xf32>
      %jit3A = arith.constant 8 : i32
      %div3A = arith.divsi %scan3A_79, %jit3A : i32
      %sign3A = arith.constant 0 : i32
      %sign3A_82 = arith.cmpi sgt, %scan3A_79, %sign3A : i32
      %sign3A_83 = arith.extui %sign3A_82 : i1 to i32
      %sign3A_84 = arith.constant 0 : i32
      %sign3A_85 = arith.cmpi slt, %scan3A_79, %sign3A_84 : i32
      %sign3A_86 = arith.extui %sign3A_85 : i1 to i32
      %sign3A_87 = arith.subi %sign3A_83, %sign3A_86 : i32
      %sign3A_88 = arith.constant 0 : i32
      %sign3A_89 = arith.cmpi sgt, %jit3A, %sign3A_88 : i32
      %sign3A_90 = arith.extui %sign3A_89 : i1 to i32
      %sign3A_91 = arith.constant 0 : i32
      %sign3A_92 = arith.cmpi slt, %jit3A, %sign3A_91 : i32
      %sign3A_93 = arith.extui %sign3A_92 : i1 to i32
      %sign3A_94 = arith.subi %sign3A_90, %sign3A_93 : i32
      %ne3A = arith.cmpi ne, %sign3A_87, %sign3A_94 : i32
      %rem3A = arith.remsi %scan3A_79, %jit3A : i32
      %ne3A_95 = arith.constant 0 : i32
      %ne3A_96 = arith.cmpi ne, %rem3A, %ne3A_95 : i32
      %and3A = arith.andi %ne3A, %ne3A_96 : i1
      %sub3A = arith.constant 1 : i32
      %sub3A_97 = arith.subi %div3A, %sub3A : i32
      %select_n3A = arith.select %and3A, %sub3A_97, %div3A : i32
      %jit3A_98 = arith.constant 8 : i32
      %eq3A_99 = arith.constant 0 : i32
      %eq3A_100 = arith.cmpi eq, %jit3A_98, %eq3A_99 : i32
      %jit3A_101 = arith.constant 1 : i32
      %select_n3A_102 = arith.select %eq3A_100, %jit3A_101, %jit3A_98 : i32
      %rem3A_103 = arith.remsi %scan3A_79, %select_n3A_102 : i32
      %ne3A_104 = arith.constant 0 : i32
      %ne3A_105 = arith.cmpi ne, %rem3A_103, %ne3A_104 : i32
      %lt3A_106 = arith.constant 0 : i32
      %lt3A_107 = arith.cmpi slt, %rem3A_103, %lt3A_106 : i32
      %lt3A_108 = arith.constant 0 : i32
      %lt3A_109 = arith.cmpi slt, %select_n3A_102, %lt3A_108 : i32
      %ne3A_110 = arith.xori %lt3A_107, %lt3A_109 : i1
      %and3A_111 = arith.andi %ne3A_110, %ne3A_105 : i1
      %add3A_112 = arith.addi %rem3A_103, %select_n3A_102 : i32
      %select_n3A_113 = arith.select %and3A_111, %add3A_112, %rem3A_103 : i32
      %mul3A_114 = arith.constant 16 : i32
      %mul3A_115 = arith.muli %select_n3A_113, %mul3A_114 : i32
      %swap3A = arith.index_cast %select_n3A : i32 to index
      %swap3A_116 = arith.index_cast %mul3A_115 : i32 to index
      %swap3A_117 = tpu.vector_load %arg9[%swap3A, %swap3A_116] {strides = array<i32>} : memref<8x128xf32, #tpu.memory_space<vmem>>, vector<1x16xf32>,
      %swap3A_118 = vector.shape_cast %swap3A_117 : vector<1x16xf32> to vector<16xf32>
      %swap3A_119 = vector.shape_cast %broadcast_in_dim3A_81 : vector<16xf32> to vector<1x16xf32>
      tpu.vector_store %arg9[%swap3A, %swap3A_116], %swap3A_119 {strides = array<i32>} : memref<8x128xf32, #tpu.memory_space<vmem>>, vector<1x16xf32>,
      %scan3A_120 = arith.constant 0 : i32
      scf.yield %scan3A_120 : i32
    }
    %scan3A_6 = arith.constant 64 : i32
    %scan3A_7 = arith.constant 0 : i32
    %scan3A_8 = arith.constant 0 : i32
    %scan3A_9 = arith.constant 78 : i32
    %scan3A_10 = arith.addi %scan3A_8, %scan3A_9 : i32
    %scan3A_11 = arith.constant 1 : i32
    %scan3A_12 = scf.for %scan3A_79 = %scan3A_8 to %scan3A_10 step %scan3A_11 iter_args(%scan3A_80 = %scan3A_7) -> (i32)  : i32 {
      %mul3A_81 = arith.constant 624 : i32
      %mul3A_82 = arith.muli %arg1, %mul3A_81 : i32
      %mul3A_83 = arith.constant 8 : i32
      %mul3A_84 = arith.muli %scan3A_79, %mul3A_83 : i32
      %add3A_85 = arith.addi %mul3A_82, %mul3A_84 : i32
      "tpu.region"() ({
        %run_scoped3A = tpu.sem_alloc : memref<!tpu.dma_semaphore, #tpu.memory_space<semaphore_mem>>
        %dma_start3A_87 = arith.constant 0 : i32
        %dma_start3A_88 = tpu.memref_slice %arg10[%add3A_85, %dma_start3A_87] : memref<10008x128xf32, #tpu.memory_space<vmem_shared>> -> memref<8x128xf32, #tpu.memory_space<vmem_shared>>
        %dma_start3A_89 = arith.constant 0 : i32
        %dma_start3A_90 = tpu.memref_slice %arg10[%add3A_85, %dma_start3A_89] : memref<10008x128xf32, #tpu.memory_space<vmem_shared>> -> memref<8x128xf32, #tpu.memory_space<vmem_shared>>
        tpu.enqueue_dma source(%arg9 : memref<8x128xf32, #tpu.memory_space<vmem>>) target(%dma_start3A_90 : memref<8x128xf32, #tpu.memory_space<vmem_shared>>) target_semaphore(%run_scoped3A : memref<!tpu.dma_semaphore, #tpu.memory_space<semaphore_mem>>)
        %dma_wait3A = arith.constant 0 : i32
        %dma_wait3A_91 = tpu.memref_slice %arg10[%add3A_85, %dma_wait3A] : memref<10008x128xf32, #tpu.memory_space<vmem_shared>> -> memref<8x128xf32, #tpu.memory_space<vmem_shared>>
        %dma_wait3A_92 = arith.constant 0 : i32
        %dma_wait3A_93 = tpu.memref_slice %arg10[%add3A_85, %dma_wait3A_92] : memref<10008x128xf32, #tpu.memory_space<vmem_shared>> -> memref<8x128xf32, #tpu.memory_space<vmem_shared>>
        tpu.wait_dma2 semaphore(%run_scoped3A : memref<!tpu.dma_semaphore, #tpu.memory_space<semaphore_mem>>) src(%arg9 : memref<8x128xf32, #tpu.memory_space<vmem>>) dst(%dma_wait3A_93 : memref<8x128xf32, #tpu.memory_space<vmem_shared>>)
        tpu.yield
      }) : () -> ()
      %scan3A_86 = arith.constant 0 : i32
      scf.yield %scan3A_86 : i32
    }
    %scan3A_13 = arith.constant 78 : i32
    %eq3A = arith.constant 15 : i32
    %eq3A_14 = arith.cmpi eq, %arg1, %eq3A : i32
    %convert_element_type3A = arith.extui %eq3A_14 : i1 to i32
    %cond3A = arith.constant 0 : i32
    %cond3A_15 = arith.cmpi ne, %convert_element_type3A, %cond3A : i32
    scf.if %cond3A_15 {
      %scan3A_79 = arith.constant 0 : i32
      %scan3A_80 = arith.constant 0 : i32
      %scan3A_81 = arith.constant 3 : i32
      %scan3A_82 = arith.addi %scan3A_80, %scan3A_81 : i32
      %scan3A_83 = arith.constant 1 : i32
      %scan3A_84 = scf.for %scan3A_86 = %scan3A_80 to %scan3A_82 step %scan3A_83 iter_args(%scan3A_87 = %scan3A_79) -> (i32)  : i32 {
        %mul3A_88 = arith.constant 8 : i32
        %mul3A_89 = arith.muli %scan3A_86, %mul3A_88 : i32
        %add3A_90 = arith.constant 9984 : i32
        %add3A_91 = arith.addi %add3A_90, %mul3A_89 : i32
        "tpu.region"() ({
          %run_scoped3A = tpu.sem_alloc : memref<!tpu.dma_semaphore, #tpu.memory_space<semaphore_mem>>
          %dma_start3A_93 = arith.constant 0 : i32
          %dma_start3A_94 = tpu.memref_slice %arg10[%add3A_91, %dma_start3A_93] : memref<10008x128xf32, #tpu.memory_space<vmem_shared>> -> memref<8x128xf32, #tpu.memory_space<vmem_shared>>
          %dma_start3A_95 = arith.constant 0 : i32
          %dma_start3A_96 = tpu.memref_slice %arg10[%add3A_91, %dma_start3A_95] : memref<10008x128xf32, #tpu.memory_space<vmem_shared>> -> memref<8x128xf32, #tpu.memory_space<vmem_shared>>
          tpu.enqueue_dma source(%arg9 : memref<8x128xf32, #tpu.memory_space<vmem>>) target(%dma_start3A_96 : memref<8x128xf32, #tpu.memory_space<vmem_shared>>) target_semaphore(%run_scoped3A : memref<!tpu.dma_semaphore, #tpu.memory_space<semaphore_mem>>)
          %dma_wait3A = arith.constant 0 : i32
          %dma_wait3A_97 = tpu.memref_slice %arg10[%add3A_91, %dma_wait3A] : memref<10008x128xf32, #tpu.memory_space<vmem_shared>> -> memref<8x128xf32, #tpu.memory_space<vmem_shared>>
          %dma_wait3A_98 = arith.constant 0 : i32
          %dma_wait3A_99 = tpu.memref_slice %arg10[%add3A_91, %dma_wait3A_98] : memref<10008x128xf32, #tpu.memory_space<vmem_shared>> -> memref<8x128xf32, #tpu.memory_space<vmem_shared>>
          tpu.wait_dma2 semaphore(%run_scoped3A : memref<!tpu.dma_semaphore, #tpu.memory_space<semaphore_mem>>) src(%arg9 : memref<8x128xf32, #tpu.memory_space<vmem>>) dst(%dma_wait3A_99 : memref<8x128xf32, #tpu.memory_space<vmem_shared>>)
          tpu.yield
        }) : () -> ()
        %scan3A_92 = arith.constant 0 : i32
        scf.yield %scan3A_92 : i32
      }
      %scan3A_85 = arith.constant 3 : i32
    } else {
    }
    %barrier3A = arith.constant 0 : index
    tpu.barrier barrier_id(%barrier3A)
    %mul3A_16 = arith.constant 80 : i32
    %mul3A_17 = arith.muli %add3A, %mul3A_16 : i32
    %add3A_18 = arith.constant 0 : i32
    %add3A_19 = arith.addi %mul3A_17, %add3A_18 : i32
    "tpu.region"() ({
      %run_scoped3A = tpu.sem_alloc : memref<!tpu.dma_semaphore, #tpu.memory_space<semaphore_mem>>
      %dma_start3A_79 = arith.constant 0 : i32
      %dma_start3A_80 = tpu.memref_slice %arg3[%add3A_19, %dma_start3A_79] : memref<2560x128xi32, #tpu.memory_space<hbm>> -> memref<40x128xi32, #tpu.memory_space<hbm>>
      %dma_start3A_81 = arith.constant 0 : i32
      %dma_start3A_82 = tpu.memref_slice %arg3[%add3A_19, %dma_start3A_81] : memref<2560x128xi32, #tpu.memory_space<hbm>> -> memref<40x128xi32, #tpu.memory_space<hbm>>
      tpu.enqueue_dma source(%dma_start3A_82 : memref<40x128xi32, #tpu.memory_space<hbm>>) target(%arg6 : memref<40x128xi32, #tpu.memory_space<vmem>>) target_semaphore(%run_scoped3A : memref<!tpu.dma_semaphore, #tpu.memory_space<semaphore_mem>>)
      %dma_wait3A = arith.constant 0 : i32
      %dma_wait3A_83 = tpu.memref_slice %arg3[%add3A_19, %dma_wait3A] : memref<2560x128xi32, #tpu.memory_space<hbm>> -> memref<40x128xi32, #tpu.memory_space<hbm>>
      %dma_wait3A_84 = arith.constant 0 : i32
      %dma_wait3A_85 = tpu.memref_slice %arg3[%add3A_19, %dma_wait3A_84] : memref<2560x128xi32, #tpu.memory_space<hbm>> -> memref<40x128xi32, #tpu.memory_space<hbm>>
      tpu.wait_dma2 semaphore(%run_scoped3A : memref<!tpu.dma_semaphore, #tpu.memory_space<semaphore_mem>>) src(%dma_wait3A_85 : memref<40x128xi32, #tpu.memory_space<hbm>>) dst(%arg6 : memref<40x128xi32, #tpu.memory_space<vmem>>)
      tpu.yield
    }) : () -> ()
    %mul3A_20 = arith.constant 80 : i32
    %mul3A_21 = arith.muli %add3A, %mul3A_20 : i32
    %add3A_22 = arith.constant 0 : i32
    %add3A_23 = arith.addi %mul3A_21, %add3A_22 : i32
    "tpu.region"() ({
      %run_scoped3A = tpu.sem_alloc : memref<!tpu.dma_semaphore, #tpu.memory_space<semaphore_mem>>
      %dma_start3A_79 = arith.constant 0 : i32
      %dma_start3A_80 = tpu.memref_slice %arg4[%add3A_23, %dma_start3A_79] : memref<2560x128xi32, #tpu.memory_space<hbm>> -> memref<40x128xi32, #tpu.memory_space<hbm>>
      %dma_start3A_81 = arith.constant 0 : i32
      %dma_start3A_82 = tpu.memref_slice %arg4[%add3A_23, %dma_start3A_81] : memref<2560x128xi32, #tpu.memory_space<hbm>> -> memref<40x128xi32, #tpu.memory_space<hbm>>
      tpu.enqueue_dma source(%dma_start3A_82 : memref<40x128xi32, #tpu.memory_space<hbm>>) target(%arg7 : memref<40x128xi32, #tpu.memory_space<vmem>>) target_semaphore(%run_scoped3A : memref<!tpu.dma_semaphore, #tpu.memory_space<semaphore_mem>>)
      %dma_wait3A = arith.constant 0 : i32
      %dma_wait3A_83 = tpu.memref_slice %arg4[%add3A_23, %dma_wait3A] : memref<2560x128xi32, #tpu.memory_space<hbm>> -> memref<40x128xi32, #tpu.memory_space<hbm>>
      %dma_wait3A_84 = arith.constant 0 : i32
      %dma_wait3A_85 = tpu.memref_slice %arg4[%add3A_23, %dma_wait3A_84] : memref<2560x128xi32, #tpu.memory_space<hbm>> -> memref<40x128xi32, #tpu.memory_space<hbm>>
      tpu.wait_dma2 semaphore(%run_scoped3A : memref<!tpu.dma_semaphore, #tpu.memory_space<semaphore_mem>>) src(%dma_wait3A_85 : memref<40x128xi32, #tpu.memory_space<hbm>>) dst(%arg7 : memref<40x128xi32, #tpu.memory_space<vmem>>)
      tpu.yield
    }) : () -> ()
    %dma_start3A = arith.constant 0 : i32
    %dma_start3A_24 = arith.constant 0 : i32
    %dma_start3A_25 = arith.constant 0 : i32
    %dma_start3A_26 = arith.constant 0 : i32
    %dma_start3A_27 = tpu.memref_slice %arg8[%dma_start3A_24, %dma_start3A_25, %dma_start3A_26] : memref<1x128x128xf32, #tpu.memory_space<vmem>> -> memref<1x128x128xf32, #tpu.memory_space<vmem>>
    %dma_start3A_28 = tpu.memref_squeeze %dma_start3A_27 : memref<1x128x128xf32, #tpu.memory_space<vmem>> -> memref<128x128xf32, #tpu.memory_space<vmem>>
    %dma_start3A_29 = arith.constant 0 : i32
    %dma_start3A_30 = tpu.memref_slice %arg6[%dma_start3A, %dma_start3A_29] : memref<40x128xi32, #tpu.memory_space<vmem>> -> memref<1x128xi32, #tpu.memory_space<vmem>>
    %dma_start3A_31 = tpu.memref_squeeze %dma_start3A_30 : memref<1x128xi32, #tpu.memory_space<vmem>> -> memref<128xi32, #tpu.memory_space<vmem>>
    %dma_start3A_32 = arith.constant 0 : i32
    %dma_start3A_33 = arith.constant 0 : i32
    %dma_start3A_34 = tpu.memref_slice %arg2[%dma_start3A_32, %dma_start3A_33] : memref<10000x128xf32, #tpu.memory_space<hbm>> -> memref<10000x128xf32, #tpu.memory_space<hbm>>
    tpu.enqueue_indirect_dma source(%dma_start3A_34 : memref<10000x128xf32, #tpu.memory_space<hbm>>) target(%dma_start3A_28 : memref<128x128xf32, #tpu.memory_space<vmem>>) offsets(%dma_start3A_31 : memref<128xi32, #tpu.memory_space<vmem>>) semaphore(%arg11 : memref<!tpu.dma_semaphore, #tpu.memory_space<semaphore_mem>>)
    %scan3A_35 = arith.constant 0 : i32
    %scan3A_36 = arith.constant 0 : i32
    %scan3A_37 = arith.constant 40 : i32
    %scan3A_38 = arith.addi %scan3A_36, %scan3A_37 : i32
    %scan3A_39 = arith.constant 1 : i32
    %scan3A_40 = scf.for %scan3A_79 = %scan3A_36 to %scan3A_38 step %scan3A_39 iter_args(%scan3A_80 = %scan3A_35) -> (i32)  : i32 {
      %mul3A_81 = arith.constant 1 : i32
      %mul3A_82 = arith.muli %scan3A_79, %mul3A_81 : i32
      %add3A_83 = arith.constant 0 : i32
      %add3A_84 = arith.addi %mul3A_82, %add3A_83 : i32
      %dma_wait3A = arith.constant 0 : i32
      %dma_wait3A_85 = arith.constant 0 : i32
      %dma_wait3A_86 = arith.constant 0 : i32
      %dma_wait3A_87 = tpu.memref_slice %arg8[%dma_wait3A, %dma_wait3A_85, %dma_wait3A_86] : memref<1x128x128xf32, #tpu.memory_space<vmem>> -> memref<1x128x128xf32, #tpu.memory_space<vmem>>
      %dma_wait3A_88 = tpu.memref_squeeze %dma_wait3A_87 : memref<1x128x128xf32, #tpu.memory_space<vmem>> -> memref<128x128xf32, #tpu.memory_space<vmem>>
      %dma_wait3A_89 = arith.constant 0 : i32
      %dma_wait3A_90 = tpu.memref_slice %arg6[%add3A_84, %dma_wait3A_89] : memref<40x128xi32, #tpu.memory_space<vmem>> -> memref<1x128xi32, #tpu.memory_space<vmem>>
      %dma_wait3A_91 = tpu.memref_squeeze %dma_wait3A_90 : memref<1x128xi32, #tpu.memory_space<vmem>> -> memref<128xi32, #tpu.memory_space<vmem>>
      %dma_wait3A_92 = arith.constant 0 : i32
      %dma_wait3A_93 = arith.constant 0 : i32
      %dma_wait3A_94 = tpu.memref_slice %arg2[%dma_wait3A_92, %dma_wait3A_93] : memref<10000x128xf32, #tpu.memory_space<hbm>> -> memref<10000x128xf32, #tpu.memory_space<hbm>>
      tpu.wait_indirect_dma semaphore(%arg11 : memref<!tpu.dma_semaphore, #tpu.memory_space<semaphore_mem>>) src(%dma_wait3A_94 : memref<10000x128xf32, #tpu.memory_space<hbm>>) dst(%dma_wait3A_88 : memref<128x128xf32, #tpu.memory_space<vmem>>)
      %run_scoped3A = arith.constant 0 : i32
      "tpu.region"() ({
        %run_scoped3A_103 = tpu.sem_alloc : memref<!tpu.dma_semaphore, #tpu.memory_space<semaphore_mem>>
        %dma_start3A_104 = arith.constant 0 : i32
        %dma_start3A_105 = arith.constant 0 : i32
        %dma_start3A_106 = tpu.memref_slice %arg8[%run_scoped3A, %dma_start3A_104, %dma_start3A_105] : memref<1x128x128xf32, #tpu.memory_space<vmem>> -> memref<1x128x128xf32, #tpu.memory_space<vmem>>
        %dma_start3A_107 = tpu.memref_squeeze %dma_start3A_106 : memref<1x128x128xf32, #tpu.memory_space<vmem>> -> memref<128x128xf32, #tpu.memory_space<vmem>>
        %dma_start3A_108 = arith.constant 0 : i32
        %dma_start3A_109 = tpu.memref_slice %arg7[%add3A_84, %dma_start3A_108] : memref<40x128xi32, #tpu.memory_space<vmem>> -> memref<1x128xi32, #tpu.memory_space<vmem>>
        %dma_start3A_110 = tpu.memref_squeeze %dma_start3A_109 : memref<1x128xi32, #tpu.memory_space<vmem>> -> memref<128xi32, #tpu.memory_space<vmem>>
        %dma_start3A_111 = arith.constant 0 : i32
        %dma_start3A_112 = arith.constant 0 : i32
        %dma_start3A_113 = tpu.memref_slice %arg10[%dma_start3A_111, %dma_start3A_112] : memref<10008x128xf32, #tpu.memory_space<vmem_shared>> -> memref<10008x128xf32, #tpu.memory_space<vmem_shared>>
        tpu.enqueue_indirect_dma source(%dma_start3A_107 : memref<128x128xf32, #tpu.memory_space<vmem>>) target(%dma_start3A_113 : memref<10008x128xf32, #tpu.memory_space<vmem_shared>>) offsets(%dma_start3A_110 : memref<128xi32, #tpu.memory_space<vmem>>) semaphore(%run_scoped3A_103 : memref<!tpu.dma_semaphore, #tpu.memory_space<semaphore_mem>>) {add = true}
        %dma_wait3A_114 = arith.constant 0 : i32
        %dma_wait3A_115 = arith.constant 0 : i32
        %dma_wait3A_116 = tpu.memref_slice %arg8[%run_scoped3A, %dma_wait3A_114, %dma_wait3A_115] : memref<1x128x128xf32, #tpu.memory_space<vmem>> -> memref<1x128x128xf32, #tpu.memory_space<vmem>>
        %dma_wait3A_117 = tpu.memref_squeeze %dma_wait3A_116 : memref<1x128x128xf32, #tpu.memory_space<vmem>> -> memref<128x128xf32, #tpu.memory_space<vmem>>
        %dma_wait3A_118 = arith.constant 0 : i32
        %dma_wait3A_119 = tpu.memref_slice %arg7[%add3A_84, %dma_wait3A_118] : memref<40x128xi32, #tpu.memory_space<vmem>> -> memref<1x128xi32, #tpu.memory_space<vmem>>
        %dma_wait3A_120 = tpu.memref_squeeze %dma_wait3A_119 : memref<1x128xi32, #tpu.memory_space<vmem>> -> memref<128xi32, #tpu.memory_space<vmem>>
        %dma_wait3A_121 = arith.constant 0 : i32
        %dma_wait3A_122 = arith.constant 0 : i32
        %dma_wait3A_123 = tpu.memref_slice %arg10[%dma_wait3A_121, %dma_wait3A_122] : memref<10008x128xf32, #tpu.memory_space<vmem_shared>> -> memref<10008x128xf32, #tpu.memory_space<vmem_shared>>
        tpu.wait_indirect_dma semaphore(%run_scoped3A_103 : memref<!tpu.dma_semaphore, #tpu.memory_space<semaphore_mem>>) src(%dma_wait3A_117 : memref<128x128xf32, #tpu.memory_space<vmem>>) dst(%dma_wait3A_123 : memref<10008x128xf32, #tpu.memory_space<vmem_shared>>)
        tpu.yield
      }) : () -> ()
      %add3A_95 = arith.constant 1 : i32
      %add3A_96 = arith.addi %add3A_84, %add3A_95 : i32
      %lt3A_97 = arith.constant 40 : i32
      %lt3A_98 = arith.cmpi slt, %add3A_96, %lt3A_97 : i32
      %convert_element_type3A_99 = arith.extui %lt3A_98 : i1 to i32
      %cond3A_100 = arith.constant 0 : i32
      %cond3A_101 = arith.cmpi ne, %convert_element_type3A_99, %cond3A_100 : i32
      scf.if %cond3A_101 {
        %add3A_103 = arith.constant 1 : i32
        %add3A_104 = arith.addi %add3A_84, %add3A_103 : i32
        %dma_start3A_105 = arith.constant 0 : i32
        %dma_start3A_106 = arith.constant 0 : i32
        %dma_start3A_107 = arith.constant 0 : i32
        %dma_start3A_108 = tpu.memref_slice %arg8[%dma_start3A_105, %dma_start3A_106, %dma_start3A_107] : memref<1x128x128xf32, #tpu.memory_space<vmem>> -> memref<1x128x128xf32, #tpu.memory_space<vmem>>
        %dma_start3A_109 = tpu.memref_squeeze %dma_start3A_108 : memref<1x128x128xf32, #tpu.memory_space<vmem>> -> memref<128x128xf32, #tpu.memory_space<vmem>>
        %dma_start3A_110 = arith.constant 0 : i32
        %dma_start3A_111 = tpu.memref_slice %arg6[%add3A_104, %dma_start3A_110] : memref<40x128xi32, #tpu.memory_space<vmem>> -> memref<1x128xi32, #tpu.memory_space<vmem>>
        %dma_start3A_112 = tpu.memref_squeeze %dma_start3A_111 : memref<1x128xi32, #tpu.memory_space<vmem>> -> memref<128xi32, #tpu.memory_space<vmem>>
        %dma_start3A_113 = arith.constant 0 : i32
        %dma_start3A_114 = arith.constant 0 : i32
        %dma_start3A_115 = tpu.memref_slice %arg2[%dma_start3A_113, %dma_start3A_114] : memref<10000x128xf32, #tpu.memory_space<hbm>> -> memref<10000x128xf32, #tpu.memory_space<hbm>>
        tpu.enqueue_indirect_dma source(%dma_start3A_115 : memref<10000x128xf32, #tpu.memory_space<hbm>>) target(%dma_start3A_109 : memref<128x128xf32, #tpu.memory_space<vmem>>) offsets(%dma_start3A_112 : memref<128xi32, #tpu.memory_space<vmem>>) semaphore(%arg11 : memref<!tpu.dma_semaphore, #tpu.memory_space<semaphore_mem>>)
      } else {
      }
      %scan3A_102 = arith.constant 0 : i32
      scf.yield %scan3A_102 : i32
    }
    %scan3A_41 = arith.constant 40 : i32
    %mul3A_42 = arith.constant 80 : i32
    %mul3A_43 = arith.muli %add3A, %mul3A_42 : i32
    %add3A_44 = arith.constant 40 : i32
    %add3A_45 = arith.addi %mul3A_43, %add3A_44 : i32
    "tpu.region"() ({
      %run_scoped3A = tpu.sem_alloc : memref<!tpu.dma_semaphore, #tpu.memory_space<semaphore_mem>>
      %dma_start3A_79 = arith.constant 0 : i32
      %dma_start3A_80 = tpu.memref_slice %arg3[%add3A_45, %dma_start3A_79] : memref<2560x128xi32, #tpu.memory_space<hbm>> -> memref<40x128xi32, #tpu.memory_space<hbm>>
      %dma_start3A_81 = arith.constant 0 : i32
      %dma_start3A_82 = tpu.memref_slice %arg3[%add3A_45, %dma_start3A_81] : memref<2560x128xi32, #tpu.memory_space<hbm>> -> memref<40x128xi32, #tpu.memory_space<hbm>>
      tpu.enqueue_dma source(%dma_start3A_82 : memref<40x128xi32, #tpu.memory_space<hbm>>) target(%arg6 : memref<40x128xi32, #tpu.memory_space<vmem>>) target_semaphore(%run_scoped3A : memref<!tpu.dma_semaphore, #tpu.memory_space<semaphore_mem>>)
      %dma_wait3A = arith.constant 0 : i32
      %dma_wait3A_83 = tpu.memref_slice %arg3[%add3A_45, %dma_wait3A] : memref<2560x128xi32, #tpu.memory_space<hbm>> -> memref<40x128xi32, #tpu.memory_space<hbm>>
      %dma_wait3A_84 = arith.constant 0 : i32
      %dma_wait3A_85 = tpu.memref_slice %arg3[%add3A_45, %dma_wait3A_84] : memref<2560x128xi32, #tpu.memory_space<hbm>> -> memref<40x128xi32, #tpu.memory_space<hbm>>
      tpu.wait_dma2 semaphore(%run_scoped3A : memref<!tpu.dma_semaphore, #tpu.memory_space<semaphore_mem>>) src(%dma_wait3A_85 : memref<40x128xi32, #tpu.memory_space<hbm>>) dst(%arg6 : memref<40x128xi32, #tpu.memory_space<vmem>>)
      tpu.yield
    }) : () -> ()
    %mul3A_46 = arith.constant 80 : i32
    %mul3A_47 = arith.muli %add3A, %mul3A_46 : i32
    %add3A_48 = arith.constant 40 : i32
    %add3A_49 = arith.addi %mul3A_47, %add3A_48 : i32
    "tpu.region"() ({
      %run_scoped3A = tpu.sem_alloc : memref<!tpu.dma_semaphore, #tpu.memory_space<semaphore_mem>>
      %dma_start3A_79 = arith.constant 0 : i32
      %dma_start3A_80 = tpu.memref_slice %arg4[%add3A_49, %dma_start3A_79] : memref<2560x128xi32, #tpu.memory_space<hbm>> -> memref<40x128xi32, #tpu.memory_space<hbm>>
      %dma_start3A_81 = arith.constant 0 : i32
      %dma_start3A_82 = tpu.memref_slice %arg4[%add3A_49, %dma_start3A_81] : memref<2560x128xi32, #tpu.memory_space<hbm>> -> memref<40x128xi32, #tpu.memory_space<hbm>>
      tpu.enqueue_dma source(%dma_start3A_82 : memref<40x128xi32, #tpu.memory_space<hbm>>) target(%arg7 : memref<40x128xi32, #tpu.memory_space<vmem>>) target_semaphore(%run_scoped3A : memref<!tpu.dma_semaphore, #tpu.memory_space<semaphore_mem>>)
      %dma_wait3A = arith.constant 0 : i32
      %dma_wait3A_83 = tpu.memref_slice %arg4[%add3A_49, %dma_wait3A] : memref<2560x128xi32, #tpu.memory_space<hbm>> -> memref<40x128xi32, #tpu.memory_space<hbm>>
      %dma_wait3A_84 = arith.constant 0 : i32
      %dma_wait3A_85 = tpu.memref_slice %arg4[%add3A_49, %dma_wait3A_84] : memref<2560x128xi32, #tpu.memory_space<hbm>> -> memref<40x128xi32, #tpu.memory_space<hbm>>
      tpu.wait_dma2 semaphore(%run_scoped3A : memref<!tpu.dma_semaphore, #tpu.memory_space<semaphore_mem>>) src(%dma_wait3A_85 : memref<40x128xi32, #tpu.memory_space<hbm>>) dst(%arg7 : memref<40x128xi32, #tpu.memory_space<vmem>>)
      tpu.yield
    }) : () -> ()
    %dma_start3A_50 = arith.constant 0 : i32
    %dma_start3A_51 = arith.constant 0 : i32
    %dma_start3A_52 = arith.constant 0 : i32
    %dma_start3A_53 = arith.constant 0 : i32
    %dma_start3A_54 = tpu.memref_slice %arg8[%dma_start3A_51, %dma_start3A_52, %dma_start3A_53] : memref<1x128x128xf32, #tpu.memory_space<vmem>> -> memref<1x128x128xf32, #tpu.memory_space<vmem>>
    %dma_start3A_55 = tpu.memref_squeeze %dma_start3A_54 : memref<1x128x128xf32, #tpu.memory_space<vmem>> -> memref<128x128xf32, #tpu.memory_space<vmem>>
    %dma_start3A_56 = arith.constant 0 : i32
    %dma_start3A_57 = tpu.memref_slice %arg6[%dma_start3A_50, %dma_start3A_56] : memref<40x128xi32, #tpu.memory_space<vmem>> -> memref<1x128xi32, #tpu.memory_space<vmem>>
    %dma_start3A_58 = tpu.memref_squeeze %dma_start3A_57 : memref<1x128xi32, #tpu.memory_space<vmem>> -> memref<128xi32, #tpu.memory_space<vmem>>
    %dma_start3A_59 = arith.constant 0 : i32
    %dma_start3A_60 = arith.constant 0 : i32
    %dma_start3A_61 = tpu.memref_slice %arg2[%dma_start3A_59, %dma_start3A_60] : memref<10000x128xf32, #tpu.memory_space<hbm>> -> memref<10000x128xf32, #tpu.memory_space<hbm>>
    tpu.enqueue_indirect_dma source(%dma_start3A_61 : memref<10000x128xf32, #tpu.memory_space<hbm>>) target(%dma_start3A_55 : memref<128x128xf32, #tpu.memory_space<vmem>>) offsets(%dma_start3A_58 : memref<128xi32, #tpu.memory_space<vmem>>) semaphore(%arg11 : memref<!tpu.dma_semaphore, #tpu.memory_space<semaphore_mem>>)
    %scan3A_62 = arith.constant 0 : i32
    %scan3A_63 = arith.constant 0 : i32
    %scan3A_64 = arith.constant 40 : i32
    %scan3A_65 = arith.addi %scan3A_63, %scan3A_64 : i32
    %scan3A_66 = arith.constant 1 : i32
    %scan3A_67 = scf.for %scan3A_79 = %scan3A_63 to %scan3A_65 step %scan3A_66 iter_args(%scan3A_80 = %scan3A_62) -> (i32)  : i32 {
      %mul3A_81 = arith.constant 1 : i32
      %mul3A_82 = arith.muli %scan3A_79, %mul3A_81 : i32
      %add3A_83 = arith.constant 0 : i32
      %add3A_84 = arith.addi %mul3A_82, %add3A_83 : i32
      %dma_wait3A = arith.constant 0 : i32
      %dma_wait3A_85 = arith.constant 0 : i32
      %dma_wait3A_86 = arith.constant 0 : i32
      %dma_wait3A_87 = tpu.memref_slice %arg8[%dma_wait3A, %dma_wait3A_85, %dma_wait3A_86] : memref<1x128x128xf32, #tpu.memory_space<vmem>> -> memref<1x128x128xf32, #tpu.memory_space<vmem>>
      %dma_wait3A_88 = tpu.memref_squeeze %dma_wait3A_87 : memref<1x128x128xf32, #tpu.memory_space<vmem>> -> memref<128x128xf32, #tpu.memory_space<vmem>>
      %dma_wait3A_89 = arith.constant 0 : i32
      %dma_wait3A_90 = tpu.memref_slice %arg6[%add3A_84, %dma_wait3A_89] : memref<40x128xi32, #tpu.memory_space<vmem>> -> memref<1x128xi32, #tpu.memory_space<vmem>>
      %dma_wait3A_91 = tpu.memref_squeeze %dma_wait3A_90 : memref<1x128xi32, #tpu.memory_space<vmem>> -> memref<128xi32, #tpu.memory_space<vmem>>
      %dma_wait3A_92 = arith.constant 0 : i32
      %dma_wait3A_93 = arith.constant 0 : i32
      %dma_wait3A_94 = tpu.memref_slice %arg2[%dma_wait3A_92, %dma_wait3A_93] : memref<10000x128xf32, #tpu.memory_space<hbm>> -> memref<10000x128xf32, #tpu.memory_space<hbm>>
      tpu.wait_indirect_dma semaphore(%arg11 : memref<!tpu.dma_semaphore, #tpu.memory_space<semaphore_mem>>) src(%dma_wait3A_94 : memref<10000x128xf32, #tpu.memory_space<hbm>>) dst(%dma_wait3A_88 : memref<128x128xf32, #tpu.memory_space<vmem>>)
      %run_scoped3A = arith.constant 0 : i32
      "tpu.region"() ({
        %run_scoped3A_103 = tpu.sem_alloc : memref<!tpu.dma_semaphore, #tpu.memory_space<semaphore_mem>>
        %dma_start3A_104 = arith.constant 0 : i32
        %dma_start3A_105 = arith.constant 0 : i32
        %dma_start3A_106 = tpu.memref_slice %arg8[%run_scoped3A, %dma_start3A_104, %dma_start3A_105] : memref<1x128x128xf32, #tpu.memory_space<vmem>> -> memref<1x128x128xf32, #tpu.memory_space<vmem>>
        %dma_start3A_107 = tpu.memref_squeeze %dma_start3A_106 : memref<1x128x128xf32, #tpu.memory_space<vmem>> -> memref<128x128xf32, #tpu.memory_space<vmem>>
        %dma_start3A_108 = arith.constant 0 : i32
        %dma_start3A_109 = tpu.memref_slice %arg7[%add3A_84, %dma_start3A_108] : memref<40x128xi32, #tpu.memory_space<vmem>> -> memref<1x128xi32, #tpu.memory_space<vmem>>
        %dma_start3A_110 = tpu.memref_squeeze %dma_start3A_109 : memref<1x128xi32, #tpu.memory_space<vmem>> -> memref<128xi32, #tpu.memory_space<vmem>>
        %dma_start3A_111 = arith.constant 0 : i32
        %dma_start3A_112 = arith.constant 0 : i32
        %dma_start3A_113 = tpu.memref_slice %arg10[%dma_start3A_111, %dma_start3A_112] : memref<10008x128xf32, #tpu.memory_space<vmem_shared>> -> memref<10008x128xf32, #tpu.memory_space<vmem_shared>>
        tpu.enqueue_indirect_dma source(%dma_start3A_107 : memref<128x128xf32, #tpu.memory_space<vmem>>) target(%dma_start3A_113 : memref<10008x128xf32, #tpu.memory_space<vmem_shared>>) offsets(%dma_start3A_110 : memref<128xi32, #tpu.memory_space<vmem>>) semaphore(%run_scoped3A_103 : memref<!tpu.dma_semaphore, #tpu.memory_space<semaphore_mem>>) {add = true}
        %dma_wait3A_114 = arith.constant 0 : i32
        %dma_wait3A_115 = arith.constant 0 : i32
        %dma_wait3A_116 = tpu.memref_slice %arg8[%run_scoped3A, %dma_wait3A_114, %dma_wait3A_115] : memref<1x128x128xf32, #tpu.memory_space<vmem>> -> memref<1x128x128xf32, #tpu.memory_space<vmem>>
        %dma_wait3A_117 = tpu.memref_squeeze %dma_wait3A_116 : memref<1x128x128xf32, #tpu.memory_space<vmem>> -> memref<128x128xf32, #tpu.memory_space<vmem>>
        %dma_wait3A_118 = arith.constant 0 : i32
        %dma_wait3A_119 = tpu.memref_slice %arg7[%add3A_84, %dma_wait3A_118] : memref<40x128xi32, #tpu.memory_space<vmem>> -> memref<1x128xi32, #tpu.memory_space<vmem>>
        %dma_wait3A_120 = tpu.memref_squeeze %dma_wait3A_119 : memref<1x128xi32, #tpu.memory_space<vmem>> -> memref<128xi32, #tpu.memory_space<vmem>>
        %dma_wait3A_121 = arith.constant 0 : i32
        %dma_wait3A_122 = arith.constant 0 : i32
        %dma_wait3A_123 = tpu.memref_slice %arg10[%dma_wait3A_121, %dma_wait3A_122] : memref<10008x128xf32, #tpu.memory_space<vmem_shared>> -> memref<10008x128xf32, #tpu.memory_space<vmem_shared>>
        tpu.wait_indirect_dma semaphore(%run_scoped3A_103 : memref<!tpu.dma_semaphore, #tpu.memory_space<semaphore_mem>>) src(%dma_wait3A_117 : memref<128x128xf32, #tpu.memory_space<vmem>>) dst(%dma_wait3A_123 : memref<10008x128xf32, #tpu.memory_space<vmem_shared>>)
        tpu.yield
      }) : () -> ()
      %add3A_95 = arith.constant 1 : i32
      %add3A_96 = arith.addi %add3A_84, %add3A_95 : i32
      %lt3A_97 = arith.constant 40 : i32
      %lt3A_98 = arith.cmpi slt, %add3A_96, %lt3A_97 : i32
      %convert_element_type3A_99 = arith.extui %lt3A_98 : i1 to i32
      %cond3A_100 = arith.constant 0 : i32
      %cond3A_101 = arith.cmpi ne, %convert_element_type3A_99, %cond3A_100 : i32
      scf.if %cond3A_101 {
        %add3A_103 = arith.constant 1 : i32
        %add3A_104 = arith.addi %add3A_84, %add3A_103 : i32
        %dma_start3A_105 = arith.constant 0 : i32
        %dma_start3A_106 = arith.constant 0 : i32
        %dma_start3A_107 = arith.constant 0 : i32
        %dma_start3A_108 = tpu.memref_slice %arg8[%dma_start3A_105, %dma_start3A_106, %dma_start3A_107] : memref<1x128x128xf32, #tpu.memory_space<vmem>> -> memref<1x128x128xf32, #tpu.memory_space<vmem>>
        %dma_start3A_109 = tpu.memref_squeeze %dma_start3A_108 : memref<1x128x128xf32, #tpu.memory_space<vmem>> -> memref<128x128xf32, #tpu.memory_space<vmem>>
        %dma_start3A_110 = arith.constant 0 : i32
        %dma_start3A_111 = tpu.memref_slice %arg6[%add3A_104, %dma_start3A_110] : memref<40x128xi32, #tpu.memory_space<vmem>> -> memref<1x128xi32, #tpu.memory_space<vmem>>
        %dma_start3A_112 = tpu.memref_squeeze %dma_start3A_111 : memref<1x128xi32, #tpu.memory_space<vmem>> -> memref<128xi32, #tpu.memory_space<vmem>>
        %dma_start3A_113 = arith.constant 0 : i32
        %dma_start3A_114 = arith.constant 0 : i32
        %dma_start3A_115 = tpu.memref_slice %arg2[%dma_start3A_113, %dma_start3A_114] : memref<10000x128xf32, #tpu.memory_space<hbm>> -> memref<10000x128xf32, #tpu.memory_space<hbm>>
        tpu.enqueue_indirect_dma source(%dma_start3A_115 : memref<10000x128xf32, #tpu.memory_space<hbm>>) target(%dma_start3A_109 : memref<128x128xf32, #tpu.memory_space<vmem>>) offsets(%dma_start3A_112 : memref<128xi32, #tpu.memory_space<vmem>>) semaphore(%arg11 : memref<!tpu.dma_semaphore, #tpu.memory_space<semaphore_mem>>)
      } else {
      }
      %scan3A_102 = arith.constant 0 : i32
      scf.yield %scan3A_102 : i32
    }
    %scan3A_68 = arith.constant 40 : i32
    %barrier3A_69 = arith.constant 0 : index
    tpu.barrier barrier_id(%barrier3A_69)
    %lt3A = arith.constant 15 : i32
    %lt3A_70 = arith.cmpi slt, %arg1, %lt3A : i32
    %convert_element_type3A_71 = arith.extui %lt3A_70 : i1 to i32
    %cond3A_72 = arith.constant 0 : i32
    %cond3A_73 = arith.cmpi ne, %convert_element_type3A_71, %cond3A_72 : i32
    scf.if %cond3A_73 {
      %mul3A_79 = arith.constant 624 : i32
      %mul3A_80 = arith.muli %arg1, %mul3A_79 : i32
      %mul3A_81 = arith.constant 624 : i32
      %mul3A_82 = arith.muli %arg1, %mul3A_81 : i32
      "tpu.region"() ({
        %run_scoped3A = tpu.sem_alloc : memref<!tpu.dma_semaphore, #tpu.memory_space<semaphore_mem>>
        %dma_start3A_83 = arith.constant 0 : i32
        %dma_start3A_84 = tpu.memref_slice %arg5[%arg0, %mul3A_82, %dma_start3A_83] : memref<2x10000x128xf32, #tpu.memory_space<hbm>> -> memref<1x624x128xf32, #tpu.memory_space<hbm>>
        %dma_start3A_85 = tpu.memref_squeeze %dma_start3A_84 : memref<1x624x128xf32, #tpu.memory_space<hbm>> -> memref<624x128xf32, #tpu.memory_space<hbm>>
        %dma_start3A_86 = arith.constant 0 : i32
        %dma_start3A_87 = tpu.memref_slice %arg10[%mul3A_80, %dma_start3A_86] : memref<10008x128xf32, #tpu.memory_space<vmem_shared>> -> memref<624x128xf32, #tpu.memory_space<vmem_shared>>
        tpu.enqueue_dma source(%dma_start3A_87 : memref<624x128xf32, #tpu.memory_space<vmem_shared>>) target(%dma_start3A_85 : memref<624x128xf32, #tpu.memory_space<hbm>>) target_semaphore(%run_scoped3A : memref<!tpu.dma_semaphore, #tpu.memory_space<semaphore_mem>>)
        %dma_wait3A = arith.constant 0 : i32
        %dma_wait3A_88 = tpu.memref_slice %arg5[%arg0, %mul3A_82, %dma_wait3A] : memref<2x10000x128xf32, #tpu.memory_space<hbm>> -> memref<1x624x128xf32, #tpu.memory_space<hbm>>
        %dma_wait3A_89 = tpu.memref_squeeze %dma_wait3A_88 : memref<1x624x128xf32, #tpu.memory_space<hbm>> -> memref<624x128xf32, #tpu.memory_space<hbm>>
        %dma_wait3A_90 = arith.constant 0 : i32
        %dma_wait3A_91 = tpu.memref_slice %arg10[%mul3A_80, %dma_wait3A_90] : memref<10008x128xf32, #tpu.memory_space<vmem_shared>> -> memref<624x128xf32, #tpu.memory_space<vmem_shared>>
        tpu.wait_dma2 semaphore(%run_scoped3A : memref<!tpu.dma_semaphore, #tpu.memory_space<semaphore_mem>>) src(%dma_wait3A_91 : memref<624x128xf32, #tpu.memory_space<vmem_shared>>) dst(%dma_wait3A_89 : memref<624x128xf32, #tpu.memory_space<hbm>>)
        tpu.yield
      }) : () -> ()
    } else {
    }
    %eq3A_74 = arith.constant 15 : i32
    %eq3A_75 = arith.cmpi eq, %arg1, %eq3A_74 : i32
    %convert_element_type3A_76 = arith.extui %eq3A_75 : i1 to i32
    %cond3A_77 = arith.constant 0 : i32
    %cond3A_78 = arith.cmpi ne, %convert_element_type3A_76, %cond3A_77 : i32
    scf.if %cond3A_78 {
      "tpu.region"() ({
        %run_scoped3A = tpu.sem_alloc : memref<!tpu.dma_semaphore, #tpu.memory_space<semaphore_mem>>
        %dma_start3A_79 = arith.constant 9360 : i32
        %dma_start3A_80 = arith.constant 0 : i32
        %dma_start3A_81 = tpu.memref_slice %arg5[%arg0, %dma_start3A_79, %dma_start3A_80] : memref<2x10000x128xf32, #tpu.memory_space<hbm>> -> memref<1x640x128xf32, #tpu.memory_space<hbm>>
        %dma_start3A_82 = tpu.memref_squeeze %dma_start3A_81 : memref<1x640x128xf32, #tpu.memory_space<hbm>> -> memref<640x128xf32, #tpu.memory_space<hbm>>
        %dma_start3A_83 = arith.constant 9360 : i32
        %dma_start3A_84 = arith.constant 0 : i32
        %dma_start3A_85 = tpu.memref_slice %arg10[%dma_start3A_83, %dma_start3A_84] : memref<10008x128xf32, #tpu.memory_space<vmem_shared>> -> memref<640x128xf32, #tpu.memory_space<vmem_shared>>
        tpu.enqueue_dma source(%dma_start3A_85 : memref<640x128xf32, #tpu.memory_space<vmem_shared>>) target(%dma_start3A_82 : memref<640x128xf32, #tpu.memory_space<hbm>>) target_semaphore(%run_scoped3A : memref<!tpu.dma_semaphore, #tpu.memory_space<semaphore_mem>>)
        %dma_wait3A = arith.constant 9360 : i32
        %dma_wait3A_86 = arith.constant 0 : i32
        %dma_wait3A_87 = tpu.memref_slice %arg5[%arg0, %dma_wait3A, %dma_wait3A_86] : memref<2x10000x128xf32, #tpu.memory_space<hbm>> -> memref<1x640x128xf32, #tpu.memory_space<hbm>>
        %dma_wait3A_88 = tpu.memref_squeeze %dma_wait3A_87 : memref<1x640x128xf32, #tpu.memory_space<hbm>> -> memref<640x128xf32, #tpu.memory_space<hbm>>
        %dma_wait3A_89 = arith.constant 9360 : i32
        %dma_wait3A_90 = arith.constant 0 : i32
        %dma_wait3A_91 = tpu.memref_slice %arg10[%dma_wait3A_89, %dma_wait3A_90] : memref<10008x128xf32, #tpu.memory_space<vmem_shared>> -> memref<640x128xf32, #tpu.memory_space<vmem_shared>>
        tpu.wait_dma2 semaphore(%run_scoped3A : memref<!tpu.dma_semaphore, #tpu.memory_space<semaphore_mem>>) src(%dma_wait3A_91 : memref<640x128xf32, #tpu.memory_space<vmem_shared>>) dst(%dma_wait3A_88 : memref<640x128xf32, #tpu.memory_space<hbm>>)
        tpu.yield
      }) : () -> ()
    } else {
    }
    return
  }
}

#map = affine_map<(d0, d1) -> (0, 0)>
#map1 = affine_map<(d0, d1) -> (0, 0, 0)>
module attributes {stable_mosaic.version = 14 : i64} {
  func.func @_seg_sum_body(%arg0: i32, %arg1: i32, %arg2: memref<10000x128xf32, #tpu.memory_space<hbm>>, %arg3: memref<2560x128xi32, #tpu.memory_space<hbm>>, %arg4: memref<2560x128xi32, #tpu.memory_space<hbm>>, %arg5: memref<2x10000x128xf32, #tpu.memory_space<hbm>>, %arg6: memref<40x128xi32, #tpu.memory_space<vmem>>, %arg7: memref<40x128xi32, #tpu.memory_space<vmem>>, %arg8: memref<1x128x128xf32, #tpu.memory_space<vmem>>, %arg9: memref<8x128xf32, #tpu.memory_space<vmem>>, %arg10: memref<10008x128xf32, #tpu.memory_space<vmem_shared>>, %arg11: memref<!tpu.dma_semaphore, #tpu.memory_space<semaphore_mem>>, %arg12: memref<!tpu.dma_semaphore, #tpu.memory_space<semaphore_mem>>) attributes {dimension_semantics = [#tpu.dimension_semantics<core_parallel>, #tpu.dimension_semantics<subcore_parallel>], iteration_bounds = array<i64: 2, 16>, scalar_prefetch = 0 : i64, scratch_operands = 7 : i64, tpu.core_type = #tpu.core_type<sc_vector_subcore>, window_params = [{transform_indices = #map}, {transform_indices = #map}, {transform_indices = #map}, {transform_indices = #map1}]} {
    %mul3A = arith.constant 2 : i32
    %mul3A_0 = arith.muli %arg1, %mul3A : i32
    %add3A = arith.addi %mul3A_0, %arg0 : i32
    %scan3A = arith.constant 0 : i32
    %scan3A_1 = arith.constant 0 : i32
    %scan3A_2 = arith.constant 64 : i32
    %scan3A_3 = arith.addi %scan3A_1, %scan3A_2 : i32
    %scan3A_4 = arith.constant 1 : i32
    %scan3A_5 = scf.for %scan3A_79 = %scan3A_1 to %scan3A_3 step %scan3A_4 iter_args(%scan3A_80 = %scan3A) -> (i32)  : i32 {
      %broadcast_in_dim3A = arith.constant 0.000000e+00 : f32
      %broadcast_in_dim3A_81 = vector.broadcast %broadcast_in_dim3A : f32 to vector<16xf32>
      %jit3A = arith.constant 8 : i32
      %div3A = arith.divsi %scan3A_79, %jit3A : i32
      %sign3A = arith.constant 0 : i32
      %sign3A_82 = arith.cmpi sgt, %scan3A_79, %sign3A : i32
      %sign3A_83 = arith.extui %sign3A_82 : i1 to i32
      %sign3A_84 = arith.constant 0 : i32
      %sign3A_85 = arith.cmpi slt, %scan3A_79, %sign3A_84 : i32
      %sign3A_86 = arith.extui %sign3A_85 : i1 to i32
      %sign3A_87 = arith.subi %sign3A_83, %sign3A_86 : i32
      %sign3A_88 = arith.constant 0 : i32
      %sign3A_89 = arith.cmpi sgt, %jit3A, %sign3A_88 : i32
      %sign3A_90 = arith.extui %sign3A_89 : i1 to i32
      %sign3A_91 = arith.constant 0 : i32
      %sign3A_92 = arith.cmpi slt, %jit3A, %sign3A_91 : i32
      %sign3A_93 = arith.extui %sign3A_92 : i1 to i32
      %sign3A_94 = arith.subi %sign3A_90, %sign3A_93 : i32
      %ne3A = arith.cmpi ne, %sign3A_87, %sign3A_94 : i32
      %rem3A = arith.remsi %scan3A_79, %jit3A : i32
      %ne3A_95 = arith.constant 0 : i32
      %ne3A_96 = arith.cmpi ne, %rem3A, %ne3A_95 : i32
      %and3A = arith.andi %ne3A, %ne3A_96 : i1
      %sub3A = arith.constant 1 : i32
      %sub3A_97 = arith.subi %div3A, %sub3A : i32
      %select_n3A = arith.select %and3A, %sub3A_97, %div3A : i32
      %jit3A_98 = arith.constant 8 : i32
      %eq3A_99 = arith.constant 0 : i32
      %eq3A_100 = arith.cmpi eq, %jit3A_98, %eq3A_99 : i32
      %jit3A_101 = arith.constant 1 : i32
      %select_n3A_102 = arith.select %eq3A_100, %jit3A_101, %jit3A_98 : i32
      %rem3A_103 = arith.remsi %scan3A_79, %select_n3A_102 : i32
      %ne3A_104 = arith.constant 0 : i32
      %ne3A_105 = arith.cmpi ne, %rem3A_103, %ne3A_104 : i32
      %lt3A_106 = arith.constant 0 : i32
      %lt3A_107 = arith.cmpi slt, %rem3A_103, %lt3A_106 : i32
      %lt3A_108 = arith.constant 0 : i32
      %lt3A_109 = arith.cmpi slt, %select_n3A_102, %lt3A_108 : i32
      %ne3A_110 = arith.xori %lt3A_107, %lt3A_109 : i1
      %and3A_111 = arith.andi %ne3A_110, %ne3A_105 : i1
      %add3A_112 = arith.addi %rem3A_103, %select_n3A_102 : i32
      %select_n3A_113 = arith.select %and3A_111, %add3A_112, %rem3A_103 : i32
      %mul3A_114 = arith.constant 16 : i32
      %mul3A_115 = arith.muli %select_n3A_113, %mul3A_114 : i32
      %swap3A = arith.index_cast %select_n3A : i32 to index
      %swap3A_116 = arith.index_cast %mul3A_115 : i32 to index
      %swap3A_117 = tpu.vector_load %arg9[%swap3A, %swap3A_116] {strides = array<i32>} : memref<8x128xf32, #tpu.memory_space<vmem>>, vector<1x16xf32>,
      %swap3A_118 = vector.shape_cast %swap3A_117 : vector<1x16xf32> to vector<16xf32>
      %swap3A_119 = vector.shape_cast %broadcast_in_dim3A_81 : vector<16xf32> to vector<1x16xf32>
      tpu.vector_store %arg9[%swap3A, %swap3A_116], %swap3A_119 {strides = array<i32>} : memref<8x128xf32, #tpu.memory_space<vmem>>, vector<1x16xf32>,
      %scan3A_120 = arith.constant 0 : i32
      scf.yield %scan3A_120 : i32
    }
    %scan3A_6 = arith.constant 64 : i32
    %scan3A_7 = arith.constant 0 : i32
    %scan3A_8 = arith.constant 0 : i32
    %scan3A_9 = arith.constant 78 : i32
    %scan3A_10 = arith.addi %scan3A_8, %scan3A_9 : i32
    %scan3A_11 = arith.constant 1 : i32
    %scan3A_12 = scf.for %scan3A_79 = %scan3A_8 to %scan3A_10 step %scan3A_11 iter_args(%scan3A_80 = %scan3A_7) -> (i32)  : i32 {
      %mul3A_81 = arith.constant 624 : i32
      %mul3A_82 = arith.muli %arg1, %mul3A_81 : i32
      %mul3A_83 = arith.constant 8 : i32
      %mul3A_84 = arith.muli %scan3A_79, %mul3A_83 : i32
      %add3A_85 = arith.addi %mul3A_82, %mul3A_84 : i32
      "tpu.region"() ({
        %run_scoped3A = tpu.sem_alloc : memref<!tpu.dma_semaphore, #tpu.memory_space<semaphore_mem>>
        %dma_start3A_87 = arith.constant 0 : i32
        %dma_start3A_88 = tpu.memref_slice %arg10[%add3A_85, %dma_start3A_87] : memref<10008x128xf32, #tpu.memory_space<vmem_shared>> -> memref<8x128xf32, #tpu.memory_space<vmem_shared>>
        %dma_start3A_89 = arith.constant 0 : i32
        %dma_start3A_90 = tpu.memref_slice %arg10[%add3A_85, %dma_start3A_89] : memref<10008x128xf32, #tpu.memory_space<vmem_shared>> -> memref<8x128xf32, #tpu.memory_space<vmem_shared>>
        tpu.enqueue_dma source(%arg9 : memref<8x128xf32, #tpu.memory_space<vmem>>) target(%dma_start3A_90 : memref<8x128xf32, #tpu.memory_space<vmem_shared>>) target_semaphore(%run_scoped3A : memref<!tpu.dma_semaphore, #tpu.memory_space<semaphore_mem>>)
        %dma_wait3A = arith.constant 0 : i32
        %dma_wait3A_91 = tpu.memref_slice %arg10[%add3A_85, %dma_wait3A] : memref<10008x128xf32, #tpu.memory_space<vmem_shared>> -> memref<8x128xf32, #tpu.memory_space<vmem_shared>>
        %dma_wait3A_92 = arith.constant 0 : i32
        %dma_wait3A_93 = tpu.memref_slice %arg10[%add3A_85, %dma_wait3A_92] : memref<10008x128xf32, #tpu.memory_space<vmem_shared>> -> memref<8x128xf32, #tpu.memory_space<vmem_shared>>
        tpu.wait_dma2 semaphore(%run_scoped3A : memref<!tpu.dma_semaphore, #tpu.memory_space<semaphore_mem>>) src(%arg9 : memref<8x128xf32, #tpu.memory_space<vmem>>) dst(%dma_wait3A_93 : memref<8x128xf32, #tpu.memory_space<vmem_shared>>)
        tpu.yield
      }) : () -> ()
      %scan3A_86 = arith.constant 0 : i32
      scf.yield %scan3A_86 : i32
    }
    %scan3A_13 = arith.constant 78 : i32
    %eq3A = arith.constant 15 : i32
    %eq3A_14 = arith.cmpi eq, %arg1, %eq3A : i32
    %convert_element_type3A = arith.extui %eq3A_14 : i1 to i32
    %cond3A = arith.constant 0 : i32
    %cond3A_15 = arith.cmpi ne, %convert_element_type3A, %cond3A : i32
    scf.if %cond3A_15 {
      %scan3A_79 = arith.constant 0 : i32
      %scan3A_80 = arith.constant 0 : i32
      %scan3A_81 = arith.constant 3 : i32
      %scan3A_82 = arith.addi %scan3A_80, %scan3A_81 : i32
      %scan3A_83 = arith.constant 1 : i32
      %scan3A_84 = scf.for %scan3A_86 = %scan3A_80 to %scan3A_82 step %scan3A_83 iter_args(%scan3A_87 = %scan3A_79) -> (i32)  : i32 {
        %mul3A_88 = arith.constant 8 : i32
        %mul3A_89 = arith.muli %scan3A_86, %mul3A_88 : i32
        %add3A_90 = arith.constant 9984 : i32
        %add3A_91 = arith.addi %add3A_90, %mul3A_89 : i32
        "tpu.region"() ({
          %run_scoped3A = tpu.sem_alloc : memref<!tpu.dma_semaphore, #tpu.memory_space<semaphore_mem>>
          %dma_start3A_93 = arith.constant 0 : i32
          %dma_start3A_94 = tpu.memref_slice %arg10[%add3A_91, %dma_start3A_93] : memref<10008x128xf32, #tpu.memory_space<vmem_shared>> -> memref<8x128xf32, #tpu.memory_space<vmem_shared>>
          %dma_start3A_95 = arith.constant 0 : i32
          %dma_start3A_96 = tpu.memref_slice %arg10[%add3A_91, %dma_start3A_95] : memref<10008x128xf32, #tpu.memory_space<vmem_shared>> -> memref<8x128xf32, #tpu.memory_space<vmem_shared>>
          tpu.enqueue_dma source(%arg9 : memref<8x128xf32, #tpu.memory_space<vmem>>) target(%dma_start3A_96 : memref<8x128xf32, #tpu.memory_space<vmem_shared>>) target_semaphore(%run_scoped3A : memref<!tpu.dma_semaphore, #tpu.memory_space<semaphore_mem>>)
          %dma_wait3A = arith.constant 0 : i32
          %dma_wait3A_97 = tpu.memref_slice %arg10[%add3A_91, %dma_wait3A] : memref<10008x128xf32, #tpu.memory_space<vmem_shared>> -> memref<8x128xf32, #tpu.memory_space<vmem_shared>>
          %dma_wait3A_98 = arith.constant 0 : i32
          %dma_wait3A_99 = tpu.memref_slice %arg10[%add3A_91, %dma_wait3A_98] : memref<10008x128xf32, #tpu.memory_space<vmem_shared>> -> memref<8x128xf32, #tpu.memory_space<vmem_shared>>
          tpu.wait_dma2 semaphore(%run_scoped3A : memref<!tpu.dma_semaphore, #tpu.memory_space<semaphore_mem>>) src(%arg9 : memref<8x128xf32, #tpu.memory_space<vmem>>) dst(%dma_wait3A_99 : memref<8x128xf32, #tpu.memory_space<vmem_shared>>)
          tpu.yield
        }) : () -> ()
        %scan3A_92 = arith.constant 0 : i32
        scf.yield %scan3A_92 : i32
      }
      %scan3A_85 = arith.constant 3 : i32
    } else {
    }
    %barrier3A = arith.constant 0 : index
    tpu.barrier barrier_id(%barrier3A)
    %mul3A_16 = arith.constant 80 : i32
    %mul3A_17 = arith.muli %add3A, %mul3A_16 : i32
    %add3A_18 = arith.constant 0 : i32
    %add3A_19 = arith.addi %mul3A_17, %add3A_18 : i32
    "tpu.region"() ({
      %run_scoped3A = tpu.sem_alloc : memref<!tpu.dma_semaphore, #tpu.memory_space<semaphore_mem>>
      %dma_start3A_79 = arith.constant 0 : i32
      %dma_start3A_80 = tpu.memref_slice %arg3[%add3A_19, %dma_start3A_79] : memref<2560x128xi32, #tpu.memory_space<hbm>> -> memref<40x128xi32, #tpu.memory_space<hbm>>
      %dma_start3A_81 = arith.constant 0 : i32
      %dma_start3A_82 = tpu.memref_slice %arg3[%add3A_19, %dma_start3A_81] : memref<2560x128xi32, #tpu.memory_space<hbm>> -> memref<40x128xi32, #tpu.memory_space<hbm>>
      tpu.enqueue_dma source(%dma_start3A_82 : memref<40x128xi32, #tpu.memory_space<hbm>>) target(%arg6 : memref<40x128xi32, #tpu.memory_space<vmem>>) target_semaphore(%run_scoped3A : memref<!tpu.dma_semaphore, #tpu.memory_space<semaphore_mem>>)
      %dma_wait3A = arith.constant 0 : i32
      %dma_wait3A_83 = tpu.memref_slice %arg3[%add3A_19, %dma_wait3A] : memref<2560x128xi32, #tpu.memory_space<hbm>> -> memref<40x128xi32, #tpu.memory_space<hbm>>
      %dma_wait3A_84 = arith.constant 0 : i32
      %dma_wait3A_85 = tpu.memref_slice %arg3[%add3A_19, %dma_wait3A_84] : memref<2560x128xi32, #tpu.memory_space<hbm>> -> memref<40x128xi32, #tpu.memory_space<hbm>>
      tpu.wait_dma2 semaphore(%run_scoped3A : memref<!tpu.dma_semaphore, #tpu.memory_space<semaphore_mem>>) src(%dma_wait3A_85 : memref<40x128xi32, #tpu.memory_space<hbm>>) dst(%arg6 : memref<40x128xi32, #tpu.memory_space<vmem>>)
      tpu.yield
    }) : () -> ()
    %mul3A_20 = arith.constant 80 : i32
    %mul3A_21 = arith.muli %add3A, %mul3A_20 : i32
    %add3A_22 = arith.constant 0 : i32
    %add3A_23 = arith.addi %mul3A_21, %add3A_22 : i32
    "tpu.region"() ({
      %run_scoped3A = tpu.sem_alloc : memref<!tpu.dma_semaphore, #tpu.memory_space<semaphore_mem>>
      %dma_start3A_79 = arith.constant 0 : i32
      %dma_start3A_80 = tpu.memref_slice %arg4[%add3A_23, %dma_start3A_79] : memref<2560x128xi32, #tpu.memory_space<hbm>> -> memref<40x128xi32, #tpu.memory_space<hbm>>
      %dma_start3A_81 = arith.constant 0 : i32
      %dma_start3A_82 = tpu.memref_slice %arg4[%add3A_23, %dma_start3A_81] : memref<2560x128xi32, #tpu.memory_space<hbm>> -> memref<40x128xi32, #tpu.memory_space<hbm>>
      tpu.enqueue_dma source(%dma_start3A_82 : memref<40x128xi32, #tpu.memory_space<hbm>>) target(%arg7 : memref<40x128xi32, #tpu.memory_space<vmem>>) target_semaphore(%run_scoped3A : memref<!tpu.dma_semaphore, #tpu.memory_space<semaphore_mem>>)
      %dma_wait3A = arith.constant 0 : i32
      %dma_wait3A_83 = tpu.memref_slice %arg4[%add3A_23, %dma_wait3A] : memref<2560x128xi32, #tpu.memory_space<hbm>> -> memref<40x128xi32, #tpu.memory_space<hbm>>
      %dma_wait3A_84 = arith.constant 0 : i32
      %dma_wait3A_85 = tpu.memref_slice %arg4[%add3A_23, %dma_wait3A_84] : memref<2560x128xi32, #tpu.memory_space<hbm>> -> memref<40x128xi32, #tpu.memory_space<hbm>>
      tpu.wait_dma2 semaphore(%run_scoped3A : memref<!tpu.dma_semaphore, #tpu.memory_space<semaphore_mem>>) src(%dma_wait3A_85 : memref<40x128xi32, #tpu.memory_space<hbm>>) dst(%arg7 : memref<40x128xi32, #tpu.memory_space<vmem>>)
      tpu.yield
    }) : () -> ()
    %dma_start3A = arith.constant 0 : i32
    %dma_start3A_24 = arith.constant 0 : i32
    %dma_start3A_25 = arith.constant 0 : i32
    %dma_start3A_26 = arith.constant 0 : i32
    %dma_start3A_27 = tpu.memref_slice %arg8[%dma_start3A_24, %dma_start3A_25, %dma_start3A_26] : memref<1x128x128xf32, #tpu.memory_space<vmem>> -> memref<1x128x128xf32, #tpu.memory_space<vmem>>
    %dma_start3A_28 = tpu.memref_squeeze %dma_start3A_27 : memref<1x128x128xf32, #tpu.memory_space<vmem>> -> memref<128x128xf32, #tpu.memory_space<vmem>>
    %dma_start3A_29 = arith.constant 0 : i32
    %dma_start3A_30 = tpu.memref_slice %arg6[%dma_start3A, %dma_start3A_29] : memref<40x128xi32, #tpu.memory_space<vmem>> -> memref<1x128xi32, #tpu.memory_space<vmem>>
    %dma_start3A_31 = tpu.memref_squeeze %dma_start3A_30 : memref<1x128xi32, #tpu.memory_space<vmem>> -> memref<128xi32, #tpu.memory_space<vmem>>
    %dma_start3A_32 = arith.constant 0 : i32
    %dma_start3A_33 = arith.constant 0 : i32
    %dma_start3A_34 = tpu.memref_slice %arg2[%dma_start3A_32, %dma_start3A_33] : memref<10000x128xf32, #tpu.memory_space<hbm>> -> memref<10000x128xf32, #tpu.memory_space<hbm>>
    tpu.enqueue_indirect_dma source(%dma_start3A_34 : memref<10000x128xf32, #tpu.memory_space<hbm>>) target(%dma_start3A_28 : memref<128x128xf32, #tpu.memory_space<vmem>>) offsets(%dma_start3A_31 : memref<128xi32, #tpu.memory_space<vmem>>) semaphore(%arg11 : memref<!tpu.dma_semaphore, #tpu.memory_space<semaphore_mem>>)
    %scan3A_35 = arith.constant 0 : i32
    %scan3A_36 = arith.constant 0 : i32
    %scan3A_37 = arith.constant 40 : i32
    %scan3A_38 = arith.addi %scan3A_36, %scan3A_37 : i32
    %scan3A_39 = arith.constant 1 : i32
    %scan3A_40 = scf.for %scan3A_79 = %scan3A_36 to %scan3A_38 step %scan3A_39 iter_args(%scan3A_80 = %scan3A_35) -> (i32)  : i32 {
      %mul3A_81 = arith.constant 1 : i32
      %mul3A_82 = arith.muli %scan3A_79, %mul3A_81 : i32
      %add3A_83 = arith.constant 0 : i32
      %add3A_84 = arith.addi %mul3A_82, %add3A_83 : i32
      %dma_wait3A = arith.constant 0 : i32
      %dma_wait3A_85 = arith.constant 0 : i32
      %dma_wait3A_86 = arith.constant 0 : i32
      %dma_wait3A_87 = tpu.memref_slice %arg8[%dma_wait3A, %dma_wait3A_85, %dma_wait3A_86] : memref<1x128x128xf32, #tpu.memory_space<vmem>> -> memref<1x128x128xf32, #tpu.memory_space<vmem>>
      %dma_wait3A_88 = tpu.memref_squeeze %dma_wait3A_87 : memref<1x128x128xf32, #tpu.memory_space<vmem>> -> memref<128x128xf32, #tpu.memory_space<vmem>>
      %dma_wait3A_89 = arith.constant 0 : i32
      %dma_wait3A_90 = tpu.memref_slice %arg6[%add3A_84, %dma_wait3A_89] : memref<40x128xi32, #tpu.memory_space<vmem>> -> memref<1x128xi32, #tpu.memory_space<vmem>>
      %dma_wait3A_91 = tpu.memref_squeeze %dma_wait3A_90 : memref<1x128xi32, #tpu.memory_space<vmem>> -> memref<128xi32, #tpu.memory_space<vmem>>
      %dma_wait3A_92 = arith.constant 0 : i32
      %dma_wait3A_93 = arith.constant 0 : i32
      %dma_wait3A_94 = tpu.memref_slice %arg2[%dma_wait3A_92, %dma_wait3A_93] : memref<10000x128xf32, #tpu.memory_space<hbm>> -> memref<10000x128xf32, #tpu.memory_space<hbm>>
      tpu.wait_indirect_dma semaphore(%arg11 : memref<!tpu.dma_semaphore, #tpu.memory_space<semaphore_mem>>) src(%dma_wait3A_94 : memref<10000x128xf32, #tpu.memory_space<hbm>>) dst(%dma_wait3A_88 : memref<128x128xf32, #tpu.memory_space<vmem>>)
      %run_scoped3A = arith.constant 0 : i32
      "tpu.region"() ({
        %run_scoped3A_103 = tpu.sem_alloc : memref<!tpu.dma_semaphore, #tpu.memory_space<semaphore_mem>>
        %dma_start3A_104 = arith.constant 0 : i32
        %dma_start3A_105 = arith.constant 0 : i32
        %dma_start3A_106 = tpu.memref_slice %arg8[%run_scoped3A, %dma_start3A_104, %dma_start3A_105] : memref<1x128x128xf32, #tpu.memory_space<vmem>> -> memref<1x128x128xf32, #tpu.memory_space<vmem>>
        %dma_start3A_107 = tpu.memref_squeeze %dma_start3A_106 : memref<1x128x128xf32, #tpu.memory_space<vmem>> -> memref<128x128xf32, #tpu.memory_space<vmem>>
        %dma_start3A_108 = arith.constant 0 : i32
        %dma_start3A_109 = tpu.memref_slice %arg7[%add3A_84, %dma_start3A_108] : memref<40x128xi32, #tpu.memory_space<vmem>> -> memref<1x128xi32, #tpu.memory_space<vmem>>
        %dma_start3A_110 = tpu.memref_squeeze %dma_start3A_109 : memref<1x128xi32, #tpu.memory_space<vmem>> -> memref<128xi32, #tpu.memory_space<vmem>>
        %dma_start3A_111 = arith.constant 0 : i32
        %dma_start3A_112 = arith.constant 0 : i32
        %dma_start3A_113 = tpu.memref_slice %arg10[%dma_start3A_111, %dma_start3A_112] : memref<10008x128xf32, #tpu.memory_space<vmem_shared>> -> memref<10008x128xf32, #tpu.memory_space<vmem_shared>>
        tpu.enqueue_indirect_dma source(%dma_start3A_107 : memref<128x128xf32, #tpu.memory_space<vmem>>) target(%dma_start3A_113 : memref<10008x128xf32, #tpu.memory_space<vmem_shared>>) offsets(%dma_start3A_110 : memref<128xi32, #tpu.memory_space<vmem>>) semaphore(%run_scoped3A_103 : memref<!tpu.dma_semaphore, #tpu.memory_space<semaphore_mem>>) {add = true}
        %dma_wait3A_114 = arith.constant 0 : i32
        %dma_wait3A_115 = arith.constant 0 : i32
        %dma_wait3A_116 = tpu.memref_slice %arg8[%run_scoped3A, %dma_wait3A_114, %dma_wait3A_115] : memref<1x128x128xf32, #tpu.memory_space<vmem>> -> memref<1x128x128xf32, #tpu.memory_space<vmem>>
        %dma_wait3A_117 = tpu.memref_squeeze %dma_wait3A_116 : memref<1x128x128xf32, #tpu.memory_space<vmem>> -> memref<128x128xf32, #tpu.memory_space<vmem>>
        %dma_wait3A_118 = arith.constant 0 : i32
        %dma_wait3A_119 = tpu.memref_slice %arg7[%add3A_84, %dma_wait3A_118] : memref<40x128xi32, #tpu.memory_space<vmem>> -> memref<1x128xi32, #tpu.memory_space<vmem>>
        %dma_wait3A_120 = tpu.memref_squeeze %dma_wait3A_119 : memref<1x128xi32, #tpu.memory_space<vmem>> -> memref<128xi32, #tpu.memory_space<vmem>>
        %dma_wait3A_121 = arith.constant 0 : i32
        %dma_wait3A_122 = arith.constant 0 : i32
        %dma_wait3A_123 = tpu.memref_slice %arg10[%dma_wait3A_121, %dma_wait3A_122] : memref<10008x128xf32, #tpu.memory_space<vmem_shared>> -> memref<10008x128xf32, #tpu.memory_space<vmem_shared>>
        tpu.wait_indirect_dma semaphore(%run_scoped3A_103 : memref<!tpu.dma_semaphore, #tpu.memory_space<semaphore_mem>>) src(%dma_wait3A_117 : memref<128x128xf32, #tpu.memory_space<vmem>>) dst(%dma_wait3A_123 : memref<10008x128xf32, #tpu.memory_space<vmem_shared>>)
        tpu.yield
      }) : () -> ()
      %add3A_95 = arith.constant 1 : i32
      %add3A_96 = arith.addi %add3A_84, %add3A_95 : i32
      %lt3A_97 = arith.constant 40 : i32
      %lt3A_98 = arith.cmpi slt, %add3A_96, %lt3A_97 : i32
      %convert_element_type3A_99 = arith.extui %lt3A_98 : i1 to i32
      %cond3A_100 = arith.constant 0 : i32
      %cond3A_101 = arith.cmpi ne, %convert_element_type3A_99, %cond3A_100 : i32
      scf.if %cond3A_101 {
        %add3A_103 = arith.constant 1 : i32
        %add3A_104 = arith.addi %add3A_84, %add3A_103 : i32
        %dma_start3A_105 = arith.constant 0 : i32
        %dma_start3A_106 = arith.constant 0 : i32
        %dma_start3A_107 = arith.constant 0 : i32
        %dma_start3A_108 = tpu.memref_slice %arg8[%dma_start3A_105, %dma_start3A_106, %dma_start3A_107] : memref<1x128x128xf32, #tpu.memory_space<vmem>> -> memref<1x128x128xf32, #tpu.memory_space<vmem>>
        %dma_start3A_109 = tpu.memref_squeeze %dma_start3A_108 : memref<1x128x128xf32, #tpu.memory_space<vmem>> -> memref<128x128xf32, #tpu.memory_space<vmem>>
        %dma_start3A_110 = arith.constant 0 : i32
        %dma_start3A_111 = tpu.memref_slice %arg6[%add3A_104, %dma_start3A_110] : memref<40x128xi32, #tpu.memory_space<vmem>> -> memref<1x128xi32, #tpu.memory_space<vmem>>
        %dma_start3A_112 = tpu.memref_squeeze %dma_start3A_111 : memref<1x128xi32, #tpu.memory_space<vmem>> -> memref<128xi32, #tpu.memory_space<vmem>>
        %dma_start3A_113 = arith.constant 0 : i32
        %dma_start3A_114 = arith.constant 0 : i32
        %dma_start3A_115 = tpu.memref_slice %arg2[%dma_start3A_113, %dma_start3A_114] : memref<10000x128xf32, #tpu.memory_space<hbm>> -> memref<10000x128xf32, #tpu.memory_space<hbm>>
        tpu.enqueue_indirect_dma source(%dma_start3A_115 : memref<10000x128xf32, #tpu.memory_space<hbm>>) target(%dma_start3A_109 : memref<128x128xf32, #tpu.memory_space<vmem>>) offsets(%dma_start3A_112 : memref<128xi32, #tpu.memory_space<vmem>>) semaphore(%arg11 : memref<!tpu.dma_semaphore, #tpu.memory_space<semaphore_mem>>)
      } else {
      }
      %scan3A_102 = arith.constant 0 : i32
      scf.yield %scan3A_102 : i32
    }
    %scan3A_41 = arith.constant 40 : i32
    %mul3A_42 = arith.constant 80 : i32
    %mul3A_43 = arith.muli %add3A, %mul3A_42 : i32
    %add3A_44 = arith.constant 40 : i32
    %add3A_45 = arith.addi %mul3A_43, %add3A_44 : i32
    "tpu.region"() ({
      %run_scoped3A = tpu.sem_alloc : memref<!tpu.dma_semaphore, #tpu.memory_space<semaphore_mem>>
      %dma_start3A_79 = arith.constant 0 : i32
      %dma_start3A_80 = tpu.memref_slice %arg3[%add3A_45, %dma_start3A_79] : memref<2560x128xi32, #tpu.memory_space<hbm>> -> memref<40x128xi32, #tpu.memory_space<hbm>>
      %dma_start3A_81 = arith.constant 0 : i32
      %dma_start3A_82 = tpu.memref_slice %arg3[%add3A_45, %dma_start3A_81] : memref<2560x128xi32, #tpu.memory_space<hbm>> -> memref<40x128xi32, #tpu.memory_space<hbm>>
      tpu.enqueue_dma source(%dma_start3A_82 : memref<40x128xi32, #tpu.memory_space<hbm>>) target(%arg6 : memref<40x128xi32, #tpu.memory_space<vmem>>) target_semaphore(%run_scoped3A : memref<!tpu.dma_semaphore, #tpu.memory_space<semaphore_mem>>)
      %dma_wait3A = arith.constant 0 : i32
      %dma_wait3A_83 = tpu.memref_slice %arg3[%add3A_45, %dma_wait3A] : memref<2560x128xi32, #tpu.memory_space<hbm>> -> memref<40x128xi32, #tpu.memory_space<hbm>>
      %dma_wait3A_84 = arith.constant 0 : i32
      %dma_wait3A_85 = tpu.memref_slice %arg3[%add3A_45, %dma_wait3A_84] : memref<2560x128xi32, #tpu.memory_space<hbm>> -> memref<40x128xi32, #tpu.memory_space<hbm>>
      tpu.wait_dma2 semaphore(%run_scoped3A : memref<!tpu.dma_semaphore, #tpu.memory_space<semaphore_mem>>) src(%dma_wait3A_85 : memref<40x128xi32, #tpu.memory_space<hbm>>) dst(%arg6 : memref<40x128xi32, #tpu.memory_space<vmem>>)
      tpu.yield
    }) : () -> ()
    %mul3A_46 = arith.constant 80 : i32
    %mul3A_47 = arith.muli %add3A, %mul3A_46 : i32
    %add3A_48 = arith.constant 40 : i32
    %add3A_49 = arith.addi %mul3A_47, %add3A_48 : i32
    "tpu.region"() ({
      %run_scoped3A = tpu.sem_alloc : memref<!tpu.dma_semaphore, #tpu.memory_space<semaphore_mem>>
      %dma_start3A_79 = arith.constant 0 : i32
      %dma_start3A_80 = tpu.memref_slice %arg4[%add3A_49, %dma_start3A_79] : memref<2560x128xi32, #tpu.memory_space<hbm>> -> memref<40x128xi32, #tpu.memory_space<hbm>>
      %dma_start3A_81 = arith.constant 0 : i32
      %dma_start3A_82 = tpu.memref_slice %arg4[%add3A_49, %dma_start3A_81] : memref<2560x128xi32, #tpu.memory_space<hbm>> -> memref<40x128xi32, #tpu.memory_space<hbm>>
      tpu.enqueue_dma source(%dma_start3A_82 : memref<40x128xi32, #tpu.memory_space<hbm>>) target(%arg7 : memref<40x128xi32, #tpu.memory_space<vmem>>) target_semaphore(%run_scoped3A : memref<!tpu.dma_semaphore, #tpu.memory_space<semaphore_mem>>)
      %dma_wait3A = arith.constant 0 : i32
      %dma_wait3A_83 = tpu.memref_slice %arg4[%add3A_49, %dma_wait3A] : memref<2560x128xi32, #tpu.memory_space<hbm>> -> memref<40x128xi32, #tpu.memory_space<hbm>>
      %dma_wait3A_84 = arith.constant 0 : i32
      %dma_wait3A_85 = tpu.memref_slice %arg4[%add3A_49, %dma_wait3A_84] : memref<2560x128xi32, #tpu.memory_space<hbm>> -> memref<40x128xi32, #tpu.memory_space<hbm>>
      tpu.wait_dma2 semaphore(%run_scoped3A : memref<!tpu.dma_semaphore, #tpu.memory_space<semaphore_mem>>) src(%dma_wait3A_85 : memref<40x128xi32, #tpu.memory_space<hbm>>) dst(%arg7 : memref<40x128xi32, #tpu.memory_space<vmem>>)
      tpu.yield
    }) : () -> ()
    %dma_start3A_50 = arith.constant 0 : i32
    %dma_start3A_51 = arith.constant 0 : i32
    %dma_start3A_52 = arith.constant 0 : i32
    %dma_start3A_53 = arith.constant 0 : i32
    %dma_start3A_54 = tpu.memref_slice %arg8[%dma_start3A_51, %dma_start3A_52, %dma_start3A_53] : memref<1x128x128xf32, #tpu.memory_space<vmem>> -> memref<1x128x128xf32, #tpu.memory_space<vmem>>
    %dma_start3A_55 = tpu.memref_squeeze %dma_start3A_54 : memref<1x128x128xf32, #tpu.memory_space<vmem>> -> memref<128x128xf32, #tpu.memory_space<vmem>>
    %dma_start3A_56 = arith.constant 0 : i32
    %dma_start3A_57 = tpu.memref_slice %arg6[%dma_start3A_50, %dma_start3A_56] : memref<40x128xi32, #tpu.memory_space<vmem>> -> memref<1x128xi32, #tpu.memory_space<vmem>>
    %dma_start3A_58 = tpu.memref_squeeze %dma_start3A_57 : memref<1x128xi32, #tpu.memory_space<vmem>> -> memref<128xi32, #tpu.memory_space<vmem>>
    %dma_start3A_59 = arith.constant 0 : i32
    %dma_start3A_60 = arith.constant 0 : i32
    %dma_start3A_61 = tpu.memref_slice %arg2[%dma_start3A_59, %dma_start3A_60] : memref<10000x128xf32, #tpu.memory_space<hbm>> -> memref<10000x128xf32, #tpu.memory_space<hbm>>
    tpu.enqueue_indirect_dma source(%dma_start3A_61 : memref<10000x128xf32, #tpu.memory_space<hbm>>) target(%dma_start3A_55 : memref<128x128xf32, #tpu.memory_space<vmem>>) offsets(%dma_start3A_58 : memref<128xi32, #tpu.memory_space<vmem>>) semaphore(%arg11 : memref<!tpu.dma_semaphore, #tpu.memory_space<semaphore_mem>>)
    %scan3A_62 = arith.constant 0 : i32
    %scan3A_63 = arith.constant 0 : i32
    %scan3A_64 = arith.constant 40 : i32
    %scan3A_65 = arith.addi %scan3A_63, %scan3A_64 : i32
    %scan3A_66 = arith.constant 1 : i32
    %scan3A_67 = scf.for %scan3A_79 = %scan3A_63 to %scan3A_65 step %scan3A_66 iter_args(%scan3A_80 = %scan3A_62) -> (i32)  : i32 {
      %mul3A_81 = arith.constant 1 : i32
      %mul3A_82 = arith.muli %scan3A_79, %mul3A_81 : i32
      %add3A_83 = arith.constant 0 : i32
      %add3A_84 = arith.addi %mul3A_82, %add3A_83 : i32
      %dma_wait3A = arith.constant 0 : i32
      %dma_wait3A_85 = arith.constant 0 : i32
      %dma_wait3A_86 = arith.constant 0 : i32
      %dma_wait3A_87 = tpu.memref_slice %arg8[%dma_wait3A, %dma_wait3A_85, %dma_wait3A_86] : memref<1x128x128xf32, #tpu.memory_space<vmem>> -> memref<1x128x128xf32, #tpu.memory_space<vmem>>
      %dma_wait3A_88 = tpu.memref_squeeze %dma_wait3A_87 : memref<1x128x128xf32, #tpu.memory_space<vmem>> -> memref<128x128xf32, #tpu.memory_space<vmem>>
      %dma_wait3A_89 = arith.constant 0 : i32
      %dma_wait3A_90 = tpu.memref_slice %arg6[%add3A_84, %dma_wait3A_89] : memref<40x128xi32, #tpu.memory_space<vmem>> -> memref<1x128xi32, #tpu.memory_space<vmem>>
      %dma_wait3A_91 = tpu.memref_squeeze %dma_wait3A_90 : memref<1x128xi32, #tpu.memory_space<vmem>> -> memref<128xi32, #tpu.memory_space<vmem>>
      %dma_wait3A_92 = arith.constant 0 : i32
      %dma_wait3A_93 = arith.constant 0 : i32
      %dma_wait3A_94 = tpu.memref_slice %arg2[%dma_wait3A_92, %dma_wait3A_93] : memref<10000x128xf32, #tpu.memory_space<hbm>> -> memref<10000x128xf32, #tpu.memory_space<hbm>>
      tpu.wait_indirect_dma semaphore(%arg11 : memref<!tpu.dma_semaphore, #tpu.memory_space<semaphore_mem>>) src(%dma_wait3A_94 : memref<10000x128xf32, #tpu.memory_space<hbm>>) dst(%dma_wait3A_88 : memref<128x128xf32, #tpu.memory_space<vmem>>)
      %run_scoped3A = arith.constant 0 : i32
      "tpu.region"() ({
        %run_scoped3A_103 = tpu.sem_alloc : memref<!tpu.dma_semaphore, #tpu.memory_space<semaphore_mem>>
        %dma_start3A_104 = arith.constant 0 : i32
        %dma_start3A_105 = arith.constant 0 : i32
        %dma_start3A_106 = tpu.memref_slice %arg8[%run_scoped3A, %dma_start3A_104, %dma_start3A_105] : memref<1x128x128xf32, #tpu.memory_space<vmem>> -> memref<1x128x128xf32, #tpu.memory_space<vmem>>
        %dma_start3A_107 = tpu.memref_squeeze %dma_start3A_106 : memref<1x128x128xf32, #tpu.memory_space<vmem>> -> memref<128x128xf32, #tpu.memory_space<vmem>>
        %dma_start3A_108 = arith.constant 0 : i32
        %dma_start3A_109 = tpu.memref_slice %arg7[%add3A_84, %dma_start3A_108] : memref<40x128xi32, #tpu.memory_space<vmem>> -> memref<1x128xi32, #tpu.memory_space<vmem>>
        %dma_start3A_110 = tpu.memref_squeeze %dma_start3A_109 : memref<1x128xi32, #tpu.memory_space<vmem>> -> memref<128xi32, #tpu.memory_space<vmem>>
        %dma_start3A_111 = arith.constant 0 : i32
        %dma_start3A_112 = arith.constant 0 : i32
        %dma_start3A_113 = tpu.memref_slice %arg10[%dma_start3A_111, %dma_start3A_112] : memref<10008x128xf32, #tpu.memory_space<vmem_shared>> -> memref<10008x128xf32, #tpu.memory_space<vmem_shared>>
        tpu.enqueue_indirect_dma source(%dma_start3A_107 : memref<128x128xf32, #tpu.memory_space<vmem>>) target(%dma_start3A_113 : memref<10008x128xf32, #tpu.memory_space<vmem_shared>>) offsets(%dma_start3A_110 : memref<128xi32, #tpu.memory_space<vmem>>) semaphore(%run_scoped3A_103 : memref<!tpu.dma_semaphore, #tpu.memory_space<semaphore_mem>>) {add = true}
        %dma_wait3A_114 = arith.constant 0 : i32
        %dma_wait3A_115 = arith.constant 0 : i32
        %dma_wait3A_116 = tpu.memref_slice %arg8[%run_scoped3A, %dma_wait3A_114, %dma_wait3A_115] : memref<1x128x128xf32, #tpu.memory_space<vmem>> -> memref<1x128x128xf32, #tpu.memory_space<vmem>>
        %dma_wait3A_117 = tpu.memref_squeeze %dma_wait3A_116 : memref<1x128x128xf32, #tpu.memory_space<vmem>> -> memref<128x128xf32, #tpu.memory_space<vmem>>
        %dma_wait3A_118 = arith.constant 0 : i32
        %dma_wait3A_119 = tpu.memref_slice %arg7[%add3A_84, %dma_wait3A_118] : memref<40x128xi32, #tpu.memory_space<vmem>> -> memref<1x128xi32, #tpu.memory_space<vmem>>
        %dma_wait3A_120 = tpu.memref_squeeze %dma_wait3A_119 : memref<1x128xi32, #tpu.memory_space<vmem>> -> memref<128xi32, #tpu.memory_space<vmem>>
        %dma_wait3A_121 = arith.constant 0 : i32
        %dma_wait3A_122 = arith.constant 0 : i32
        %dma_wait3A_123 = tpu.memref_slice %arg10[%dma_wait3A_121, %dma_wait3A_122] : memref<10008x128xf32, #tpu.memory_space<vmem_shared>> -> memref<10008x128xf32, #tpu.memory_space<vmem_shared>>
        tpu.wait_indirect_dma semaphore(%run_scoped3A_103 : memref<!tpu.dma_semaphore, #tpu.memory_space<semaphore_mem>>) src(%dma_wait3A_117 : memref<128x128xf32, #tpu.memory_space<vmem>>) dst(%dma_wait3A_123 : memref<10008x128xf32, #tpu.memory_space<vmem_shared>>)
        tpu.yield
      }) : () -> ()
      %add3A_95 = arith.constant 1 : i32
      %add3A_96 = arith.addi %add3A_84, %add3A_95 : i32
      %lt3A_97 = arith.constant 40 : i32
      %lt3A_98 = arith.cmpi slt, %add3A_96, %lt3A_97 : i32
      %convert_element_type3A_99 = arith.extui %lt3A_98 : i1 to i32
      %cond3A_100 = arith.constant 0 : i32
      %cond3A_101 = arith.cmpi ne, %convert_element_type3A_99, %cond3A_100 : i32
      scf.if %cond3A_101 {
        %add3A_103 = arith.constant 1 : i32
        %add3A_104 = arith.addi %add3A_84, %add3A_103 : i32
        %dma_start3A_105 = arith.constant 0 : i32
        %dma_start3A_106 = arith.constant 0 : i32
        %dma_start3A_107 = arith.constant 0 : i32
        %dma_start3A_108 = tpu.memref_slice %arg8[%dma_start3A_105, %dma_start3A_106, %dma_start3A_107] : memref<1x128x128xf32, #tpu.memory_space<vmem>> -> memref<1x128x128xf32, #tpu.memory_space<vmem>>
        %dma_start3A_109 = tpu.memref_squeeze %dma_start3A_108 : memref<1x128x128xf32, #tpu.memory_space<vmem>> -> memref<128x128xf32, #tpu.memory_space<vmem>>
        %dma_start3A_110 = arith.constant 0 : i32
        %dma_start3A_111 = tpu.memref_slice %arg6[%add3A_104, %dma_start3A_110] : memref<40x128xi32, #tpu.memory_space<vmem>> -> memref<1x128xi32, #tpu.memory_space<vmem>>
        %dma_start3A_112 = tpu.memref_squeeze %dma_start3A_111 : memref<1x128xi32, #tpu.memory_space<vmem>> -> memref<128xi32, #tpu.memory_space<vmem>>
        %dma_start3A_113 = arith.constant 0 : i32
        %dma_start3A_114 = arith.constant 0 : i32
        %dma_start3A_115 = tpu.memref_slice %arg2[%dma_start3A_113, %dma_start3A_114] : memref<10000x128xf32, #tpu.memory_space<hbm>> -> memref<10000x128xf32, #tpu.memory_space<hbm>>
        tpu.enqueue_indirect_dma source(%dma_start3A_115 : memref<10000x128xf32, #tpu.memory_space<hbm>>) target(%dma_start3A_109 : memref<128x128xf32, #tpu.memory_space<vmem>>) offsets(%dma_start3A_112 : memref<128xi32, #tpu.memory_space<vmem>>) semaphore(%arg11 : memref<!tpu.dma_semaphore, #tpu.memory_space<semaphore_mem>>)
      } else {
      }
      %scan3A_102 = arith.constant 0 : i32
      scf.yield %scan3A_102 : i32
    }
    %scan3A_68 = arith.constant 40 : i32
    %barrier3A_69 = arith.constant 0 : index
    tpu.barrier barrier_id(%barrier3A_69)
    %lt3A = arith.constant 15 : i32
    %lt3A_70 = arith.cmpi slt, %arg1, %lt3A : i32
    %convert_element_type3A_71 = arith.extui %lt3A_70 : i1 to i32
    %cond3A_72 = arith.constant 0 : i32
    %cond3A_73 = arith.cmpi ne, %convert_element_type3A_71, %cond3A_72 : i32
    scf.if %cond3A_73 {
      %mul3A_79 = arith.constant 624 : i32
      %mul3A_80 = arith.muli %arg1, %mul3A_79 : i32
      %mul3A_81 = arith.constant 624 : i32
      %mul3A_82 = arith.muli %arg1, %mul3A_81 : i32
      "tpu.region"() ({
        %run_scoped3A = tpu.sem_alloc : memref<!tpu.dma_semaphore, #tpu.memory_space<semaphore_mem>>
        %dma_start3A_83 = arith.constant 0 : i32
        %dma_start3A_84 = tpu.memref_slice %arg5[%arg0, %mul3A_82, %dma_start3A_83] : memref<2x10000x128xf32, #tpu.memory_space<hbm>> -> memref<1x624x128xf32, #tpu.memory_space<hbm>>
        %dma_start3A_85 = tpu.memref_squeeze %dma_start3A_84 : memref<1x624x128xf32, #tpu.memory_space<hbm>> -> memref<624x128xf32, #tpu.memory_space<hbm>>
        %dma_start3A_86 = arith.constant 0 : i32
        %dma_start3A_87 = tpu.memref_slice %arg10[%mul3A_80, %dma_start3A_86] : memref<10008x128xf32, #tpu.memory_space<vmem_shared>> -> memref<624x128xf32, #tpu.memory_space<vmem_shared>>
        tpu.enqueue_dma source(%dma_start3A_87 : memref<624x128xf32, #tpu.memory_space<vmem_shared>>) target(%dma_start3A_85 : memref<624x128xf32, #tpu.memory_space<hbm>>) target_semaphore(%run_scoped3A : memref<!tpu.dma_semaphore, #tpu.memory_space<semaphore_mem>>)
        %dma_wait3A = arith.constant 0 : i32
        %dma_wait3A_88 = tpu.memref_slice %arg5[%arg0, %mul3A_82, %dma_wait3A] : memref<2x10000x128xf32, #tpu.memory_space<hbm>> -> memref<1x624x128xf32, #tpu.memory_space<hbm>>
        %dma_wait3A_89 = tpu.memref_squeeze %dma_wait3A_88 : memref<1x624x128xf32, #tpu.memory_space<hbm>> -> memref<624x128xf32, #tpu.memory_space<hbm>>
        %dma_wait3A_90 = arith.constant 0 : i32
        %dma_wait3A_91 = tpu.memref_slice %arg10[%mul3A_80, %dma_wait3A_90] : memref<10008x128xf32, #tpu.memory_space<vmem_shared>> -> memref<624x128xf32, #tpu.memory_space<vmem_shared>>
        tpu.wait_dma2 semaphore(%run_scoped3A : memref<!tpu.dma_semaphore, #tpu.memory_space<semaphore_mem>>) src(%dma_wait3A_91 : memref<624x128xf32, #tpu.memory_space<vmem_shared>>) dst(%dma_wait3A_89 : memref<624x128xf32, #tpu.memory_space<hbm>>)
        tpu.yield
      }) : () -> ()
    } else {
    }
    %eq3A_74 = arith.constant 15 : i32
    %eq3A_75 = arith.cmpi eq, %arg1, %eq3A_74 : i32
    %convert_element_type3A_76 = arith.extui %eq3A_75 : i1 to i32
    %cond3A_77 = arith.constant 0 : i32
    %cond3A_78 = arith.cmpi ne, %convert_element_type3A_76, %cond3A_77 : i32
    scf.if %cond3A_78 {
      "tpu.region"() ({
        %run_scoped3A = tpu.sem_alloc : memref<!tpu.dma_semaphore, #tpu.memory_space<semaphore_mem>>
        %dma_start3A_79 = arith.constant 9360 : i32
        %dma_start3A_80 = arith.constant 0 : i32
        %dma_start3A_81 = tpu.memref_slice %arg5[%arg0, %dma_start3A_79, %dma_start3A_80] : memref<2x10000x128xf32, #tpu.memory_space<hbm>> -> memref<1x640x128xf32, #tpu.memory_space<hbm>>
        %dma_start3A_82 = tpu.memref_squeeze %dma_start3A_81 : memref<1x640x128xf32, #tpu.memory_space<hbm>> -> memref<640x128xf32, #tpu.memory_space<hbm>>
        %dma_start3A_83 = arith.constant 9360 : i32
        %dma_start3A_84 = arith.constant 0 : i32
        %dma_start3A_85 = tpu.memref_slice %arg10[%dma_start3A_83, %dma_start3A_84] : memref<10008x128xf32, #tpu.memory_space<vmem_shared>> -> memref<640x128xf32, #tpu.memory_space<vmem_shared>>
        tpu.enqueue_dma source(%dma_start3A_85 : memref<640x128xf32, #tpu.memory_space<vmem_shared>>) target(%dma_start3A_82 : memref<640x128xf32, #tpu.memory_space<hbm>>) target_semaphore(%run_scoped3A : memref<!tpu.dma_semaphore, #tpu.memory_space<semaphore_mem>>)
        %dma_wait3A = arith.constant 9360 : i32
        %dma_wait3A_86 = arith.constant 0 : i32
        %dma_wait3A_87 = tpu.memref_slice %arg5[%arg0, %dma_wait3A, %dma_wait3A_86] : memref<2x10000x128xf32, #tpu.memory_space<hbm>> -> memref<1x640x128xf32, #tpu.memory_space<hbm>>
        %dma_wait3A_88 = tpu.memref_squeeze %dma_wait3A_87 : memref<1x640x128xf32, #tpu.memory_space<hbm>> -> memref<640x128xf32, #tpu.memory_space<hbm>>
        %dma_wait3A_89 = arith.constant 9360 : i32
        %dma_wait3A_90 = arith.constant 0 : i32
        %dma_wait3A_91 = tpu.memref_slice %arg10[%dma_wait3A_89, %dma_wait3A_90] : memref<10008x128xf32, #tpu.memory_space<vmem_shared>> -> memref<640x128xf32, #tpu.memory_space<vmem_shared>>
        tpu.wait_dma2 semaphore(%run_scoped3A : memref<!tpu.dma_semaphore, #tpu.memory_space<semaphore_mem>>) src(%dma_wait3A_91 : memref<640x128xf32, #tpu.memory_space<vmem_shared>>) dst(%dma_wait3A_88 : memref<640x128xf32, #tpu.memory_space<hbm>>)
        tpu.yield
      }) : () -> ()
    } else {
    }
    return
  }
}

#map = affine_map<(d0, d1) -> (0, 0)>
#map1 = affine_map<(d0, d1) -> (0, 0, 0)>
module attributes {stable_mosaic.version = 14 : i64} {
  func.func @_seg_sum_body(%arg0: i32, %arg1: i32, %arg2: memref<10000x128xf32, #tpu.memory_space<hbm>>, %arg3: memref<2560x128xi32, #tpu.memory_space<hbm>>, %arg4: memref<2560x128xi32, #tpu.memory_space<hbm>>, %arg5: memref<2x10000x128xf32, #tpu.memory_space<hbm>>, %arg6: memref<40x128xi32, #tpu.memory_space<vmem>>, %arg7: memref<40x128xi32, #tpu.memory_space<vmem>>, %arg8: memref<1x128x128xf32, #tpu.memory_space<vmem>>, %arg9: memref<8x128xf32, #tpu.memory_space<vmem>>, %arg10: memref<10008x128xf32, #tpu.memory_space<vmem_shared>>, %arg11: memref<!tpu.dma_semaphore, #tpu.memory_space<semaphore_mem>>, %arg12: memref<!tpu.dma_semaphore, #tpu.memory_space<semaphore_mem>>) attributes {dimension_semantics = [#tpu.dimension_semantics<core_parallel>, #tpu.dimension_semantics<subcore_parallel>], iteration_bounds = array<i64: 2, 16>, scalar_prefetch = 0 : i64, scratch_operands = 7 : i64, tpu.core_type = #tpu.core_type<sc_vector_subcore>, window_params = [{transform_indices = #map}, {transform_indices = #map}, {transform_indices = #map}, {transform_indices = #map1}]} {
    %mul3A = arith.constant 2 : i32
    %mul3A_0 = arith.muli %arg1, %mul3A : i32
    %add3A = arith.addi %mul3A_0, %arg0 : i32
    %scan3A = arith.constant 0 : i32
    %scan3A_1 = arith.constant 0 : i32
    %scan3A_2 = arith.constant 64 : i32
    %scan3A_3 = arith.addi %scan3A_1, %scan3A_2 : i32
    %scan3A_4 = arith.constant 1 : i32
    %scan3A_5 = scf.for %scan3A_79 = %scan3A_1 to %scan3A_3 step %scan3A_4 iter_args(%scan3A_80 = %scan3A) -> (i32)  : i32 {
      %broadcast_in_dim3A = arith.constant 0.000000e+00 : f32
      %broadcast_in_dim3A_81 = vector.broadcast %broadcast_in_dim3A : f32 to vector<16xf32>
      %jit3A = arith.constant 8 : i32
      %div3A = arith.divsi %scan3A_79, %jit3A : i32
      %sign3A = arith.constant 0 : i32
      %sign3A_82 = arith.cmpi sgt, %scan3A_79, %sign3A : i32
      %sign3A_83 = arith.extui %sign3A_82 : i1 to i32
      %sign3A_84 = arith.constant 0 : i32
      %sign3A_85 = arith.cmpi slt, %scan3A_79, %sign3A_84 : i32
      %sign3A_86 = arith.extui %sign3A_85 : i1 to i32
      %sign3A_87 = arith.subi %sign3A_83, %sign3A_86 : i32
      %sign3A_88 = arith.constant 0 : i32
      %sign3A_89 = arith.cmpi sgt, %jit3A, %sign3A_88 : i32
      %sign3A_90 = arith.extui %sign3A_89 : i1 to i32
      %sign3A_91 = arith.constant 0 : i32
      %sign3A_92 = arith.cmpi slt, %jit3A, %sign3A_91 : i32
      %sign3A_93 = arith.extui %sign3A_92 : i1 to i32
      %sign3A_94 = arith.subi %sign3A_90, %sign3A_93 : i32
      %ne3A = arith.cmpi ne, %sign3A_87, %sign3A_94 : i32
      %rem3A = arith.remsi %scan3A_79, %jit3A : i32
      %ne3A_95 = arith.constant 0 : i32
      %ne3A_96 = arith.cmpi ne, %rem3A, %ne3A_95 : i32
      %and3A = arith.andi %ne3A, %ne3A_96 : i1
      %sub3A = arith.constant 1 : i32
      %sub3A_97 = arith.subi %div3A, %sub3A : i32
      %select_n3A = arith.select %and3A, %sub3A_97, %div3A : i32
      %jit3A_98 = arith.constant 8 : i32
      %eq3A_99 = arith.constant 0 : i32
      %eq3A_100 = arith.cmpi eq, %jit3A_98, %eq3A_99 : i32
      %jit3A_101 = arith.constant 1 : i32
      %select_n3A_102 = arith.select %eq3A_100, %jit3A_101, %jit3A_98 : i32
      %rem3A_103 = arith.remsi %scan3A_79, %select_n3A_102 : i32
      %ne3A_104 = arith.constant 0 : i32
      %ne3A_105 = arith.cmpi ne, %rem3A_103, %ne3A_104 : i32
      %lt3A_106 = arith.constant 0 : i32
      %lt3A_107 = arith.cmpi slt, %rem3A_103, %lt3A_106 : i32
      %lt3A_108 = arith.constant 0 : i32
      %lt3A_109 = arith.cmpi slt, %select_n3A_102, %lt3A_108 : i32
      %ne3A_110 = arith.xori %lt3A_107, %lt3A_109 : i1
      %and3A_111 = arith.andi %ne3A_110, %ne3A_105 : i1
      %add3A_112 = arith.addi %rem3A_103, %select_n3A_102 : i32
      %select_n3A_113 = arith.select %and3A_111, %add3A_112, %rem3A_103 : i32
      %mul3A_114 = arith.constant 16 : i32
      %mul3A_115 = arith.muli %select_n3A_113, %mul3A_114 : i32
      %swap3A = arith.index_cast %select_n3A : i32 to index
      %swap3A_116 = arith.index_cast %mul3A_115 : i32 to index
      %swap3A_117 = tpu.vector_load %arg9[%swap3A, %swap3A_116] {strides = array<i32>} : memref<8x128xf32, #tpu.memory_space<vmem>>, vector<1x16xf32>,
      %swap3A_118 = vector.shape_cast %swap3A_117 : vector<1x16xf32> to vector<16xf32>
      %swap3A_119 = vector.shape_cast %broadcast_in_dim3A_81 : vector<16xf32> to vector<1x16xf32>
      tpu.vector_store %arg9[%swap3A, %swap3A_116], %swap3A_119 {strides = array<i32>} : memref<8x128xf32, #tpu.memory_space<vmem>>, vector<1x16xf32>,
      %scan3A_120 = arith.constant 0 : i32
      scf.yield %scan3A_120 : i32
    }
    %scan3A_6 = arith.constant 64 : i32
    %scan3A_7 = arith.constant 0 : i32
    %scan3A_8 = arith.constant 0 : i32
    %scan3A_9 = arith.constant 78 : i32
    %scan3A_10 = arith.addi %scan3A_8, %scan3A_9 : i32
    %scan3A_11 = arith.constant 1 : i32
    %scan3A_12 = scf.for %scan3A_79 = %scan3A_8 to %scan3A_10 step %scan3A_11 iter_args(%scan3A_80 = %scan3A_7) -> (i32)  : i32 {
      %mul3A_81 = arith.constant 624 : i32
      %mul3A_82 = arith.muli %arg1, %mul3A_81 : i32
      %mul3A_83 = arith.constant 8 : i32
      %mul3A_84 = arith.muli %scan3A_79, %mul3A_83 : i32
      %add3A_85 = arith.addi %mul3A_82, %mul3A_84 : i32
      "tpu.region"() ({
        %run_scoped3A = tpu.sem_alloc : memref<!tpu.dma_semaphore, #tpu.memory_space<semaphore_mem>>
        %dma_start3A_87 = arith.constant 0 : i32
        %dma_start3A_88 = tpu.memref_slice %arg10[%add3A_85, %dma_start3A_87] : memref<10008x128xf32, #tpu.memory_space<vmem_shared>> -> memref<8x128xf32, #tpu.memory_space<vmem_shared>>
        %dma_start3A_89 = arith.constant 0 : i32
        %dma_start3A_90 = tpu.memref_slice %arg10[%add3A_85, %dma_start3A_89] : memref<10008x128xf32, #tpu.memory_space<vmem_shared>> -> memref<8x128xf32, #tpu.memory_space<vmem_shared>>
        tpu.enqueue_dma source(%arg9 : memref<8x128xf32, #tpu.memory_space<vmem>>) target(%dma_start3A_90 : memref<8x128xf32, #tpu.memory_space<vmem_shared>>) target_semaphore(%run_scoped3A : memref<!tpu.dma_semaphore, #tpu.memory_space<semaphore_mem>>)
        %dma_wait3A = arith.constant 0 : i32
        %dma_wait3A_91 = tpu.memref_slice %arg10[%add3A_85, %dma_wait3A] : memref<10008x128xf32, #tpu.memory_space<vmem_shared>> -> memref<8x128xf32, #tpu.memory_space<vmem_shared>>
        %dma_wait3A_92 = arith.constant 0 : i32
        %dma_wait3A_93 = tpu.memref_slice %arg10[%add3A_85, %dma_wait3A_92] : memref<10008x128xf32, #tpu.memory_space<vmem_shared>> -> memref<8x128xf32, #tpu.memory_space<vmem_shared>>
        tpu.wait_dma2 semaphore(%run_scoped3A : memref<!tpu.dma_semaphore, #tpu.memory_space<semaphore_mem>>) src(%arg9 : memref<8x128xf32, #tpu.memory_space<vmem>>) dst(%dma_wait3A_93 : memref<8x128xf32, #tpu.memory_space<vmem_shared>>)
        tpu.yield
      }) : () -> ()
      %scan3A_86 = arith.constant 0 : i32
      scf.yield %scan3A_86 : i32
    }
    %scan3A_13 = arith.constant 78 : i32
    %eq3A = arith.constant 15 : i32
    %eq3A_14 = arith.cmpi eq, %arg1, %eq3A : i32
    %convert_element_type3A = arith.extui %eq3A_14 : i1 to i32
    %cond3A = arith.constant 0 : i32
    %cond3A_15 = arith.cmpi ne, %convert_element_type3A, %cond3A : i32
    scf.if %cond3A_15 {
      %scan3A_79 = arith.constant 0 : i32
      %scan3A_80 = arith.constant 0 : i32
      %scan3A_81 = arith.constant 3 : i32
      %scan3A_82 = arith.addi %scan3A_80, %scan3A_81 : i32
      %scan3A_83 = arith.constant 1 : i32
      %scan3A_84 = scf.for %scan3A_86 = %scan3A_80 to %scan3A_82 step %scan3A_83 iter_args(%scan3A_87 = %scan3A_79) -> (i32)  : i32 {
        %mul3A_88 = arith.constant 8 : i32
        %mul3A_89 = arith.muli %scan3A_86, %mul3A_88 : i32
        %add3A_90 = arith.constant 9984 : i32
        %add3A_91 = arith.addi %add3A_90, %mul3A_89 : i32
        "tpu.region"() ({
          %run_scoped3A = tpu.sem_alloc : memref<!tpu.dma_semaphore, #tpu.memory_space<semaphore_mem>>
          %dma_start3A_93 = arith.constant 0 : i32
          %dma_start3A_94 = tpu.memref_slice %arg10[%add3A_91, %dma_start3A_93] : memref<10008x128xf32, #tpu.memory_space<vmem_shared>> -> memref<8x128xf32, #tpu.memory_space<vmem_shared>>
          %dma_start3A_95 = arith.constant 0 : i32
          %dma_start3A_96 = tpu.memref_slice %arg10[%add3A_91, %dma_start3A_95] : memref<10008x128xf32, #tpu.memory_space<vmem_shared>> -> memref<8x128xf32, #tpu.memory_space<vmem_shared>>
          tpu.enqueue_dma source(%arg9 : memref<8x128xf32, #tpu.memory_space<vmem>>) target(%dma_start3A_96 : memref<8x128xf32, #tpu.memory_space<vmem_shared>>) target_semaphore(%run_scoped3A : memref<!tpu.dma_semaphore, #tpu.memory_space<semaphore_mem>>)
          %dma_wait3A = arith.constant 0 : i32
          %dma_wait3A_97 = tpu.memref_slice %arg10[%add3A_91, %dma_wait3A] : memref<10008x128xf32, #tpu.memory_space<vmem_shared>> -> memref<8x128xf32, #tpu.memory_space<vmem_shared>>
          %dma_wait3A_98 = arith.constant 0 : i32
          %dma_wait3A_99 = tpu.memref_slice %arg10[%add3A_91, %dma_wait3A_98] : memref<10008x128xf32, #tpu.memory_space<vmem_shared>> -> memref<8x128xf32, #tpu.memory_space<vmem_shared>>
          tpu.wait_dma2 semaphore(%run_scoped3A : memref<!tpu.dma_semaphore, #tpu.memory_space<semaphore_mem>>) src(%arg9 : memref<8x128xf32, #tpu.memory_space<vmem>>) dst(%dma_wait3A_99 : memref<8x128xf32, #tpu.memory_space<vmem_shared>>)
          tpu.yield
        }) : () -> ()
        %scan3A_92 = arith.constant 0 : i32
        scf.yield %scan3A_92 : i32
      }
      %scan3A_85 = arith.constant 3 : i32
    } else {
    }
    %barrier3A = arith.constant 0 : index
    tpu.barrier barrier_id(%barrier3A)
    %mul3A_16 = arith.constant 80 : i32
    %mul3A_17 = arith.muli %add3A, %mul3A_16 : i32
    %add3A_18 = arith.constant 0 : i32
    %add3A_19 = arith.addi %mul3A_17, %add3A_18 : i32
    "tpu.region"() ({
      %run_scoped3A = tpu.sem_alloc : memref<!tpu.dma_semaphore, #tpu.memory_space<semaphore_mem>>
      %dma_start3A_79 = arith.constant 0 : i32
      %dma_start3A_80 = tpu.memref_slice %arg3[%add3A_19, %dma_start3A_79] : memref<2560x128xi32, #tpu.memory_space<hbm>> -> memref<40x128xi32, #tpu.memory_space<hbm>>
      %dma_start3A_81 = arith.constant 0 : i32
      %dma_start3A_82 = tpu.memref_slice %arg3[%add3A_19, %dma_start3A_81] : memref<2560x128xi32, #tpu.memory_space<hbm>> -> memref<40x128xi32, #tpu.memory_space<hbm>>
      tpu.enqueue_dma source(%dma_start3A_82 : memref<40x128xi32, #tpu.memory_space<hbm>>) target(%arg6 : memref<40x128xi32, #tpu.memory_space<vmem>>) target_semaphore(%run_scoped3A : memref<!tpu.dma_semaphore, #tpu.memory_space<semaphore_mem>>)
      %dma_wait3A = arith.constant 0 : i32
      %dma_wait3A_83 = tpu.memref_slice %arg3[%add3A_19, %dma_wait3A] : memref<2560x128xi32, #tpu.memory_space<hbm>> -> memref<40x128xi32, #tpu.memory_space<hbm>>
      %dma_wait3A_84 = arith.constant 0 : i32
      %dma_wait3A_85 = tpu.memref_slice %arg3[%add3A_19, %dma_wait3A_84] : memref<2560x128xi32, #tpu.memory_space<hbm>> -> memref<40x128xi32, #tpu.memory_space<hbm>>
      tpu.wait_dma2 semaphore(%run_scoped3A : memref<!tpu.dma_semaphore, #tpu.memory_space<semaphore_mem>>) src(%dma_wait3A_85 : memref<40x128xi32, #tpu.memory_space<hbm>>) dst(%arg6 : memref<40x128xi32, #tpu.memory_space<vmem>>)
      tpu.yield
    }) : () -> ()
    %mul3A_20 = arith.constant 80 : i32
    %mul3A_21 = arith.muli %add3A, %mul3A_20 : i32
    %add3A_22 = arith.constant 0 : i32
    %add3A_23 = arith.addi %mul3A_21, %add3A_22 : i32
    "tpu.region"() ({
      %run_scoped3A = tpu.sem_alloc : memref<!tpu.dma_semaphore, #tpu.memory_space<semaphore_mem>>
      %dma_start3A_79 = arith.constant 0 : i32
      %dma_start3A_80 = tpu.memref_slice %arg4[%add3A_23, %dma_start3A_79] : memref<2560x128xi32, #tpu.memory_space<hbm>> -> memref<40x128xi32, #tpu.memory_space<hbm>>
      %dma_start3A_81 = arith.constant 0 : i32
      %dma_start3A_82 = tpu.memref_slice %arg4[%add3A_23, %dma_start3A_81] : memref<2560x128xi32, #tpu.memory_space<hbm>> -> memref<40x128xi32, #tpu.memory_space<hbm>>
      tpu.enqueue_dma source(%dma_start3A_82 : memref<40x128xi32, #tpu.memory_space<hbm>>) target(%arg7 : memref<40x128xi32, #tpu.memory_space<vmem>>) target_semaphore(%run_scoped3A : memref<!tpu.dma_semaphore, #tpu.memory_space<semaphore_mem>>)
      %dma_wait3A = arith.constant 0 : i32
      %dma_wait3A_83 = tpu.memref_slice %arg4[%add3A_23, %dma_wait3A] : memref<2560x128xi32, #tpu.memory_space<hbm>> -> memref<40x128xi32, #tpu.memory_space<hbm>>
      %dma_wait3A_84 = arith.constant 0 : i32
      %dma_wait3A_85 = tpu.memref_slice %arg4[%add3A_23, %dma_wait3A_84] : memref<2560x128xi32, #tpu.memory_space<hbm>> -> memref<40x128xi32, #tpu.memory_space<hbm>>
      tpu.wait_dma2 semaphore(%run_scoped3A : memref<!tpu.dma_semaphore, #tpu.memory_space<semaphore_mem>>) src(%dma_wait3A_85 : memref<40x128xi32, #tpu.memory_space<hbm>>) dst(%arg7 : memref<40x128xi32, #tpu.memory_space<vmem>>)
      tpu.yield
    }) : () -> ()
    %dma_start3A = arith.constant 0 : i32
    %dma_start3A_24 = arith.constant 0 : i32
    %dma_start3A_25 = arith.constant 0 : i32
    %dma_start3A_26 = arith.constant 0 : i32
    %dma_start3A_27 = tpu.memref_slice %arg8[%dma_start3A_24, %dma_start3A_25, %dma_start3A_26] : memref<1x128x128xf32, #tpu.memory_space<vmem>> -> memref<1x128x128xf32, #tpu.memory_space<vmem>>
    %dma_start3A_28 = tpu.memref_squeeze %dma_start3A_27 : memref<1x128x128xf32, #tpu.memory_space<vmem>> -> memref<128x128xf32, #tpu.memory_space<vmem>>
    %dma_start3A_29 = arith.constant 0 : i32
    %dma_start3A_30 = tpu.memref_slice %arg6[%dma_start3A, %dma_start3A_29] : memref<40x128xi32, #tpu.memory_space<vmem>> -> memref<1x128xi32, #tpu.memory_space<vmem>>
    %dma_start3A_31 = tpu.memref_squeeze %dma_start3A_30 : memref<1x128xi32, #tpu.memory_space<vmem>> -> memref<128xi32, #tpu.memory_space<vmem>>
    %dma_start3A_32 = arith.constant 0 : i32
    %dma_start3A_33 = arith.constant 0 : i32
    %dma_start3A_34 = tpu.memref_slice %arg2[%dma_start3A_32, %dma_start3A_33] : memref<10000x128xf32, #tpu.memory_space<hbm>> -> memref<10000x128xf32, #tpu.memory_space<hbm>>
    tpu.enqueue_indirect_dma source(%dma_start3A_34 : memref<10000x128xf32, #tpu.memory_space<hbm>>) target(%dma_start3A_28 : memref<128x128xf32, #tpu.memory_space<vmem>>) offsets(%dma_start3A_31 : memref<128xi32, #tpu.memory_space<vmem>>) semaphore(%arg11 : memref<!tpu.dma_semaphore, #tpu.memory_space<semaphore_mem>>)
    %scan3A_35 = arith.constant 0 : i32
    %scan3A_36 = arith.constant 0 : i32
    %scan3A_37 = arith.constant 40 : i32
    %scan3A_38 = arith.addi %scan3A_36, %scan3A_37 : i32
    %scan3A_39 = arith.constant 1 : i32
    %scan3A_40 = scf.for %scan3A_79 = %scan3A_36 to %scan3A_38 step %scan3A_39 iter_args(%scan3A_80 = %scan3A_35) -> (i32)  : i32 {
      %mul3A_81 = arith.constant 1 : i32
      %mul3A_82 = arith.muli %scan3A_79, %mul3A_81 : i32
      %add3A_83 = arith.constant 0 : i32
      %add3A_84 = arith.addi %mul3A_82, %add3A_83 : i32
      %dma_wait3A = arith.constant 0 : i32
      %dma_wait3A_85 = arith.constant 0 : i32
      %dma_wait3A_86 = arith.constant 0 : i32
      %dma_wait3A_87 = tpu.memref_slice %arg8[%dma_wait3A, %dma_wait3A_85, %dma_wait3A_86] : memref<1x128x128xf32, #tpu.memory_space<vmem>> -> memref<1x128x128xf32, #tpu.memory_space<vmem>>
      %dma_wait3A_88 = tpu.memref_squeeze %dma_wait3A_87 : memref<1x128x128xf32, #tpu.memory_space<vmem>> -> memref<128x128xf32, #tpu.memory_space<vmem>>
      %dma_wait3A_89 = arith.constant 0 : i32
      %dma_wait3A_90 = tpu.memref_slice %arg6[%add3A_84, %dma_wait3A_89] : memref<40x128xi32, #tpu.memory_space<vmem>> -> memref<1x128xi32, #tpu.memory_space<vmem>>
      %dma_wait3A_91 = tpu.memref_squeeze %dma_wait3A_90 : memref<1x128xi32, #tpu.memory_space<vmem>> -> memref<128xi32, #tpu.memory_space<vmem>>
      %dma_wait3A_92 = arith.constant 0 : i32
      %dma_wait3A_93 = arith.constant 0 : i32
      %dma_wait3A_94 = tpu.memref_slice %arg2[%dma_wait3A_92, %dma_wait3A_93] : memref<10000x128xf32, #tpu.memory_space<hbm>> -> memref<10000x128xf32, #tpu.memory_space<hbm>>
      tpu.wait_indirect_dma semaphore(%arg11 : memref<!tpu.dma_semaphore, #tpu.memory_space<semaphore_mem>>) src(%dma_wait3A_94 : memref<10000x128xf32, #tpu.memory_space<hbm>>) dst(%dma_wait3A_88 : memref<128x128xf32, #tpu.memory_space<vmem>>)
      %run_scoped3A = arith.constant 0 : i32
      "tpu.region"() ({
        %run_scoped3A_103 = tpu.sem_alloc : memref<!tpu.dma_semaphore, #tpu.memory_space<semaphore_mem>>
        %dma_start3A_104 = arith.constant 0 : i32
        %dma_start3A_105 = arith.constant 0 : i32
        %dma_start3A_106 = tpu.memref_slice %arg8[%run_scoped3A, %dma_start3A_104, %dma_start3A_105] : memref<1x128x128xf32, #tpu.memory_space<vmem>> -> memref<1x128x128xf32, #tpu.memory_space<vmem>>
        %dma_start3A_107 = tpu.memref_squeeze %dma_start3A_106 : memref<1x128x128xf32, #tpu.memory_space<vmem>> -> memref<128x128xf32, #tpu.memory_space<vmem>>
        %dma_start3A_108 = arith.constant 0 : i32
        %dma_start3A_109 = tpu.memref_slice %arg7[%add3A_84, %dma_start3A_108] : memref<40x128xi32, #tpu.memory_space<vmem>> -> memref<1x128xi32, #tpu.memory_space<vmem>>
        %dma_start3A_110 = tpu.memref_squeeze %dma_start3A_109 : memref<1x128xi32, #tpu.memory_space<vmem>> -> memref<128xi32, #tpu.memory_space<vmem>>
        %dma_start3A_111 = arith.constant 0 : i32
        %dma_start3A_112 = arith.constant 0 : i32
        %dma_start3A_113 = tpu.memref_slice %arg10[%dma_start3A_111, %dma_start3A_112] : memref<10008x128xf32, #tpu.memory_space<vmem_shared>> -> memref<10008x128xf32, #tpu.memory_space<vmem_shared>>
        tpu.enqueue_indirect_dma source(%dma_start3A_107 : memref<128x128xf32, #tpu.memory_space<vmem>>) target(%dma_start3A_113 : memref<10008x128xf32, #tpu.memory_space<vmem_shared>>) offsets(%dma_start3A_110 : memref<128xi32, #tpu.memory_space<vmem>>) semaphore(%run_scoped3A_103 : memref<!tpu.dma_semaphore, #tpu.memory_space<semaphore_mem>>) {add = true}
        %dma_wait3A_114 = arith.constant 0 : i32
        %dma_wait3A_115 = arith.constant 0 : i32
        %dma_wait3A_116 = tpu.memref_slice %arg8[%run_scoped3A, %dma_wait3A_114, %dma_wait3A_115] : memref<1x128x128xf32, #tpu.memory_space<vmem>> -> memref<1x128x128xf32, #tpu.memory_space<vmem>>
        %dma_wait3A_117 = tpu.memref_squeeze %dma_wait3A_116 : memref<1x128x128xf32, #tpu.memory_space<vmem>> -> memref<128x128xf32, #tpu.memory_space<vmem>>
        %dma_wait3A_118 = arith.constant 0 : i32
        %dma_wait3A_119 = tpu.memref_slice %arg7[%add3A_84, %dma_wait3A_118] : memref<40x128xi32, #tpu.memory_space<vmem>> -> memref<1x128xi32, #tpu.memory_space<vmem>>
        %dma_wait3A_120 = tpu.memref_squeeze %dma_wait3A_119 : memref<1x128xi32, #tpu.memory_space<vmem>> -> memref<128xi32, #tpu.memory_space<vmem>>
        %dma_wait3A_121 = arith.constant 0 : i32
        %dma_wait3A_122 = arith.constant 0 : i32
        %dma_wait3A_123 = tpu.memref_slice %arg10[%dma_wait3A_121, %dma_wait3A_122] : memref<10008x128xf32, #tpu.memory_space<vmem_shared>> -> memref<10008x128xf32, #tpu.memory_space<vmem_shared>>
        tpu.wait_indirect_dma semaphore(%run_scoped3A_103 : memref<!tpu.dma_semaphore, #tpu.memory_space<semaphore_mem>>) src(%dma_wait3A_117 : memref<128x128xf32, #tpu.memory_space<vmem>>) dst(%dma_wait3A_123 : memref<10008x128xf32, #tpu.memory_space<vmem_shared>>)
        tpu.yield
      }) : () -> ()
      %add3A_95 = arith.constant 1 : i32
      %add3A_96 = arith.addi %add3A_84, %add3A_95 : i32
      %lt3A_97 = arith.constant 40 : i32
      %lt3A_98 = arith.cmpi slt, %add3A_96, %lt3A_97 : i32
      %convert_element_type3A_99 = arith.extui %lt3A_98 : i1 to i32
      %cond3A_100 = arith.constant 0 : i32
      %cond3A_101 = arith.cmpi ne, %convert_element_type3A_99, %cond3A_100 : i32
      scf.if %cond3A_101 {
        %add3A_103 = arith.constant 1 : i32
        %add3A_104 = arith.addi %add3A_84, %add3A_103 : i32
        %dma_start3A_105 = arith.constant 0 : i32
        %dma_start3A_106 = arith.constant 0 : i32
        %dma_start3A_107 = arith.constant 0 : i32
        %dma_start3A_108 = tpu.memref_slice %arg8[%dma_start3A_105, %dma_start3A_106, %dma_start3A_107] : memref<1x128x128xf32, #tpu.memory_space<vmem>> -> memref<1x128x128xf32, #tpu.memory_space<vmem>>
        %dma_start3A_109 = tpu.memref_squeeze %dma_start3A_108 : memref<1x128x128xf32, #tpu.memory_space<vmem>> -> memref<128x128xf32, #tpu.memory_space<vmem>>
        %dma_start3A_110 = arith.constant 0 : i32
        %dma_start3A_111 = tpu.memref_slice %arg6[%add3A_104, %dma_start3A_110] : memref<40x128xi32, #tpu.memory_space<vmem>> -> memref<1x128xi32, #tpu.memory_space<vmem>>
        %dma_start3A_112 = tpu.memref_squeeze %dma_start3A_111 : memref<1x128xi32, #tpu.memory_space<vmem>> -> memref<128xi32, #tpu.memory_space<vmem>>
        %dma_start3A_113 = arith.constant 0 : i32
        %dma_start3A_114 = arith.constant 0 : i32
        %dma_start3A_115 = tpu.memref_slice %arg2[%dma_start3A_113, %dma_start3A_114] : memref<10000x128xf32, #tpu.memory_space<hbm>> -> memref<10000x128xf32, #tpu.memory_space<hbm>>
        tpu.enqueue_indirect_dma source(%dma_start3A_115 : memref<10000x128xf32, #tpu.memory_space<hbm>>) target(%dma_start3A_109 : memref<128x128xf32, #tpu.memory_space<vmem>>) offsets(%dma_start3A_112 : memref<128xi32, #tpu.memory_space<vmem>>) semaphore(%arg11 : memref<!tpu.dma_semaphore, #tpu.memory_space<semaphore_mem>>)
      } else {
      }
      %scan3A_102 = arith.constant 0 : i32
      scf.yield %scan3A_102 : i32
    }
    %scan3A_41 = arith.constant 40 : i32
    %mul3A_42 = arith.constant 80 : i32
    %mul3A_43 = arith.muli %add3A, %mul3A_42 : i32
    %add3A_44 = arith.constant 40 : i32
    %add3A_45 = arith.addi %mul3A_43, %add3A_44 : i32
    "tpu.region"() ({
      %run_scoped3A = tpu.sem_alloc : memref<!tpu.dma_semaphore, #tpu.memory_space<semaphore_mem>>
      %dma_start3A_79 = arith.constant 0 : i32
      %dma_start3A_80 = tpu.memref_slice %arg3[%add3A_45, %dma_start3A_79] : memref<2560x128xi32, #tpu.memory_space<hbm>> -> memref<40x128xi32, #tpu.memory_space<hbm>>
      %dma_start3A_81 = arith.constant 0 : i32
      %dma_start3A_82 = tpu.memref_slice %arg3[%add3A_45, %dma_start3A_81] : memref<2560x128xi32, #tpu.memory_space<hbm>> -> memref<40x128xi32, #tpu.memory_space<hbm>>
      tpu.enqueue_dma source(%dma_start3A_82 : memref<40x128xi32, #tpu.memory_space<hbm>>) target(%arg6 : memref<40x128xi32, #tpu.memory_space<vmem>>) target_semaphore(%run_scoped3A : memref<!tpu.dma_semaphore, #tpu.memory_space<semaphore_mem>>)
      %dma_wait3A = arith.constant 0 : i32
      %dma_wait3A_83 = tpu.memref_slice %arg3[%add3A_45, %dma_wait3A] : memref<2560x128xi32, #tpu.memory_space<hbm>> -> memref<40x128xi32, #tpu.memory_space<hbm>>
      %dma_wait3A_84 = arith.constant 0 : i32
      %dma_wait3A_85 = tpu.memref_slice %arg3[%add3A_45, %dma_wait3A_84] : memref<2560x128xi32, #tpu.memory_space<hbm>> -> memref<40x128xi32, #tpu.memory_space<hbm>>
      tpu.wait_dma2 semaphore(%run_scoped3A : memref<!tpu.dma_semaphore, #tpu.memory_space<semaphore_mem>>) src(%dma_wait3A_85 : memref<40x128xi32, #tpu.memory_space<hbm>>) dst(%arg6 : memref<40x128xi32, #tpu.memory_space<vmem>>)
      tpu.yield
    }) : () -> ()
    %mul3A_46 = arith.constant 80 : i32
    %mul3A_47 = arith.muli %add3A, %mul3A_46 : i32
    %add3A_48 = arith.constant 40 : i32
    %add3A_49 = arith.addi %mul3A_47, %add3A_48 : i32
    "tpu.region"() ({
      %run_scoped3A = tpu.sem_alloc : memref<!tpu.dma_semaphore, #tpu.memory_space<semaphore_mem>>
      %dma_start3A_79 = arith.constant 0 : i32
      %dma_start3A_80 = tpu.memref_slice %arg4[%add3A_49, %dma_start3A_79] : memref<2560x128xi32, #tpu.memory_space<hbm>> -> memref<40x128xi32, #tpu.memory_space<hbm>>
      %dma_start3A_81 = arith.constant 0 : i32
      %dma_start3A_82 = tpu.memref_slice %arg4[%add3A_49, %dma_start3A_81] : memref<2560x128xi32, #tpu.memory_space<hbm>> -> memref<40x128xi32, #tpu.memory_space<hbm>>
      tpu.enqueue_dma source(%dma_start3A_82 : memref<40x128xi32, #tpu.memory_space<hbm>>) target(%arg7 : memref<40x128xi32, #tpu.memory_space<vmem>>) target_semaphore(%run_scoped3A : memref<!tpu.dma_semaphore, #tpu.memory_space<semaphore_mem>>)
      %dma_wait3A = arith.constant 0 : i32
      %dma_wait3A_83 = tpu.memref_slice %arg4[%add3A_49, %dma_wait3A] : memref<2560x128xi32, #tpu.memory_space<hbm>> -> memref<40x128xi32, #tpu.memory_space<hbm>>
      %dma_wait3A_84 = arith.constant 0 : i32
      %dma_wait3A_85 = tpu.memref_slice %arg4[%add3A_49, %dma_wait3A_84] : memref<2560x128xi32, #tpu.memory_space<hbm>> -> memref<40x128xi32, #tpu.memory_space<hbm>>
      tpu.wait_dma2 semaphore(%run_scoped3A : memref<!tpu.dma_semaphore, #tpu.memory_space<semaphore_mem>>) src(%dma_wait3A_85 : memref<40x128xi32, #tpu.memory_space<hbm>>) dst(%arg7 : memref<40x128xi32, #tpu.memory_space<vmem>>)
      tpu.yield
    }) : () -> ()
    %dma_start3A_50 = arith.constant 0 : i32
    %dma_start3A_51 = arith.constant 0 : i32
    %dma_start3A_52 = arith.constant 0 : i32
    %dma_start3A_53 = arith.constant 0 : i32
    %dma_start3A_54 = tpu.memref_slice %arg8[%dma_start3A_51, %dma_start3A_52, %dma_start3A_53] : memref<1x128x128xf32, #tpu.memory_space<vmem>> -> memref<1x128x128xf32, #tpu.memory_space<vmem>>
    %dma_start3A_55 = tpu.memref_squeeze %dma_start3A_54 : memref<1x128x128xf32, #tpu.memory_space<vmem>> -> memref<128x128xf32, #tpu.memory_space<vmem>>
    %dma_start3A_56 = arith.constant 0 : i32
    %dma_start3A_57 = tpu.memref_slice %arg6[%dma_start3A_50, %dma_start3A_56] : memref<40x128xi32, #tpu.memory_space<vmem>> -> memref<1x128xi32, #tpu.memory_space<vmem>>
    %dma_start3A_58 = tpu.memref_squeeze %dma_start3A_57 : memref<1x128xi32, #tpu.memory_space<vmem>> -> memref<128xi32, #tpu.memory_space<vmem>>
    %dma_start3A_59 = arith.constant 0 : i32
    %dma_start3A_60 = arith.constant 0 : i32
    %dma_start3A_61 = tpu.memref_slice %arg2[%dma_start3A_59, %dma_start3A_60] : memref<10000x128xf32, #tpu.memory_space<hbm>> -> memref<10000x128xf32, #tpu.memory_space<hbm>>
    tpu.enqueue_indirect_dma source(%dma_start3A_61 : memref<10000x128xf32, #tpu.memory_space<hbm>>) target(%dma_start3A_55 : memref<128x128xf32, #tpu.memory_space<vmem>>) offsets(%dma_start3A_58 : memref<128xi32, #tpu.memory_space<vmem>>) semaphore(%arg11 : memref<!tpu.dma_semaphore, #tpu.memory_space<semaphore_mem>>)
    %scan3A_62 = arith.constant 0 : i32
    %scan3A_63 = arith.constant 0 : i32
    %scan3A_64 = arith.constant 40 : i32
    %scan3A_65 = arith.addi %scan3A_63, %scan3A_64 : i32
    %scan3A_66 = arith.constant 1 : i32
    %scan3A_67 = scf.for %scan3A_79 = %scan3A_63 to %scan3A_65 step %scan3A_66 iter_args(%scan3A_80 = %scan3A_62) -> (i32)  : i32 {
      %mul3A_81 = arith.constant 1 : i32
      %mul3A_82 = arith.muli %scan3A_79, %mul3A_81 : i32
      %add3A_83 = arith.constant 0 : i32
      %add3A_84 = arith.addi %mul3A_82, %add3A_83 : i32
      %dma_wait3A = arith.constant 0 : i32
      %dma_wait3A_85 = arith.constant 0 : i32
      %dma_wait3A_86 = arith.constant 0 : i32
      %dma_wait3A_87 = tpu.memref_slice %arg8[%dma_wait3A, %dma_wait3A_85, %dma_wait3A_86] : memref<1x128x128xf32, #tpu.memory_space<vmem>> -> memref<1x128x128xf32, #tpu.memory_space<vmem>>
      %dma_wait3A_88 = tpu.memref_squeeze %dma_wait3A_87 : memref<1x128x128xf32, #tpu.memory_space<vmem>> -> memref<128x128xf32, #tpu.memory_space<vmem>>
      %dma_wait3A_89 = arith.constant 0 : i32
      %dma_wait3A_90 = tpu.memref_slice %arg6[%add3A_84, %dma_wait3A_89] : memref<40x128xi32, #tpu.memory_space<vmem>> -> memref<1x128xi32, #tpu.memory_space<vmem>>
      %dma_wait3A_91 = tpu.memref_squeeze %dma_wait3A_90 : memref<1x128xi32, #tpu.memory_space<vmem>> -> memref<128xi32, #tpu.memory_space<vmem>>
      %dma_wait3A_92 = arith.constant 0 : i32
      %dma_wait3A_93 = arith.constant 0 : i32
      %dma_wait3A_94 = tpu.memref_slice %arg2[%dma_wait3A_92, %dma_wait3A_93] : memref<10000x128xf32, #tpu.memory_space<hbm>> -> memref<10000x128xf32, #tpu.memory_space<hbm>>
      tpu.wait_indirect_dma semaphore(%arg11 : memref<!tpu.dma_semaphore, #tpu.memory_space<semaphore_mem>>) src(%dma_wait3A_94 : memref<10000x128xf32, #tpu.memory_space<hbm>>) dst(%dma_wait3A_88 : memref<128x128xf32, #tpu.memory_space<vmem>>)
      %run_scoped3A = arith.constant 0 : i32
      "tpu.region"() ({
        %run_scoped3A_103 = tpu.sem_alloc : memref<!tpu.dma_semaphore, #tpu.memory_space<semaphore_mem>>
        %dma_start3A_104 = arith.constant 0 : i32
        %dma_start3A_105 = arith.constant 0 : i32
        %dma_start3A_106 = tpu.memref_slice %arg8[%run_scoped3A, %dma_start3A_104, %dma_start3A_105] : memref<1x128x128xf32, #tpu.memory_space<vmem>> -> memref<1x128x128xf32, #tpu.memory_space<vmem>>
        %dma_start3A_107 = tpu.memref_squeeze %dma_start3A_106 : memref<1x128x128xf32, #tpu.memory_space<vmem>> -> memref<128x128xf32, #tpu.memory_space<vmem>>
        %dma_start3A_108 = arith.constant 0 : i32
        %dma_start3A_109 = tpu.memref_slice %arg7[%add3A_84, %dma_start3A_108] : memref<40x128xi32, #tpu.memory_space<vmem>> -> memref<1x128xi32, #tpu.memory_space<vmem>>
        %dma_start3A_110 = tpu.memref_squeeze %dma_start3A_109 : memref<1x128xi32, #tpu.memory_space<vmem>> -> memref<128xi32, #tpu.memory_space<vmem>>
        %dma_start3A_111 = arith.constant 0 : i32
        %dma_start3A_112 = arith.constant 0 : i32
        %dma_start3A_113 = tpu.memref_slice %arg10[%dma_start3A_111, %dma_start3A_112] : memref<10008x128xf32, #tpu.memory_space<vmem_shared>> -> memref<10008x128xf32, #tpu.memory_space<vmem_shared>>
        tpu.enqueue_indirect_dma source(%dma_start3A_107 : memref<128x128xf32, #tpu.memory_space<vmem>>) target(%dma_start3A_113 : memref<10008x128xf32, #tpu.memory_space<vmem_shared>>) offsets(%dma_start3A_110 : memref<128xi32, #tpu.memory_space<vmem>>) semaphore(%run_scoped3A_103 : memref<!tpu.dma_semaphore, #tpu.memory_space<semaphore_mem>>) {add = true}
        %dma_wait3A_114 = arith.constant 0 : i32
        %dma_wait3A_115 = arith.constant 0 : i32
        %dma_wait3A_116 = tpu.memref_slice %arg8[%run_scoped3A, %dma_wait3A_114, %dma_wait3A_115] : memref<1x128x128xf32, #tpu.memory_space<vmem>> -> memref<1x128x128xf32, #tpu.memory_space<vmem>>
        %dma_wait3A_117 = tpu.memref_squeeze %dma_wait3A_116 : memref<1x128x128xf32, #tpu.memory_space<vmem>> -> memref<128x128xf32, #tpu.memory_space<vmem>>
        %dma_wait3A_118 = arith.constant 0 : i32
        %dma_wait3A_119 = tpu.memref_slice %arg7[%add3A_84, %dma_wait3A_118] : memref<40x128xi32, #tpu.memory_space<vmem>> -> memref<1x128xi32, #tpu.memory_space<vmem>>
        %dma_wait3A_120 = tpu.memref_squeeze %dma_wait3A_119 : memref<1x128xi32, #tpu.memory_space<vmem>> -> memref<128xi32, #tpu.memory_space<vmem>>
        %dma_wait3A_121 = arith.constant 0 : i32
        %dma_wait3A_122 = arith.constant 0 : i32
        %dma_wait3A_123 = tpu.memref_slice %arg10[%dma_wait3A_121, %dma_wait3A_122] : memref<10008x128xf32, #tpu.memory_space<vmem_shared>> -> memref<10008x128xf32, #tpu.memory_space<vmem_shared>>
        tpu.wait_indirect_dma semaphore(%run_scoped3A_103 : memref<!tpu.dma_semaphore, #tpu.memory_space<semaphore_mem>>) src(%dma_wait3A_117 : memref<128x128xf32, #tpu.memory_space<vmem>>) dst(%dma_wait3A_123 : memref<10008x128xf32, #tpu.memory_space<vmem_shared>>)
        tpu.yield
      }) : () -> ()
      %add3A_95 = arith.constant 1 : i32
      %add3A_96 = arith.addi %add3A_84, %add3A_95 : i32
      %lt3A_97 = arith.constant 40 : i32
      %lt3A_98 = arith.cmpi slt, %add3A_96, %lt3A_97 : i32
      %convert_element_type3A_99 = arith.extui %lt3A_98 : i1 to i32
      %cond3A_100 = arith.constant 0 : i32
      %cond3A_101 = arith.cmpi ne, %convert_element_type3A_99, %cond3A_100 : i32
      scf.if %cond3A_101 {
        %add3A_103 = arith.constant 1 : i32
        %add3A_104 = arith.addi %add3A_84, %add3A_103 : i32
        %dma_start3A_105 = arith.constant 0 : i32
        %dma_start3A_106 = arith.constant 0 : i32
        %dma_start3A_107 = arith.constant 0 : i32
        %dma_start3A_108 = tpu.memref_slice %arg8[%dma_start3A_105, %dma_start3A_106, %dma_start3A_107] : memref<1x128x128xf32, #tpu.memory_space<vmem>> -> memref<1x128x128xf32, #tpu.memory_space<vmem>>
        %dma_start3A_109 = tpu.memref_squeeze %dma_start3A_108 : memref<1x128x128xf32, #tpu.memory_space<vmem>> -> memref<128x128xf32, #tpu.memory_space<vmem>>
        %dma_start3A_110 = arith.constant 0 : i32
        %dma_start3A_111 = tpu.memref_slice %arg6[%add3A_104, %dma_start3A_110] : memref<40x128xi32, #tpu.memory_space<vmem>> -> memref<1x128xi32, #tpu.memory_space<vmem>>
        %dma_start3A_112 = tpu.memref_squeeze %dma_start3A_111 : memref<1x128xi32, #tpu.memory_space<vmem>> -> memref<128xi32, #tpu.memory_space<vmem>>
        %dma_start3A_113 = arith.constant 0 : i32
        %dma_start3A_114 = arith.constant 0 : i32
        %dma_start3A_115 = tpu.memref_slice %arg2[%dma_start3A_113, %dma_start3A_114] : memref<10000x128xf32, #tpu.memory_space<hbm>> -> memref<10000x128xf32, #tpu.memory_space<hbm>>
        tpu.enqueue_indirect_dma source(%dma_start3A_115 : memref<10000x128xf32, #tpu.memory_space<hbm>>) target(%dma_start3A_109 : memref<128x128xf32, #tpu.memory_space<vmem>>) offsets(%dma_start3A_112 : memref<128xi32, #tpu.memory_space<vmem>>) semaphore(%arg11 : memref<!tpu.dma_semaphore, #tpu.memory_space<semaphore_mem>>)
      } else {
      }
      %scan3A_102 = arith.constant 0 : i32
      scf.yield %scan3A_102 : i32
    }
    %scan3A_68 = arith.constant 40 : i32
    %barrier3A_69 = arith.constant 0 : index
    tpu.barrier barrier_id(%barrier3A_69)
    %lt3A = arith.constant 15 : i32
    %lt3A_70 = arith.cmpi slt, %arg1, %lt3A : i32
    %convert_element_type3A_71 = arith.extui %lt3A_70 : i1 to i32
    %cond3A_72 = arith.constant 0 : i32
    %cond3A_73 = arith.cmpi ne, %convert_element_type3A_71, %cond3A_72 : i32
    scf.if %cond3A_73 {
      %mul3A_79 = arith.constant 624 : i32
      %mul3A_80 = arith.muli %arg1, %mul3A_79 : i32
      %mul3A_81 = arith.constant 624 : i32
      %mul3A_82 = arith.muli %arg1, %mul3A_81 : i32
      "tpu.region"() ({
        %run_scoped3A = tpu.sem_alloc : memref<!tpu.dma_semaphore, #tpu.memory_space<semaphore_mem>>
        %dma_start3A_83 = arith.constant 0 : i32
        %dma_start3A_84 = tpu.memref_slice %arg5[%arg0, %mul3A_82, %dma_start3A_83] : memref<2x10000x128xf32, #tpu.memory_space<hbm>> -> memref<1x624x128xf32, #tpu.memory_space<hbm>>
        %dma_start3A_85 = tpu.memref_squeeze %dma_start3A_84 : memref<1x624x128xf32, #tpu.memory_space<hbm>> -> memref<624x128xf32, #tpu.memory_space<hbm>>
        %dma_start3A_86 = arith.constant 0 : i32
        %dma_start3A_87 = tpu.memref_slice %arg10[%mul3A_80, %dma_start3A_86] : memref<10008x128xf32, #tpu.memory_space<vmem_shared>> -> memref<624x128xf32, #tpu.memory_space<vmem_shared>>
        tpu.enqueue_dma source(%dma_start3A_87 : memref<624x128xf32, #tpu.memory_space<vmem_shared>>) target(%dma_start3A_85 : memref<624x128xf32, #tpu.memory_space<hbm>>) target_semaphore(%run_scoped3A : memref<!tpu.dma_semaphore, #tpu.memory_space<semaphore_mem>>)
        %dma_wait3A = arith.constant 0 : i32
        %dma_wait3A_88 = tpu.memref_slice %arg5[%arg0, %mul3A_82, %dma_wait3A] : memref<2x10000x128xf32, #tpu.memory_space<hbm>> -> memref<1x624x128xf32, #tpu.memory_space<hbm>>
        %dma_wait3A_89 = tpu.memref_squeeze %dma_wait3A_88 : memref<1x624x128xf32, #tpu.memory_space<hbm>> -> memref<624x128xf32, #tpu.memory_space<hbm>>
        %dma_wait3A_90 = arith.constant 0 : i32
        %dma_wait3A_91 = tpu.memref_slice %arg10[%mul3A_80, %dma_wait3A_90] : memref<10008x128xf32, #tpu.memory_space<vmem_shared>> -> memref<624x128xf32, #tpu.memory_space<vmem_shared>>
        tpu.wait_dma2 semaphore(%run_scoped3A : memref<!tpu.dma_semaphore, #tpu.memory_space<semaphore_mem>>) src(%dma_wait3A_91 : memref<624x128xf32, #tpu.memory_space<vmem_shared>>) dst(%dma_wait3A_89 : memref<624x128xf32, #tpu.memory_space<hbm>>)
        tpu.yield
      }) : () -> ()
    } else {
    }
    %eq3A_74 = arith.constant 15 : i32
    %eq3A_75 = arith.cmpi eq, %arg1, %eq3A_74 : i32
    %convert_element_type3A_76 = arith.extui %eq3A_75 : i1 to i32
    %cond3A_77 = arith.constant 0 : i32
    %cond3A_78 = arith.cmpi ne, %convert_element_type3A_76, %cond3A_77 : i32
    scf.if %cond3A_78 {
      "tpu.region"() ({
        %run_scoped3A = tpu.sem_alloc : memref<!tpu.dma_semaphore, #tpu.memory_space<semaphore_mem>>
        %dma_start3A_79 = arith.constant 9360 : i32
        %dma_start3A_80 = arith.constant 0 : i32
        %dma_start3A_81 = tpu.memref_slice %arg5[%arg0, %dma_start3A_79, %dma_start3A_80] : memref<2x10000x128xf32, #tpu.memory_space<hbm>> -> memref<1x640x128xf32, #tpu.memory_space<hbm>>
        %dma_start3A_82 = tpu.memref_squeeze %dma_start3A_81 : memref<1x640x128xf32, #tpu.memory_space<hbm>> -> memref<640x128xf32, #tpu.memory_space<hbm>>
        %dma_start3A_83 = arith.constant 9360 : i32
        %dma_start3A_84 = arith.constant 0 : i32
        %dma_start3A_85 = tpu.memref_slice %arg10[%dma_start3A_83, %dma_start3A_84] : memref<10008x128xf32, #tpu.memory_space<vmem_shared>> -> memref<640x128xf32, #tpu.memory_space<vmem_shared>>
        tpu.enqueue_dma source(%dma_start3A_85 : memref<640x128xf32, #tpu.memory_space<vmem_shared>>) target(%dma_start3A_82 : memref<640x128xf32, #tpu.memory_space<hbm>>) target_semaphore(%run_scoped3A : memref<!tpu.dma_semaphore, #tpu.memory_space<semaphore_mem>>)
        %dma_wait3A = arith.constant 9360 : i32
        %dma_wait3A_86 = arith.constant 0 : i32
        %dma_wait3A_87 = tpu.memref_slice %arg5[%arg0, %dma_wait3A, %dma_wait3A_86] : memref<2x10000x128xf32, #tpu.memory_space<hbm>> -> memref<1x640x128xf32, #tpu.memory_space<hbm>>
        %dma_wait3A_88 = tpu.memref_squeeze %dma_wait3A_87 : memref<1x640x128xf32, #tpu.memory_space<hbm>> -> memref<640x128xf32, #tpu.memory_space<hbm>>
        %dma_wait3A_89 = arith.constant 9360 : i32
        %dma_wait3A_90 = arith.constant 0 : i32
        %dma_wait3A_91 = tpu.memref_slice %arg10[%dma_wait3A_89, %dma_wait3A_90] : memref<10008x128xf32, #tpu.memory_space<vmem_shared>> -> memref<640x128xf32, #tpu.memory_space<vmem_shared>>
        tpu.wait_dma2 semaphore(%run_scoped3A : memref<!tpu.dma_semaphore, #tpu.memory_space<semaphore_mem>>) src(%dma_wait3A_91 : memref<640x128xf32, #tpu.memory_space<vmem_shared>>) dst(%dma_wait3A_88 : memref<640x128xf32, #tpu.memory_space<hbm>>)
        tpu.yield
      }) : () -> ()
    } else {
    }
    return
  }
}

module attributes {stable_mosaic.version = 14 : i64} {
  func.func @_gin_mlp_body(%arg0: memref<10000x128xf32, #tpu.memory_space<vmem>>, %arg1: memref<2x10000x128xf32, #tpu.memory_space<vmem>>, %arg2: memref<1x1xf32, #tpu.memory_space<vmem>>, %arg3: memref<128x128xf32, #tpu.memory_space<vmem>>, %arg4: memref<1x128xf32, #tpu.memory_space<vmem>>, %arg5: memref<128x128xf32, #tpu.memory_space<vmem>>, %arg6: memref<1x128xf32, #tpu.memory_space<vmem>>, %arg7: memref<10000x128xf32, #tpu.memory_space<vmem>>) attributes {dimension_semantics = [], scalar_prefetch = 0 : i64, scratch_operands = 0 : i64, tpu.core_type = #tpu.core_type<tc>} {
    %get3A = arith.constant 0 : index
    %get3A_0 = arith.constant 0 : index
    %get3A_1 = vector.load %arg2[%get3A, %get3A_0] : memref<1x1xf32, #tpu.memory_space<vmem>>, vector<1x1xf32>
    %get3A_2 = vector.extract %get3A_1[0, 0] : f32 from vector<1x1xf32>
    %add3A = arith.constant 1.000000e+00 : f32
    %add3A_3 = arith.addf %add3A, %get3A_2 : f32
    %get3A_4 = arith.constant 0 : index
    %get3A_5 = arith.constant 0 : index
    %get3A_6 = vector.load %arg0[%get3A_4, %get3A_5] : memref<10000x128xf32, #tpu.memory_space<vmem>>, vector<10000x128xf32>
    %mul3A = vector.broadcast %add3A_3 : f32 to vector<10000x128xf32>
    %mul3A_7 = arith.mulf %mul3A, %get3A_6 : vector<10000x128xf32>
    %get3A_8 = arith.constant 0 : index
    %get3A_9 = arith.constant 0 : index
    %get3A_10 = arith.constant 0 : index
    %get3A_11 = vector.load %arg1[%get3A_8, %get3A_9, %get3A_10] : memref<2x10000x128xf32, #tpu.memory_space<vmem>>, vector<1x10000x128xf32>
    %get3A_12 = vector.shape_cast %get3A_11 : vector<1x10000x128xf32> to vector<10000x128xf32>
    %add3A_13 = arith.addf %mul3A_7, %get3A_12 : vector<10000x128xf32>
    %get3A_14 = arith.constant 1 : index
    %get3A_15 = arith.constant 0 : index
    %get3A_16 = arith.constant 0 : index
    %get3A_17 = vector.load %arg1[%get3A_14, %get3A_15, %get3A_16] : memref<2x10000x128xf32, #tpu.memory_space<vmem>>, vector<1x10000x128xf32>
    %get3A_18 = vector.shape_cast %get3A_17 : vector<1x10000x128xf32> to vector<10000x128xf32>
    %add3A_19 = arith.addf %add3A_13, %get3A_18 : vector<10000x128xf32>
    %get3A_20 = arith.constant 0 : index
    %get3A_21 = arith.constant 0 : index
    %get3A_22 = vector.load %arg3[%get3A_20, %get3A_21] : memref<128x128xf32, #tpu.memory_space<vmem>>, vector<128x128xf32>
    %dot_general3A = arith.constant dense<0.000000e+00> : vector<10000x128xf32>
    %dot_general3A_23 = tpu.matmul %add3A_19, %get3A_22, %dot_general3A {dimension_numbers = #tpu.dot_dimension_numbers<[1], [0], [0], [1], [0, 0, 1, 1], [], []>, transpose_lhs_hint = false} : vector<10000x128xf32>, vector<128x128xf32>, vector<10000x128xf32> -> vector<10000x128xf32>
    %get3A_24 = arith.constant 0 : index
    %get3A_25 = arith.constant 0 : index
    %get3A_26 = vector.load %arg4[%get3A_24, %get3A_25] : memref<1x128xf32, #tpu.memory_space<vmem>>, vector<1x128xf32>
    %add3A_27 = vector.broadcast %get3A_26 : vector<1x128xf32> to vector<10000x128xf32>
    %add3A_28 = arith.addf %dot_general3A_23, %add3A_27 : vector<10000x128xf32>
    %max3A = arith.constant 0.000000e+00 : f32
    %max3A_29 = vector.broadcast %max3A : f32 to vector<10000x128xf32>
    %max3A_30 = arith.maximumf %add3A_28, %max3A_29 : vector<10000x128xf32>
    %get3A_31 = arith.constant 0 : index
    %get3A_32 = arith.constant 0 : index
    %get3A_33 = vector.load %arg5[%get3A_31, %get3A_32] : memref<128x128xf32, #tpu.memory_space<vmem>>, vector<128x128xf32>
    %dot_general3A_34 = arith.constant dense<0.000000e+00> : vector<10000x128xf32>
    %dot_general3A_35 = tpu.matmul %max3A_30, %get3A_33, %dot_general3A_34 {dimension_numbers = #tpu.dot_dimension_numbers<[1], [0], [0], [1], [0, 0, 1, 1], [], []>, transpose_lhs_hint = false} : vector<10000x128xf32>, vector<128x128xf32>, vector<10000x128xf32> -> vector<10000x128xf32>
    %get3A_36 = arith.constant 0 : index
    %get3A_37 = arith.constant 0 : index
    %get3A_38 = vector.load %arg6[%get3A_36, %get3A_37] : memref<1x128xf32, #tpu.memory_space<vmem>>, vector<1x128xf32>
    %add3A_39 = vector.broadcast %get3A_38 : vector<1x128xf32> to vector<10000x128xf32>
    %add3A_40 = arith.addf %dot_general3A_35, %add3A_39 : vector<10000x128xf32>
    %swap3A = arith.constant 0 : index
    %swap3A_41 = arith.constant 0 : index
    %swap3A_42 = vector.load %arg7[%swap3A, %swap3A_41] : memref<10000x128xf32, #tpu.memory_space<vmem>>, vector<10000x128xf32>
    tpu.vector_store %arg7[%swap3A, %swap3A_41], %add3A_40 {strides = array<i32>} : memref<10000x128xf32, #tpu.memory_space<vmem>>, vector<10000x128xf32>,
    return
  }
}

module attributes {stable_mosaic.version = 14 : i64} {
  func.func @_norm_body(%arg0: memref<10000x128xf32, #tpu.memory_space<vmem>>, %arg1: memref<1x128xf32, #tpu.memory_space<vmem>>, %arg2: memref<1x128xf32, #tpu.memory_space<vmem>>, %arg3: memref<1x128xf32, #tpu.memory_space<vmem>>, %arg4: memref<1x128xf32, #tpu.memory_space<vmem>>, %arg5: memref<10000x128xf32, #tpu.memory_space<vmem>>) attributes {dimension_semantics = [], scalar_prefetch = 0 : i64, scratch_operands = 0 : i64, tpu.core_type = #tpu.core_type<tc>} {
    %get3A = arith.constant 0 : index
    %get3A_0 = arith.constant 0 : index
    %get3A_1 = vector.load %arg0[%get3A, %get3A_0] : memref<10000x128xf32, #tpu.memory_space<vmem>>, vector<10000x128xf32>
    %get3A_2 = arith.constant 0 : index
    %get3A_3 = arith.constant 0 : index
    %get3A_4 = vector.load %arg1[%get3A_2, %get3A_3] : memref<1x128xf32, #tpu.memory_space<vmem>>, vector<1x128xf32>
    %sub3A = vector.broadcast %get3A_4 : vector<1x128xf32> to vector<10000x128xf32>
    %sub3A_5 = arith.subf %get3A_1, %sub3A : vector<10000x128xf32>
    %get3A_6 = arith.constant 0 : index
    %get3A_7 = arith.constant 0 : index
    %get3A_8 = vector.load %arg2[%get3A_6, %get3A_7] : memref<1x128xf32, #tpu.memory_space<vmem>>, vector<1x128xf32>
    %add3A = arith.constant 9.99999974E-6 : f32
    %add3A_9 = vector.broadcast %add3A : f32 to vector<1x128xf32>
    %add3A_10 = arith.addf %get3A_8, %add3A_9 : vector<1x128xf32>
    %sqrt3A = math.sqrt %add3A_10 : vector<1x128xf32>
    %div3A = vector.broadcast %sqrt3A : vector<1x128xf32> to vector<10000x128xf32>
    %div3A_11 = arith.divf %sub3A_5, %div3A : vector<10000x128xf32>
    %get3A_12 = arith.constant 0 : index
    %get3A_13 = arith.constant 0 : index
    %get3A_14 = vector.load %arg3[%get3A_12, %get3A_13] : memref<1x128xf32, #tpu.memory_space<vmem>>, vector<1x128xf32>
    %mul3A = vector.broadcast %get3A_14 : vector<1x128xf32> to vector<10000x128xf32>
    %mul3A_15 = arith.mulf %div3A_11, %mul3A : vector<10000x128xf32>
    %get3A_16 = arith.constant 0 : index
    %get3A_17 = arith.constant 0 : index
    %get3A_18 = vector.load %arg4[%get3A_16, %get3A_17] : memref<1x128xf32, #tpu.memory_space<vmem>>, vector<1x128xf32>
    %add3A_19 = vector.broadcast %get3A_18 : vector<1x128xf32> to vector<10000x128xf32>
    %add3A_20 = arith.addf %mul3A_15, %add3A_19 : vector<10000x128xf32>
    %max3A = arith.constant 0.000000e+00 : f32
    %max3A_21 = vector.broadcast %max3A : f32 to vector<10000x128xf32>
    %max3A_22 = arith.maximumf %add3A_20, %max3A_21 : vector<10000x128xf32>
    %swap3A = arith.constant 0 : index
    %swap3A_23 = arith.constant 0 : index
    %swap3A_24 = vector.load %arg5[%swap3A, %swap3A_23] : memref<10000x128xf32, #tpu.memory_space<vmem>>, vector<10000x128xf32>
    tpu.vector_store %arg5[%swap3A, %swap3A_23], %max3A_22 {strides = array<i32>} : memref<10000x128xf32, #tpu.memory_space<vmem>>, vector<10000x128xf32>,
    return
  }
}

module attributes {stable_mosaic.version = 14 : i64} {
  func.func @_mm_body(%arg0: memref<10000x128xf32, #tpu.memory_space<vmem>>, %arg1: memref<128x128xf32, #tpu.memory_space<vmem>>, %arg2: memref<1x128xf32, #tpu.memory_space<vmem>>, %arg3: memref<10000x128xf32, #tpu.memory_space<vmem>>) attributes {dimension_semantics = [], scalar_prefetch = 0 : i64, scratch_operands = 0 : i64, tpu.core_type = #tpu.core_type<tc>} {
    %get3A = arith.constant 0 : index
    %get3A_0 = arith.constant 0 : index
    %get3A_1 = vector.load %arg0[%get3A, %get3A_0] : memref<10000x128xf32, #tpu.memory_space<vmem>>, vector<10000x128xf32>
    %get3A_2 = arith.constant 0 : index
    %get3A_3 = arith.constant 0 : index
    %get3A_4 = vector.load %arg1[%get3A_2, %get3A_3] : memref<128x128xf32, #tpu.memory_space<vmem>>, vector<128x128xf32>
    %dot_general3A = arith.constant dense<0.000000e+00> : vector<10000x128xf32>
    %dot_general3A_5 = tpu.matmul %get3A_1, %get3A_4, %dot_general3A {dimension_numbers = #tpu.dot_dimension_numbers<[1], [0], [0], [1], [0, 0, 1, 1], [], []>, transpose_lhs_hint = false} : vector<10000x128xf32>, vector<128x128xf32>, vector<10000x128xf32> -> vector<10000x128xf32>
    %get3A_6 = arith.constant 0 : index
    %get3A_7 = arith.constant 0 : index
    %get3A_8 = vector.load %arg2[%get3A_6, %get3A_7] : memref<1x128xf32, #tpu.memory_space<vmem>>, vector<1x128xf32>
    %add3A = vector.broadcast %get3A_8 : vector<1x128xf32> to vector<10000x128xf32>
    %add3A_9 = arith.addf %dot_general3A_5, %add3A : vector<10000x128xf32>
    %swap3A = arith.constant 0 : index
    %swap3A_10 = arith.constant 0 : index
    %swap3A_11 = vector.load %arg3[%swap3A, %swap3A_10] : memref<10000x128xf32, #tpu.memory_space<vmem>>, vector<10000x128xf32>
    tpu.vector_store %arg3[%swap3A, %swap3A_10], %add3A_9 {strides = array<i32>} : memref<10000x128xf32, #tpu.memory_space<vmem>>, vector<10000x128xf32>,
    return
  }
}

module attributes {stable_mosaic.version = 14 : i64} {
  func.func @_mm_body(%arg0: memref<10000x128xf32, #tpu.memory_space<vmem>>, %arg1: memref<128x3xf32, #tpu.memory_space<vmem>>, %arg2: memref<1x3xf32, #tpu.memory_space<vmem>>, %arg3: memref<10000x3xf32, #tpu.memory_space<vmem>>) attributes {dimension_semantics = [], scalar_prefetch = 0 : i64, scratch_operands = 0 : i64, tpu.core_type = #tpu.core_type<tc>} {
    %get3A = arith.constant 0 : index
    %get3A_0 = arith.constant 0 : index
    %get3A_1 = vector.load %arg0[%get3A, %get3A_0] : memref<10000x128xf32, #tpu.memory_space<vmem>>, vector<10000x128xf32>
    %get3A_2 = arith.constant 0 : index
    %get3A_3 = arith.constant 0 : index
    %get3A_4 = vector.load %arg1[%get3A_2, %get3A_3] : memref<128x3xf32, #tpu.memory_space<vmem>>, vector<128x3xf32>
    %dot_general3A = arith.constant dense<0.000000e+00> : vector<10000x3xf32>
    %dot_general3A_5 = tpu.matmul %get3A_1, %get3A_4, %dot_general3A {dimension_numbers = #tpu.dot_dimension_numbers<[1], [0], [0], [1], [0, 0, 1, 1], [], []>, transpose_lhs_hint = false} : vector<10000x128xf32>, vector<128x3xf32>, vector<10000x3xf32> -> vector<10000x3xf32>
    %get3A_6 = arith.constant 0 : index
    %get3A_7 = arith.constant 0 : index
    %get3A_8 = vector.load %arg2[%get3A_6, %get3A_7] : memref<1x3xf32, #tpu.memory_space<vmem>>, vector<1x3xf32>
    %add3A = vector.broadcast %get3A_8 : vector<1x3xf32> to vector<10000x3xf32>
    %add3A_9 = arith.addf %dot_general3A_5, %add3A : vector<10000x3xf32>
    %swap3A = arith.constant 0 : index
    %swap3A_10 = arith.constant 0 : index
    %swap3A_11 = vector.load %arg3[%swap3A, %swap3A_10] : memref<10000x3xf32, #tpu.memory_space<vmem>>, vector<10000x3xf32>
    tpu.vector_store %arg3[%swap3A, %swap3A_10], %add3A_9 {strides = array<i32>} : memref<10000x3xf32, #tpu.memory_space<vmem>>, vector<10000x3xf32>,
    return
  }
}

</mosaic_0001>

<sc_bundles>
// kernel: gather_offload_async_start.1
scs
__scs_entry_jumppad:
0x0: {  	(pc) =	sbr.rel $0x88, $3  }
0x1: {  	(tag) =	ssettag $0x0;
	lr =	simm.s32 $0x1  }
0x2: {  	[smem:$0x3F80] =	sst lr;
	_ =	strace $0xD0000000  }
0x3: {  	_ = 	snop  }
0x4: {  	_ = 	snop  }
0x5: {  	_ = 	snop  }
0x6: {  	_ = 	snop  }
0x7: {  	_ = 	snop  }
__scs_overlays_trampoline_lowered:
0x8: {  	[smem:$0x3F8F] =	sst s0  }
0x9: {  	[smem:$0x3F90] =	sst s1  }
0xa: {  	[smem:$0x3F91] =	sst s2  }
0xb: {  	[smem:$0x3F92] =	sst s3  }
0xc: {  	[smem:$0x3F93] =	sst s4  }
0xd: {  	[smem:$0x3F94] =	sst s5  }
0xe: {  	[smem:$0x3F95] =	sst s6  }
0xf: {  	[smem:$0x3F96] =	sst s7  }
0x10: {  	[smem:$0x3F97] =	sst s8  }
0x11: {  	[smem:$0x3F98] =	sst s9;
	s0 =	simm.s32 @!p0 $0x0  }
0x12: {  	s1 =	sld [smem:$0x3F7E];
	s0 =	simm.s32 @p0 $0x1  }
0x13: {  	[smem:$0x3F99] =	sst s0;
	s0 =	simm.s32 @!p1 $0x0  }
0x14: {  	s2 =	sld [smem:$0x3F7D];
	s0 =	simm.s32 @p1 $0x1  }
0x15: {  	[smem:$0x3F9A] =	sst s0;
	s0 =	simm.s32 @!p2 $0x0  }
0x16: {  	s3 =	sld [smem:$0x3FDB];
	s0 =	simm.s32 @p2 $0x1  }
0x17: {  	s4 =	simm.s32 $0x1BF5;
	[smem:$0x3F9C] =	sst s0  }
0x18: {  	s0 =	sld [smem:$0x3F7F];
	_ =	swait.ge [sflag:s4], $0x0  }
0x19: {  	s7 =	sld [smem:$0x3F80]  }
0x1a: {  	s8 =	sadd.s32 $0xFFFFE003, lr  }
0x1b: {  	s9 =	sadd.s32 $0xFFFFFEF7, lr;
	s5 =	simm.s32 $0xFFFFFFFF;
	p2 =	slt.u32 s8, $0xFFFFF086  }
0x1c: {  	p1 =	slt.u32 s9, $0xF7A;
	s5 =	simm.s32 @!p2 $0x0  }
0x1d: {  	s5 =	simm.s32 @p1 $0x1;
	p0 =	seq.s32 s7, s2  }
0x1e: {  	s7 =	smul.u32 @!p0 $0xF7A, s2;
	p2 =	seq.s32 @!p0 s5, $0x0  }
0x1f: {  	s9 =	smul.u32 $0xF7A, s1;
	s8 =	simm.s32 @!p0 $0x1BF5;
	p2 =	por !p2, p0  }
0x20: {  	[sflag:s8] =	ssyncset.s32 @!p0 $0xFFFFF086;
	s6 =	sadd.s32 @!p0 s3, s7;
	s7 =	simm.s32 @!p0 $0x108  }
0x21: {  	s3 =	sadd.s32 s3, s9;
	s6 =	sadd.s32 @!p0 $0x88, s6;
	s7 =	simm.s32 @p2 $0x1082  }
0x22: {  	[simem:s7], [sflag:s8] =	dma.local @!p0 [hbm:s6], $0xF7A  }
0x23: {  	s9 =	sor.u32 $0xD0000000, s2;
	s6 =	simm.s32 $0x108;
	_ =	swait.ge @!p0 [sflag:s8], $0x0  }
0x24: {  	s3 =	sadd.s32 $0x88, s3;
	s6 =	simm.s32 @!p1 $0x1082;
	[sflag:s4] =	ssyncset.s32 $0xFFFFF086  }
0x25: {  	[simem:s6], [sflag:s4] =	dma.local [hbm:s3], $0xF7A  }
0x26: {  	[smem:$0x3F80] =	sst s1;
	(tag) =	ssettag s2;
	_ =	strace s9  }
0x27: {  	s1 =	sld [smem:$0x3F90]  }
0x28: {  	s2 =	sld [smem:$0x3F91]  }
0x29: {  	s4 =	sld [smem:$0x3F93]  }
0x2a: {  	p0 =	seq.s32 s5, $0x0;
	s5 =	sld [smem:$0x3F94]  }
0x2b: {  	s6 =	sld [smem:$0x3F95]  }
0x2c: {  	s7 =	sld [smem:$0x3F96]  }
0x2d: {  	s3 =	simm.s32 $0x108;
	s8 =	sld [smem:$0x3F97]  }
0x2e: {  	s3 =	simm.s32 @!p0 $0x1082;
	s9 =	sld [smem:$0x3F98]  }
0x2f: {  	lr =	sadd.s32 s0, s3;
	s0 =	sld [smem:$0x3F8F]  }
0x30: {  	s3 =	sld [smem:$0x3F92]  }
0x31: {  	[smem:$0x3F9B] =	sst s10  }
0x32: {  	s10 =	sld [smem:$0x3F99];
	_ =	sdelay $0x3  }
0x33: {  	p0 =	seq.s32 s10, $0x1;
	s10 =	sld [smem:$0x3F9B];
	_ =	sdelay $0x3  }
0x34: {  	[smem:$0x3F9B] =	sst s10  }
0x35: {  	s10 =	sld [smem:$0x3F9A];
	_ =	sdelay $0x3  }
0x36: {  	p1 =	seq.s32 s10, $0x1;
	s10 =	sld [smem:$0x3F9B];
	_ =	sdelay $0x3  }
0x37: {  	[smem:$0x3F9B] =	sst s10  }
0x38: {  	s10 =	sld [smem:$0x3F9C]  }
0x39: {  	_ = 	snop;
	(pc) =	sbr.ind lr, $3  }
0x3a: {  	_ = 	snop  }
0x3b: {  	_ = 	snop  }
0x3c: {  	p2 =	seq.s32 s10, $0x1;
	s10 =	sld [smem:$0x3F9B]  }
0x3d: {  	_ =	shalt  }
0x3e: {  	_ =	shalt  }
0x3f: {  	_ =	shalt  }
0x40: {  	_ =	shalt  }
0x41: {  	_ =	shalt  }
0x42: {  	_ =	shalt  }
0x43: {  	_ =	shalt  }
0x44: {  	_ =	shalt  }
0x45: {  	_ =	shalt  }
0x46: {  	_ =	shalt  }
0x47: {  	_ =	shalt  }
0x48: {  	_ =	shalt  }
0x49: {  	_ =	shalt  }
0x4a: {  	_ =	shalt  }
0x4b: {  	_ =	shalt  }
0x4c: {  	_ =	shalt  }
0x4d: {  	_ =	shalt  }
0x4e: {  	_ =	shalt  }
0x4f: {  	_ =	shalt  }
0x50: {  	_ =	shalt  }
0x51: {  	_ =	shalt  }
0x52: {  	_ =	shalt  }
0x53: {  	_ =	shalt  }
0x54: {  	_ =	shalt  }
0x55: {  	_ =	shalt  }
0x56: {  	_ =	shalt  }
0x57: {  	_ =	shalt  }
0x58: {  	_ =	shalt  }
0x59: {  	_ =	shalt  }
0x5a: {  	_ =	shalt  }
0x5b: {  	_ =	shalt  }
0x5c: {  	_ =	shalt  }
0x5d: {  	_ =	shalt  }
0x5e: {  	_ =	shalt  }
0x5f: {  	_ =	shalt  }
0x60: {  	_ =	shalt  }
0x61: {  	_ =	shalt  }
0x62: {  	_ =	shalt  }
0x63: {  	_ =	shalt  }
0x64: {  	_ =	shalt  }
0x65: {  	_ =	shalt  }
0x66: {  	_ =	shalt  }
0x67: {  	_ =	shalt  }
0x68: {  	_ =	shalt  }
0x69: {  	_ =	shalt  }
0x6a: {  	_ =	shalt  }
0x6b: {  	_ =	shalt  }
0x6c: {  	_ =	shalt  }
0x6d: {  	_ =	shalt  }
0x6e: {  	_ =	shalt  }
0x6f: {  	_ =	shalt  }
0x70: {  	_ =	shalt  }
0x71: {  	_ =	shalt  }
0x72: {  	_ =	shalt  }
0x73: {  	_ =	shalt  }
0x74: {  	_ =	shalt  }
0x75: {  	_ =	shalt  }
0x76: {  	_ =	shalt  }
0x77: {  	_ =	shalt  }
0x78: {  	_ =	shalt  }
0x79: {  	_ =	shalt  }
0x7a: {  	_ =	shalt  }
0x7b: {  	_ =	shalt  }
0x7c: {  	_ =	shalt  }
0x7d: {  	_ =	shalt  }
0x7e: {  	_ =	shalt  }
0x7f: {  	_ =	shalt  }
0x80: {  	_ =	shalt  }
0x81: {  	_ =	shalt  }
0x82: {  	_ =	shalt  }
0x83: {  	_ =	shalt  }
0x84: {  	_ =	shalt  }
0x85: {  	_ =	shalt  }
0x86: {  	_ =	shalt  }
0x87: {  	_ =	shalt  }
.Lfunc_end0:
.L_simem_size_0:
called_computation.1_lowered:
.L_overlay_start_0:
0x88: {  	s2 =	sld [smem:$0x3FD9]  }
0x89: {  	s3 =	sld [smem:$0x3FFE];
	_ =	sdelay $0x1  }
0x8a: {  	s1 =	srdreg.scid  }
0x8b: {  	s0 =	sand.u32 $0x1, s1  }
0x8c: {  	s16 =	sshll.u32 s0, $0xA;
	s2 =	sadd.s32 s3, s2  }
0x8d: {  	s2 =	sadd.s32 s2, s16  }
0x8e: {  	[smem:$0x3FA7] =	sst s2  }
0x8f: {  	_ = 	snop  }
0x90: {  	(tm) =	ssettm $0x1  }
0x91: {  	s17 =	sld [smem:$0x3FFB];
	_ =	sdelay $0x3  }
0x92: {  	_ =	strace s17  }
0x93: {  	s2 =	sld [smem:$0x3FFC];
	_ =	sdelay $0x3  }
0x94: {  	_ =	strace s2  }
0x95: {  	s2 =	sld [smem:$0x3FFD];
	_ =	sdelay $0x3  }
0x96: {  	_ =	strace s2  }
0x97: {  	_ =	strace $0x8FFFFFFF  }
0x98: {  	s18 =	sld [smem:$0x3FDB];
	_ =	sdelay $0x1  }
0x99: {  	s19 =	simm.s32 $_scs_section_size  }
0x9a: {  	s4 =	simm.s32 $_size__tile_overlayer_lowered;
	s5 =	simm.s32 $_tile_overlayer_lowered  }
0x9b: {  	s22 =	simm.s32 $0x1BFF;
	s21 =	sshll.u32 s5, $0x1;
	s2 =	sadd.s32 s19, s18  }
0x9c: {  	s6 =	simm.s32 $0x0;
	s20 =	sshll.u32 s4, $0x1;
	s4 =	sadd.s32 s21, s2  }
0x9d: {  	[timem:s6], [sflag:s22] =	dma.local [hbm:s4], s20  }
0x9e: {  	_ =	swait.ge [sflag:s22], s20  }
0x9f: {  	s3 =	ssub.s32 $0x0, s20;
	[sflag:s22] =	ssyncset.done $0x0  }
0xa0: {  	[sflag:s22] =	ssyncadd.s32 s3;
	_ =	sdelay $0x1  }
0xa1: {  	s23 =	simm.s32 $0x1B8B  }
0xa2: {  	_ =	swait.ge [sflag:s23], $0x1  }
0xa3: {  	[sflag:s23] =	ssyncset.done $0x0  }
0xa4: {  	s25 =	simm.s32 $0x1B8E;
	s24 =	sld [smem:$0x3FFE];
	[sflag:s23] =	ssyncadd.s32 $0xFFFFFFFF  }
0xa5: {  	s26 =	simm.s32 $execute0_lowered;
	[smem:$0x3FD2] =	sst s25  }
0xa6: {  	s4 =	sshll.u32 s26, $0x1;
	_ =	strace $0x80000046;
	[dreg:$0x1] =	wrdreg $0xFFFFFFFF  }
0xa7: {  	s28 =	simm.s32 $_size_execute0_lowered;
	s2 =	sadd.s32 s2, s4;
	[dreg:$0x0] =	wrdreg $0x0  }
0xa8: {  	s4 =	sshll.u32 s28, $0x1;
	[dreg:$0x2] =	wrdreg s2  }
0xa9: {  	[dreg:$0x3] =	wrdreg s4  }
0xaa: {  	[dreg:$0x4] =	wrdreg $0xC0  }
0xab: {  	_ =	task [dreg:s6], $0x5FFFF  }
0xac: {  	[dreg:$0x1] =	wrdreg $0xFFFFFFFF  }
0xad: {  	[dreg:$0x0] =	wrdreg $0x60  }
0xae: {  	[dreg:$0x2] =	wrdreg s24  }
0xaf: {  	[dreg:$0x3] =	wrdreg $0x9  }
0xb0: {  	_ =	task.clear_ibuf [dreg:s6], $0x4FFFF;
	_ =	strace $0x90000046  }
0xb1: {  	s29 =	simm.s32 $0x9;
	_ =	strace $0x80000048  }
0xb2: {  	_ =	swait.ge [sflag:s29], $0x1  }
0xb3: {  	[sflag:s29] =	ssyncadd.s32 $0xFFFFFFFF  }
0xb4: {  	_ =	strace $0x90000048  }
0xb5: {  	_ =	sfence  }
0xb6: {  	s30 =	sld [smem:$0x0];
	_ =	sdelay $0x2  }
0xb7: {  	s31 =	sshll.u32 s1, $0xD;
	s1 =	sshrl.u32 s1, $0x2  }
0xb8: {  	s3 =	sand.u32 $0x4000, s31;
	s1 =	sadd.s32 s1, s30  }
0xb9: {  	s0 =	sor.u32 s3, s0;
	s1 =	sshll.u32 s1, $0x11  }
0xba: {  	s0 =	sor.u32 s1, s0  }
0xbb: {  	s0 =	sadd.s32 $0x8F2B, s0  }
0xbc: {  	[sflag:s0] =	ssyncadd.remote.s32 $0x1  }
0xbd: {  	_ =	sfence.sel $0xFFFF  }
0xbe: {  	[dreg:$0x0] =	wrdreg $0xFFFFFFFF;
	(pc) =	sbr.abs _section_cstart, $3  }
0xbf: {  	[dreg:$0x1] =	wrdreg $0xFFFFFFFF  }
0xc0: {  	_ =	task.clear_ibuf [dreg:s6], $0x2FFFF;
	_ =	strace $0x9FFFFFFF  }
0xc1: {  	(tm) =	ssettm $0x7FFFFFFF  }
tec
execute0_lowered:
.L_overlay_start_1:
0x0: {  	(tag) =	ssettag $0x1  }
0x1: {  	s8 =	rddreg [dreg:$0x0]  }
0x2: {  	s0 =	rddreg [dreg:$0x1];
	_ =	strace $0x80000047;
	s1 =	stileid.u32  }
0x3: {  	s3 =	srdreg.scid;
	s4 =	simm.s32 $0x1;
	s7 =	simm.s32 $0x1  }
0x4: {  	s9 =	simm.s32 $0x1;
	s10 =	simm.s32 $0x3;
	s13 =	simm.s32 $0x0  }
0x5: {  	s12 =	simm.s32 $0x0;
	s5 =	sand.u32 $0x1, s3;
	s6 =	sshll.u32 s1, $0x1  }
0x6: {  	s2 =	sadd.s32 $0x20E00, s8;
	s3 =	sadd.s32 $0x2AC00, s8;
	s5 =	sor.u32 s6, s5  }
.Ltmp0:
0x7: {  	[sflag:s4] =	ssyncpa.u1 $0x0;
	p0 =	slt.u32 s5, $0x9;
	(pc) =	sbr.rel .LBB2_1-.Ltmp0, $4  }
0x8: {  	s6 =	simm.s32 $0x2;
	s7 =	simm.s32 @!p0 $0x0;
	p0 =	sne.s32 s5, $0x8  }
0x9: {  	[sflag:s6] =	ssyncpa.u1 $0x0;
	s5 =	smul.u32 $0x1F40, s5;
	s9 =	simm.s32 @!p0 $0x0  }
0xa: {  	s8 =	sadd.s32 $0x34A00, s8;
	[sflag:s10] =	ssyncpa.u1 $0x0;
	s7 =	sadd.s32 s9, s7  }
0xb: {  	vm0 =	vmmov $0xffff;
	s10 =	simm.s32 $0x0;
	s11 =	smov.u32 s5;
	s9 =	sadd.s32 $0x1, s7  }
.LBB2_4:
0xc: {  	v2 =	vnsel vm1, $0x0, v2  }
0xd: {  	vm1 =	vgt.s32 v0, $0x0;
	v2 =	vmin.u32 v2, $0x4E1FF  }
0xe: {  	v0 =	vnsel vm1, $0x0, v0  }
0xf: {  	v0 =	vmin.u32 v0, $0x4E1FF  }
0x10: {  	[tilespmem:s18], [sflag:$0x1] =	stream.indirect_vreg.gather [hbm4b:s2+s10], $0x1, v1, vm0, $0x4038;
	[tilespmem:$0x7D00] =	vst v63  }
0x11: {  	(ifvalue) =	ssetifvalue $0x7FFFFFFF  }
0x12: {  	[tilespmem:s15], [sflag:$0x1] =	stream.indirect_vreg.gather [hbm4b:s2+s10], $0x1, v2, vm0, $0x4038;
	[tilespmem:$0x7D00] =	vst v63  }
0x13: {  	s29 =	sadd.s32 $0x10, s15;
	(ifvalue) =	ssetifvalue $0x7FFFFFFF  }
0x14: {  	[tilespmem:s29], [sflag:$0x1] =	stream.indirect_vreg.gather [hbm4b:s2+s10], $0x1, v0, vm0, $0x4038;
	[tilespmem:$0x7D00] =	vst v63  }
0x15: {  	_ =	swait.ge [sflag:s4], $0x1F40  }
0x16: {  	s30 =	sshrl.u32 s13, $0x3;
	[sflag:s4] =	ssyncset.done $0x0  }
0x17: {  	s31 =	sand.u32 $0x7, s13;
	s15 =	sadd.s32 s8, s30;
	[sflag:s4] =	ssyncadd.s32 $0xFFFFE0C0  }
0x18: {  	[hbm4b:s15+s31] =	stream.linear.scatter [tilespmem:s14], [sflag:$0x3], $0x1F40, $0x38;
	[tilespmem:$0x7D00] =	vst v63  }
.LBB2_5:
0x19: {  	s15 =	sadd.s32 $0x3E800, s11  }
0x1a: {  	p1 =	sgt.s32 s15, $0x4E1FF  }
0x1b: {  	s15 =	smov.u32 @p1 s5;
	p1 =	sne.s32 s12, s9  }
.Ltmp1:
0x1c: {  	p0 =	slt.u32 s12, $0x2;
	(pc) =	sbr.rel @!p1 .LBB2_6-.Ltmp1, $4  }
0x1d: {  	s14 =	simm.s32 @!p0 $0x3  }
0x1e: {  	_ =	swait.ge @!p0 [sflag:s14], $0x1F40  }
0x1f: {  	s16 =	sadd.s32 $0x1, s12;
	s13 =	smov.u32 s11;
	[sflag:s14] =	ssyncset.done @!p0 $0x0  }
0x20: {  	s12 =	smov.u32 s16;
	s11 =	smov.u32 s15;
	[sflag:s14] =	ssyncadd.s32 @!p0 $0xFFFFE0C0  }
.LBB2_1:
0x21: {  	p0 =	sge.u32 s12, s7  }
0x22: {  	s14 =	sxor.u32 @!p0 $0x1, s12  }
0x23: {  	s14 =	smul.u32 @!p0 $0x7D00, s14  }
0x24: {  	s31 =	sadd.s32 $0xFFFFFFFF, s12;
	s15 =	sshrl.u32 @!p0 s11, $0x3  }
0x25: {  	s16 =	sand.u32 @!p0 $0x7, s11;
	s15 =	sadd.s32 @!p0 s3, s15;
	s14 =	sshra.s32 @!p0 s14, $0x2  }
0x26: {  	[tilespmem:s14], [sflag:$0x2] =	stream.linear.gather @!p0 [hbm4b:s15+s16], $0x1F40, $0x38;
	[tilespmem:$0x7D00] =	vst v63  }
0x27: {  	p0 =	sge.u32 s31, s7  }
.Ltmp2:
0x28: {  	_ = 	snop;
	(pc) =	sbr.rel @p0 .LBB2_5-.Ltmp2, $1  }
0x29: {  	_ =	sdelay $0x3  }
0x2a: {  	s14 =	sand.u32 $0x1, s12  }
0x2b: {  	_ =	swait.ge [sflag:s6], $0x1F40;
	p0 =	seq.s32 s14, $0x1;
	s14 =	simm.s32 $0x1F40  }
0x2c: {  	[sflag:s6] =	ssyncset.done $0x0;
	s14 =	simm.s32 @!p0 $0x0  }
0x2d: {  	[sflag:s6] =	ssyncadd.s32 $0xFFFFE0C0;
	(ifvalue) =	ssetifvalue $0x7FFFFFFF;
	v0 =	vld.msk [tilespmem:s14+$0x0 ss:$0x1], $0xffff;
	_ =	sdelay $0x4  }
0x2e: {  	s15 =	sadd.s32 $0x10, s14;
	vm1 =	vgt.s32 v0, $0x0  }
0x2f: {  	v2 =	vld.msk [tilespmem:s15+$0x0 ss:$0x1], $0xffff;
	v1 =	vnsel vm1, $0x0, v0  }
0x30: {  	v1 =	vmin.u32 v1, $0x4E1FF;
	_ =	sdelay $0x2  }
0x31: {  	s17 =	simm.s32 $0x20;
	s14 =	sadd.s32 $0x3E80, s14;
	s16 =	sadd.s32 $0x10, s15  }
0x32: {  	s15 =	sadd.s32 $0x10, s14;
	s18 =	smov.u32 s14;
	v0 =	vld.msk [tilespmem:s16+$0x0 ss:$0x1], $0xffff;
	vm1 =	vgt.s32 v2, $0x0;
	(ifvalue) =	ssetifvalue $0x7FFFFFFF  }
.LBB2_3:
0x33: {  	[tilespmem:s18], [sflag:$0x1] =	stream.indirect_vreg.gather [hbm4b:s2+s10], $0x1, v1, vm0, $0x4038;
	[tilespmem:$0x7D00] =	vst v63  }
0x34: {  	s17 =	sadd.s32 $0x10, s17  }
0x35: {  	v2 =	vnsel vm1, $0x0, v2;
	p0 =	slt.u32 s17, $0x1F30  }
.Ltmp3:
0x36: {  	s18 =	smov.u32 s15;
	v1 =	vmin.u32 v2, $0x4E1FF;
	(pc) =	sbr.rel @p0 .LBB2_3-.Ltmp3, $3  }
0x37: {  	_ =	sdelay $0x1  }
0x38: {  	s16 =	sadd.s32 $0x10, s16  }
0x39: {  	vm1 =	vgt.s32 v0, $0x0;
	s15 =	sadd.s32 $0x10, s15;
	v2 =	vmov v0;
	(ifvalue) =	ssetifvalue $0x7FFFFFFF;
	v0 =	vld.msk [tilespmem:s16+$0x0 ss:$0x1], $0xffff  }
.Ltmp4:
0x3a: {  	_ = 	snop;
	(pc) =	sbr.rel .LBB2_4-.Ltmp4, $1  }
0x3b: {  	_ =	sdelay $0x3  }
.LBB2_6:
0x3c: {  	_ =	sfence.sel $0x180000  }
0x3d: {  	s2 =	simm.s32 $0x2;
	[bflag:$0x0] =	sbarrier.arrive $0xFFFF  }
0x3e: {  	s30 =	simm.s32 $0x3;
	[sflag:s2] =	ssyncpa.u1 $0x1  }
0x3f: {  	s31 =	simm.s32 $0x1;
	[sflag:s30] =	ssyncpa.u1 $0x1  }
0x40: {  	[sflag:s31] =	ssyncpa.u1 $0x1  }
0x41: {  	p0 =	sne.s32 s1, $0x0;
	_ =	strace $0x90000047  }
0x42: {  	s0 =	sadd.s32 @!p0 $0x100000, s0;
	[bflag:$0x2] =	sbarrier.arrive $0xFFFF  }
0x43: {  	[sflag:s0] =	ssyncadd.tile.s32 @!p0 $0x1;
	_ =	shalt  }
.Lfunc_end2:
_tile_overlayer_lowered:
.L_overlay_start_2:
0x44: {  	(tag) =	ssettag $0x2  }
0x45: {  	s0 =	rddreg [dreg:$0x0];
	s2 =	stileid.u32  }
0x46: {  	s1 =	rddreg [dreg:$0x1];
	p0 =	sne.s32 s2, $0x0  }
0x47: {  	s3 =	rddreg [dreg:$0x2];
	[bflag:$0x3] =	sbarrier.arrive $0xFFFF;
	s2 =	simm.s32 @!p0 $0x1C01  }
0x48: {  	[timem:s3], [sflag:s2] =	dma.local @!p0 [hbm:s0], s1  }
0x49: {  	s0 =	simm.s32 @!p0 $0x1  }
0x4a: {  	_ =	swait.ge @!p0 [sflag:s0], s1  }
0x4b: {  	s1 =	ssub.s32 @!p0 $0x0, s1;
	[sflag:s0] =	ssyncset.done @!p0 $0x0  }
0x4c: {  	[sflag:s0] =	ssyncadd.s32 @!p0 s1  }
0x4d: {  	[bflag:$0x3] =	sbarrier.arrive $0xFFFF  }
0x4e: {  	_ =	shalt  }

// kernel: gather_offload_async_start
scs
__scs_entry_jumppad:
0x0: {  	(pc) =	sbr.rel $0x88, $3  }
0x1: {  	(tag) =	ssettag $0x0;
	lr =	simm.s32 $0x1  }
0x2: {  	[smem:$0x3F80] =	sst lr;
	_ =	strace $0xD0000000  }
0x3: {  	_ = 	snop  }
0x4: {  	_ = 	snop  }
0x5: {  	_ = 	snop  }
0x6: {  	_ = 	snop  }
0x7: {  	_ = 	snop  }
__scs_overlays_trampoline_lowered:
0x8: {  	[smem:$0x3F8F] =	sst s0  }
0x9: {  	[smem:$0x3F90] =	sst s1  }
0xa: {  	[smem:$0x3F91] =	sst s2  }
0xb: {  	[smem:$0x3F92] =	sst s3  }
0xc: {  	[smem:$0x3F93] =	sst s4  }
0xd: {  	[smem:$0x3F94] =	sst s5  }
0xe: {  	[smem:$0x3F95] =	sst s6  }
0xf: {  	[smem:$0x3F96] =	sst s7  }
0x10: {  	[smem:$0x3F97] =	sst s8  }
0x11: {  	[smem:$0x3F98] =	sst s9;
	s0 =	simm.s32 @!p0 $0x0  }
0x12: {  	s1 =	sld [smem:$0x3F7E];
	s0 =	simm.s32 @p0 $0x1  }
0x13: {  	[smem:$0x3F99] =	sst s0;
	s0 =	simm.s32 @!p1 $0x0  }
0x14: {  	s2 =	sld [smem:$0x3F7D];
	s0 =	simm.s32 @p1 $0x1  }
0x15: {  	[smem:$0x3F9A] =	sst s0;
	s0 =	simm.s32 @!p2 $0x0  }
0x16: {  	s3 =	sld [smem:$0x3FDB];
	s0 =	simm.s32 @p2 $0x1  }
0x17: {  	s4 =	simm.s32 $0x1BF5;
	[smem:$0x3F9C] =	sst s0  }
0x18: {  	s0 =	sld [smem:$0x3F7F];
	_ =	swait.ge [sflag:s4], $0x0  }
0x19: {  	s7 =	sld [smem:$0x3F80]  }
0x1a: {  	s8 =	sadd.s32 $0xFFFFE003, lr  }
0x1b: {  	s9 =	sadd.s32 $0xFFFFFEF7, lr;
	s5 =	simm.s32 $0xFFFFFFFF;
	p2 =	slt.u32 s8, $0xFFFFF086  }
0x1c: {  	p1 =	slt.u32 s9, $0xF7A;
	s5 =	simm.s32 @!p2 $0x0  }
0x1d: {  	s5 =	simm.s32 @p1 $0x1;
	p0 =	seq.s32 s7, s2  }
0x1e: {  	s7 =	smul.u32 @!p0 $0xF7A, s2;
	p2 =	seq.s32 @!p0 s5, $0x0  }
0x1f: {  	s9 =	smul.u32 $0xF7A, s1;
	s8 =	simm.s32 @!p0 $0x1BF5;
	p2 =	por !p2, p0  }
0x20: {  	[sflag:s8] =	ssyncset.s32 @!p0 $0xFFFFF086;
	s6 =	sadd.s32 @!p0 s3, s7;
	s7 =	simm.s32 @!p0 $0x108  }
0x21: {  	s3 =	sadd.s32 s3, s9;
	s6 =	sadd.s32 @!p0 $0x88, s6;
	s7 =	simm.s32 @p2 $0x1082  }
0x22: {  	[simem:s7], [sflag:s8] =	dma.local @!p0 [hbm:s6], $0xF7A  }
0x23: {  	s9 =	sor.u32 $0xD0000000, s2;
	s6 =	simm.s32 $0x108;
	_ =	swait.ge @!p0 [sflag:s8], $0x0  }
0x24: {  	s3 =	sadd.s32 $0x88, s3;
	s6 =	simm.s32 @!p1 $0x1082;
	[sflag:s4] =	ssyncset.s32 $0xFFFFF086  }
0x25: {  	[simem:s6], [sflag:s4] =	dma.local [hbm:s3], $0xF7A  }
0x26: {  	[smem:$0x3F80] =	sst s1;
	(tag) =	ssettag s2;
	_ =	strace s9  }
0x27: {  	s1 =	sld [smem:$0x3F90]  }
0x28: {  	s2 =	sld [smem:$0x3F91]  }
0x29: {  	s4 =	sld [smem:$0x3F93]  }
0x2a: {  	p0 =	seq.s32 s5, $0x0;
	s5 =	sld [smem:$0x3F94]  }
0x2b: {  	s6 =	sld [smem:$0x3F95]  }
0x2c: {  	s7 =	sld [smem:$0x3F96]  }
0x2d: {  	s3 =	simm.s32 $0x108;
	s8 =	sld [smem:$0x3F97]  }
0x2e: {  	s3 =	simm.s32 @!p0 $0x1082;
	s9 =	sld [smem:$0x3F98]  }
0x2f: {  	lr =	sadd.s32 s0, s3;
	s0 =	sld [smem:$0x3F8F]  }
0x30: {  	s3 =	sld [smem:$0x3F92]  }
0x31: {  	[smem:$0x3F9B] =	sst s10  }
0x32: {  	s10 =	sld [smem:$0x3F99];
	_ =	sdelay $0x3  }
0x33: {  	p0 =	seq.s32 s10, $0x1;
	s10 =	sld [smem:$0x3F9B];
	_ =	sdelay $0x3  }
0x34: {  	[smem:$0x3F9B] =	sst s10  }
0x35: {  	s10 =	sld [smem:$0x3F9A];
	_ =	sdelay $0x3  }
0x36: {  	p1 =	seq.s32 s10, $0x1;
	s10 =	sld [smem:$0x3F9B];
	_ =	sdelay $0x3  }
0x37: {  	[smem:$0x3F9B] =	sst s10  }
0x38: {  	s10 =	sld [smem:$0x3F9C]  }
0x39: {  	_ = 	snop;
	(pc) =	sbr.ind lr, $3  }
0x3a: {  	_ = 	snop  }
0x3b: {  	_ = 	snop  }
0x3c: {  	p2 =	seq.s32 s10, $0x1;
	s10 =	sld [smem:$0x3F9B]  }
0x3d: {  	_ =	shalt  }
0x3e: {  	_ =	shalt  }
0x3f: {  	_ =	shalt  }
0x40: {  	_ =	shalt  }
0x41: {  	_ =	shalt  }
0x42: {  	_ =	shalt  }
0x43: {  	_ =	shalt  }
0x44: {  	_ =	shalt  }
0x45: {  	_ =	shalt  }
0x46: {  	_ =	shalt  }
0x47: {  	_ =	shalt  }
0x48: {  	_ =	shalt  }
0x49: {  	_ =	shalt  }
0x4a: {  	_ =	shalt  }
0x4b: {  	_ =	shalt  }
0x4c: {  	_ =	shalt  }
0x4d: {  	_ =	shalt  }
0x4e: {  	_ =	shalt  }
0x4f: {  	_ =	shalt  }
0x50: {  	_ =	shalt  }
0x51: {  	_ =	shalt  }
0x52: {  	_ =	shalt  }
0x53: {  	_ =	shalt  }
0x54: {  	_ =	shalt  }
0x55: {  	_ =	shalt  }
0x56: {  	_ =	shalt  }
0x57: {  	_ =	shalt  }
0x58: {  	_ =	shalt  }
0x59: {  	_ =	shalt  }
0x5a: {  	_ =	shalt  }
0x5b: {  	_ =	shalt  }
0x5c: {  	_ =	shalt  }
0x5d: {  	_ =	shalt  }
0x5e: {  	_ =	shalt  }
0x5f: {  	_ =	shalt  }
0x60: {  	_ =	shalt  }
0x61: {  	_ =	shalt  }
0x62: {  	_ =	shalt  }
0x63: {  	_ =	shalt  }
0x64: {  	_ =	shalt  }
0x65: {  	_ =	shalt  }
0x66: {  	_ =	shalt  }
0x67: {  	_ =	shalt  }
0x68: {  	_ =	shalt  }
0x69: {  	_ =	shalt  }
0x6a: {  	_ =	shalt  }
0x6b: {  	_ =	shalt  }
0x6c: {  	_ =	shalt  }
0x6d: {  	_ =	shalt  }
0x6e: {  	_ =	shalt  }
0x6f: {  	_ =	shalt  }
0x70: {  	_ =	shalt  }
0x71: {  	_ =	shalt  }
0x72: {  	_ =	shalt  }
0x73: {  	_ =	shalt  }
0x74: {  	_ =	shalt  }
0x75: {  	_ =	shalt  }
0x76: {  	_ =	shalt  }
0x77: {  	_ =	shalt  }
0x78: {  	_ =	shalt  }
0x79: {  	_ =	shalt  }
0x7a: {  	_ =	shalt  }
0x7b: {  	_ =	shalt  }
0x7c: {  	_ =	shalt  }
0x7d: {  	_ =	shalt  }
0x7e: {  	_ =	shalt  }
0x7f: {  	_ =	shalt  }
0x80: {  	_ =	shalt  }
0x81: {  	_ =	shalt  }
0x82: {  	_ =	shalt  }
0x83: {  	_ =	shalt  }
0x84: {  	_ =	shalt  }
0x85: {  	_ =	shalt  }
0x86: {  	_ =	shalt  }
0x87: {  	_ =	shalt  }
.Lfunc_end0:
.L_simem_size_0:
called_computation_lowered:
.L_overlay_start_0:
0x88: {  	s2 =	sld [smem:$0x3FD9]  }
0x89: {  	s3 =	sld [smem:$0x3FFE];
	_ =	sdelay $0x1  }
0x8a: {  	s1 =	srdreg.scid  }
0x8b: {  	s0 =	sand.u32 $0x1, s1  }
0x8c: {  	s16 =	sshll.u32 s0, $0xA;
	s2 =	sadd.s32 s3, s2  }
0x8d: {  	s2 =	sadd.s32 s2, s16  }
0x8e: {  	[smem:$0x3FA7] =	sst s2  }
0x8f: {  	_ = 	snop  }
0x90: {  	(tm) =	ssettm $0x1  }
0x91: {  	s17 =	sld [smem:$0x3FFB];
	_ =	sdelay $0x3  }
0x92: {  	_ =	strace s17  }
0x93: {  	s2 =	sld [smem:$0x3FFC];
	_ =	sdelay $0x3  }
0x94: {  	_ =	strace s2  }
0x95: {  	s2 =	sld [smem:$0x3FFD];
	_ =	sdelay $0x3  }
0x96: {  	_ =	strace s2  }
0x97: {  	_ =	strace $0x8FFFFFFF  }
0x98: {  	s18 =	sld [smem:$0x3FDB];
	_ =	sdelay $0x1  }
0x99: {  	s19 =	simm.s32 $_scs_section_size  }
0x9a: {  	s4 =	simm.s32 $_size__tile_overlayer_lowered;
	s5 =	simm.s32 $_tile_overlayer_lowered  }
0x9b: {  	s22 =	simm.s32 $0x1BFF;
	s21 =	sshll.u32 s5, $0x1;
	s2 =	sadd.s32 s19, s18  }
0x9c: {  	s6 =	simm.s32 $0x0;
	s20 =	sshll.u32 s4, $0x1;
	s4 =	sadd.s32 s21, s2  }
0x9d: {  	[timem:s6], [sflag:s22] =	dma.local [hbm:s4], s20  }
0x9e: {  	_ =	swait.ge [sflag:s22], s20  }
0x9f: {  	s3 =	ssub.s32 $0x0, s20;
	[sflag:s22] =	ssyncset.done $0x0  }
0xa0: {  	[sflag:s22] =	ssyncadd.s32 s3;
	_ =	sdelay $0x1  }
0xa1: {  	s23 =	simm.s32 $0x1B8B  }
0xa2: {  	_ =	swait.ge [sflag:s23], $0x1  }
0xa3: {  	[sflag:s23] =	ssyncset.done $0x0  }
0xa4: {  	s25 =	simm.s32 $0x1B8E;
	s24 =	sld [smem:$0x3FFE];
	[sflag:s23] =	ssyncadd.s32 $0xFFFFFFFF  }
0xa5: {  	s26 =	simm.s32 $execute0_lowered;
	[smem:$0x3FD2] =	sst s25  }
0xa6: {  	s4 =	sshll.u32 s26, $0x1;
	_ =	strace $0x80000049;
	[dreg:$0x1] =	wrdreg $0xFFFFFFFF  }
0xa7: {  	s28 =	simm.s32 $_size_execute0_lowered;
	s2 =	sadd.s32 s2, s4;
	[dreg:$0x0] =	wrdreg $0x0  }
0xa8: {  	s4 =	sshll.u32 s28, $0x1;
	[dreg:$0x2] =	wrdreg s2  }
0xa9: {  	[dreg:$0x3] =	wrdreg s4  }
0xaa: {  	[dreg:$0x4] =	wrdreg $0xC0  }
0xab: {  	_ =	task [dreg:s6], $0x5FFFF  }
0xac: {  	[dreg:$0x1] =	wrdreg $0xFFFFFFFF  }
0xad: {  	[dreg:$0x0] =	wrdreg $0x60  }
0xae: {  	[dreg:$0x2] =	wrdreg s24  }
0xaf: {  	[dreg:$0x3] =	wrdreg $0x9  }
0xb0: {  	_ =	task.clear_ibuf [dreg:s6], $0x4FFFF;
	_ =	strace $0x90000049  }
0xb1: {  	s29 =	simm.s32 $0x9;
	_ =	strace $0x8000004B  }
0xb2: {  	_ =	swait.ge [sflag:s29], $0x1  }
0xb3: {  	[sflag:s29] =	ssyncadd.s32 $0xFFFFFFFF  }
0xb4: {  	_ =	strace $0x9000004B  }
0xb5: {  	_ =	sfence  }
0xb6: {  	s30 =	sld [smem:$0x0];
	_ =	sdelay $0x2  }
0xb7: {  	s31 =	sshll.u32 s1, $0xD;
	s1 =	sshrl.u32 s1, $0x2  }
0xb8: {  	s3 =	sand.u32 $0x4000, s31;
	s1 =	sadd.s32 s1, s30  }
0xb9: {  	s0 =	sor.u32 s3, s0;
	s1 =	sshll.u32 s1, $0x11  }
0xba: {  	s0 =	sor.u32 s1, s0  }
0xbb: {  	s0 =	sadd.s32 $0x8F2B, s0  }
0xbc: {  	[sflag:s0] =	ssyncadd.remote.s32 $0x1  }
0xbd: {  	_ =	sfence.sel $0xFFFF  }
0xbe: {  	[dreg:$0x0] =	wrdreg $0xFFFFFFFF;
	(pc) =	sbr.abs _section_cstart, $3  }
0xbf: {  	[dreg:$0x1] =	wrdreg $0xFFFFFFFF  }
0xc0: {  	_ =	task.clear_ibuf [dreg:s6], $0x2FFFF;
	_ =	strace $0x9FFFFFFF  }
0xc1: {  	(tm) =	ssettm $0x7FFFFFFF  }
tec
execute0_lowered:
.L_overlay_start_1:
0x0: {  	(tag) =	ssettag $0x1  }
0x1: {  	s8 =	rddreg [dreg:$0x0]  }
0x2: {  	s0 =	rddreg [dreg:$0x1];
	_ =	strace $0x8000004A;
	s1 =	stileid.u32  }
0x3: {  	s3 =	srdreg.scid;
	s4 =	simm.s32 $0x1;
	s7 =	simm.s32 $0x1  }
0x4: {  	s9 =	simm.s32 $0x1;
	s10 =	simm.s32 $0x3;
	s13 =	simm.s32 $0x0  }
0x5: {  	s12 =	simm.s32 $0x0;
	s5 =	sand.u32 $0x1, s3;
	s6 =	sshll.u32 s1, $0x1  }
0x6: {  	s2 =	sadd.s32 $0x17000, s8;
	s3 =	sadd.s32 $0x2AC00, s8;
	s5 =	sor.u32 s6, s5  }
.Ltmp0:
0x7: {  	[sflag:s4] =	ssyncpa.u1 $0x0;
	p0 =	slt.u32 s5, $0x9;
	(pc) =	sbr.rel .LBB2_1-.Ltmp0, $4  }
0x8: {  	s6 =	simm.s32 $0x2;
	s7 =	simm.s32 @!p0 $0x0;
	p0 =	sne.s32 s5, $0x8  }
0x9: {  	[sflag:s6] =	ssyncpa.u1 $0x0;
	s5 =	smul.u32 $0x1F40, s5;
	s9 =	simm.s32 @!p0 $0x0  }
0xa: {  	s8 =	sadd.s32 $0x20E00, s8;
	[sflag:s10] =	ssyncpa.u1 $0x0;
	s7 =	sadd.s32 s9, s7  }
0xb: {  	vm0 =	vmmov $0xffff;
	s10 =	simm.s32 $0x0;
	s11 =	smov.u32 s5;
	s9 =	sadd.s32 $0x1, s7  }
.LBB2_4:
0xc: {  	v2 =	vnsel vm1, $0x0, v2  }
0xd: {  	vm1 =	vgt.s32 v0, $0x0;
	v2 =	vmin.u32 v2, $0x4E1FF  }
0xe: {  	v0 =	vnsel vm1, $0x0, v0  }
0xf: {  	v0 =	vmin.u32 v0, $0x4E1FF  }
0x10: {  	[tilespmem:s18], [sflag:$0x1] =	stream.indirect_vreg.gather [hbm4b:s2+s10], $0x1, v1, vm0, $0x4038;
	[tilespmem:$0x7D00] =	vst v63  }
0x11: {  	(ifvalue) =	ssetifvalue $0x7FFFFFFF  }
0x12: {  	[tilespmem:s15], [sflag:$0x1] =	stream.indirect_vreg.gather [hbm4b:s2+s10], $0x1, v2, vm0, $0x4038;
	[tilespmem:$0x7D00] =	vst v63  }
0x13: {  	s29 =	sadd.s32 $0x10, s15;
	(ifvalue) =	ssetifvalue $0x7FFFFFFF  }
0x14: {  	[tilespmem:s29], [sflag:$0x1] =	stream.indirect_vreg.gather [hbm4b:s2+s10], $0x1, v0, vm0, $0x4038;
	[tilespmem:$0x7D00] =	vst v63  }
0x15: {  	_ =	swait.ge [sflag:s4], $0x1F40  }
0x16: {  	s30 =	sshrl.u32 s13, $0x3;
	[sflag:s4] =	ssyncset.done $0x0  }
0x17: {  	s31 =	sand.u32 $0x7, s13;
	s15 =	sadd.s32 s8, s30;
	[sflag:s4] =	ssyncadd.s32 $0xFFFFE0C0  }
0x18: {  	[hbm4b:s15+s31] =	stream.linear.scatter [tilespmem:s14], [sflag:$0x3], $0x1F40, $0x38;
	[tilespmem:$0x7D00] =	vst v63  }
.LBB2_5:
0x19: {  	s15 =	sadd.s32 $0x3E800, s11  }
0x1a: {  	p1 =	sgt.s32 s15, $0x4E1FF  }
0x1b: {  	s15 =	smov.u32 @p1 s5;
	p1 =	sne.s32 s12, s9  }
.Ltmp1:
0x1c: {  	p0 =	slt.u32 s12, $0x2;
	(pc) =	sbr.rel @!p1 .LBB2_6-.Ltmp1, $4  }
0x1d: {  	s14 =	simm.s32 @!p0 $0x3  }
0x1e: {  	_ =	swait.ge @!p0 [sflag:s14], $0x1F40  }
0x1f: {  	s16 =	sadd.s32 $0x1, s12;
	s13 =	smov.u32 s11;
	[sflag:s14] =	ssyncset.done @!p0 $0x0  }
0x20: {  	s12 =	smov.u32 s16;
	s11 =	smov.u32 s15;
	[sflag:s14] =	ssyncadd.s32 @!p0 $0xFFFFE0C0  }
.LBB2_1:
0x21: {  	p0 =	sge.u32 s12, s7  }
0x22: {  	s14 =	sxor.u32 @!p0 $0x1, s12  }
0x23: {  	s14 =	smul.u32 @!p0 $0x7D00, s14  }
0x24: {  	s31 =	sadd.s32 $0xFFFFFFFF, s12;
	s15 =	sshrl.u32 @!p0 s11, $0x3  }
0x25: {  	s16 =	sand.u32 @!p0 $0x7, s11;
	s15 =	sadd.s32 @!p0 s3, s15;
	s14 =	sshra.s32 @!p0 s14, $0x2  }
0x26: {  	[tilespmem:s14], [sflag:$0x2] =	stream.linear.gather @!p0 [hbm4b:s15+s16], $0x1F40, $0x38;
	[tilespmem:$0x7D00] =	vst v63  }
0x27: {  	p0 =	sge.u32 s31, s7  }
.Ltmp2:
0x28: {  	_ = 	snop;
	(pc) =	sbr.rel @p0 .LBB2_5-.Ltmp2, $1  }
0x29: {  	_ =	sdelay $0x3  }
0x2a: {  	s14 =	sand.u32 $0x1, s12  }
0x2b: {  	_ =	swait.ge [sflag:s6], $0x1F40;
	p0 =	seq.s32 s14, $0x1;
	s14 =	simm.s32 $0x1F40  }
0x2c: {  	[sflag:s6] =	ssyncset.done $0x0;
	s14 =	simm.s32 @!p0 $0x0  }
0x2d: {  	[sflag:s6] =	ssyncadd.s32 $0xFFFFE0C0;
	(ifvalue) =	ssetifvalue $0x7FFFFFFF;
	v0 =	vld.msk [tilespmem:s14+$0x0 ss:$0x1], $0xffff;
	_ =	sdelay $0x4  }
0x2e: {  	s15 =	sadd.s32 $0x10, s14;
	vm1 =	vgt.s32 v0, $0x0  }
0x2f: {  	v2 =	vld.msk [tilespmem:s15+$0x0 ss:$0x1], $0xffff;
	v1 =	vnsel vm1, $0x0, v0  }
0x30: {  	v1 =	vmin.u32 v1, $0x4E1FF;
	_ =	sdelay $0x2  }
0x31: {  	s17 =	simm.s32 $0x20;
	s14 =	sadd.s32 $0x3E80, s14;
	s16 =	sadd.s32 $0x10, s15  }
0x32: {  	s15 =	sadd.s32 $0x10, s14;
	s18 =	smov.u32 s14;
	v0 =	vld.msk [tilespmem:s16+$0x0 ss:$0x1], $0xffff;
	vm1 =	vgt.s32 v2, $0x0;
	(ifvalue) =	ssetifvalue $0x7FFFFFFF  }
.LBB2_3:
0x33: {  	[tilespmem:s18], [sflag:$0x1] =	stream.indirect_vreg.gather [hbm4b:s2+s10], $0x1, v1, vm0, $0x4038;
	[tilespmem:$0x7D00] =	vst v63  }
0x34: {  	s17 =	sadd.s32 $0x10, s17  }
0x35: {  	v2 =	vnsel vm1, $0x0, v2;
	p0 =	slt.u32 s17, $0x1F30  }
.Ltmp3:
0x36: {  	s18 =	smov.u32 s15;
	v1 =	vmin.u32 v2, $0x4E1FF;
	(pc) =	sbr.rel @p0 .LBB2_3-.Ltmp3, $3  }
0x37: {  	_ =	sdelay $0x1  }
0x38: {  	s16 =	sadd.s32 $0x10, s16  }
0x39: {  	vm1 =	vgt.s32 v0, $0x0;
	s15 =	sadd.s32 $0x10, s15;
	v2 =	vmov v0;
	(ifvalue) =	ssetifvalue $0x7FFFFFFF;
	v0 =	vld.msk [tilespmem:s16+$0x0 ss:$0x1], $0xffff  }
.Ltmp4:
0x3a: {  	_ = 	snop;
	(pc) =	sbr.rel .LBB2_4-.Ltmp4, $1  }
0x3b: {  	_ =	sdelay $0x3  }
.LBB2_6:
0x3c: {  	_ =	sfence.sel $0x180000  }
0x3d: {  	s2 =	simm.s32 $0x2;
	[bflag:$0x0] =	sbarrier.arrive $0xFFFF  }
0x3e: {  	s30 =	simm.s32 $0x3;
	[sflag:s2] =	ssyncpa.u1 $0x1  }
0x3f: {  	s31 =	simm.s32 $0x1;
	[sflag:s30] =	ssyncpa.u1 $0x1  }
0x40: {  	[sflag:s31] =	ssyncpa.u1 $0x1  }
0x41: {  	p0 =	sne.s32 s1, $0x0;
	_ =	strace $0x9000004A  }
0x42: {  	s0 =	sadd.s32 @!p0 $0x100000, s0;
	[bflag:$0x2] =	sbarrier.arrive $0xFFFF  }
0x43: {  	[sflag:s0] =	ssyncadd.tile.s32 @!p0 $0x1;
	_ =	shalt  }
.Lfunc_end2:
_tile_overlayer_lowered:
.L_overlay_start_2:
0x44: {  	(tag) =	ssettag $0x2  }
0x45: {  	s0 =	rddreg [dreg:$0x0];
	s2 =	stileid.u32  }
0x46: {  	s1 =	rddreg [dreg:$0x1];
	p0 =	sne.s32 s2, $0x0  }
0x47: {  	s3 =	rddreg [dreg:$0x2];
	[bflag:$0x3] =	sbarrier.arrive $0xFFFF;
	s2 =	simm.s32 @!p0 $0x1C01  }
0x48: {  	[timem:s3], [sflag:s2] =	dma.local @!p0 [hbm:s0], s1  }
0x49: {  	s0 =	simm.s32 @!p0 $0x1  }
0x4a: {  	_ =	swait.ge @!p0 [sflag:s0], s1  }
0x4b: {  	s1 =	ssub.s32 @!p0 $0x0, s1;
	[sflag:s0] =	ssyncset.done @!p0 $0x0  }
0x4c: {  	[sflag:s0] =	ssyncadd.s32 @!p0 s1  }
0x4d: {  	[bflag:$0x3] =	sbarrier.arrive $0xFFFF  }
0x4e: {  	_ =	shalt  }

// kernel: kernel.16.cloned.1.call-start
scs
__scs_entry_jumppad:
0x0: {  	(pc) =	sbr.rel $0x88, $3  }
0x1: {  	(tag) =	ssettag $0x0;
	lr =	simm.s32 $0x1  }
0x2: {  	[smem:$0x3F80] =	sst lr;
	_ =	strace $0xD0000000  }
0x3: {  	_ = 	snop  }
0x4: {  	_ = 	snop  }
0x5: {  	_ = 	snop  }
0x6: {  	_ = 	snop  }
0x7: {  	_ = 	snop  }
__scs_overlays_trampoline_lowered:
0x8: {  	[smem:$0x3F8F] =	sst s0  }
0x9: {  	[smem:$0x3F90] =	sst s1  }
0xa: {  	[smem:$0x3F91] =	sst s2  }
0xb: {  	[smem:$0x3F92] =	sst s3  }
0xc: {  	[smem:$0x3F93] =	sst s4  }
0xd: {  	[smem:$0x3F94] =	sst s5  }
0xe: {  	[smem:$0x3F95] =	sst s6  }
0xf: {  	[smem:$0x3F96] =	sst s7  }
0x10: {  	[smem:$0x3F97] =	sst s8  }
0x11: {  	[smem:$0x3F98] =	sst s9;
	s0 =	simm.s32 @!p0 $0x0  }
0x12: {  	s1 =	sld [smem:$0x3F7E];
	s0 =	simm.s32 @p0 $0x1  }
0x13: {  	[smem:$0x3F99] =	sst s0;
	s0 =	simm.s32 @!p1 $0x0  }
0x14: {  	s2 =	sld [smem:$0x3F7D];
	s0 =	simm.s32 @p1 $0x1  }
0x15: {  	[smem:$0x3F9A] =	sst s0;
	s0 =	simm.s32 @!p2 $0x0  }
0x16: {  	s3 =	sld [smem:$0x3FDB];
	s0 =	simm.s32 @p2 $0x1  }
0x17: {  	s4 =	simm.s32 $0x1BF5;
	[smem:$0x3F9C] =	sst s0  }
0x18: {  	s0 =	sld [smem:$0x3F7F];
	_ =	swait.ge [sflag:s4], $0x0  }
0x19: {  	s7 =	sld [smem:$0x3F80]  }
0x1a: {  	s8 =	sadd.s32 $0xFFFFE003, lr  }
0x1b: {  	s9 =	sadd.s32 $0xFFFFFEF7, lr;
	s5 =	simm.s32 $0xFFFFFFFF;
	p2 =	slt.u32 s8, $0xFFFFF086  }
0x1c: {  	p1 =	slt.u32 s9, $0xF7A;
	s5 =	simm.s32 @!p2 $0x0  }
0x1d: {  	s5 =	simm.s32 @p1 $0x1;
	p0 =	seq.s32 s7, s2  }
0x1e: {  	s7 =	smul.u32 @!p0 $0xF7A, s2;
	p2 =	seq.s32 @!p0 s5, $0x0  }
0x1f: {  	s9 =	smul.u32 $0xF7A, s1;
	s8 =	simm.s32 @!p0 $0x1BF5;
	p2 =	por !p2, p0  }
0x20: {  	[sflag:s8] =	ssyncset.s32 @!p0 $0xFFFFF086;
	s6 =	sadd.s32 @!p0 s3, s7;
	s7 =	simm.s32 @!p0 $0x108  }
0x21: {  	s3 =	sadd.s32 s3, s9;
	s6 =	sadd.s32 @!p0 $0x88, s6;
	s7 =	simm.s32 @p2 $0x1082  }
0x22: {  	[simem:s7], [sflag:s8] =	dma.local @!p0 [hbm:s6], $0xF7A  }
0x23: {  	s9 =	sor.u32 $0xD0000000, s2;
	s6 =	simm.s32 $0x108;
	_ =	swait.ge @!p0 [sflag:s8], $0x0  }
0x24: {  	s3 =	sadd.s32 $0x88, s3;
	s6 =	simm.s32 @!p1 $0x1082;
	[sflag:s4] =	ssyncset.s32 $0xFFFFF086  }
0x25: {  	[simem:s6], [sflag:s4] =	dma.local [hbm:s3], $0xF7A  }
0x26: {  	[smem:$0x3F80] =	sst s1;
	(tag) =	ssettag s2;
	_ =	strace s9  }
0x27: {  	s1 =	sld [smem:$0x3F90]  }
0x28: {  	s2 =	sld [smem:$0x3F91]  }
0x29: {  	s4 =	sld [smem:$0x3F93]  }
0x2a: {  	p0 =	seq.s32 s5, $0x0;
	s5 =	sld [smem:$0x3F94]  }
0x2b: {  	s6 =	sld [smem:$0x3F95]  }
0x2c: {  	s7 =	sld [smem:$0x3F96]  }
0x2d: {  	s3 =	simm.s32 $0x108;
	s8 =	sld [smem:$0x3F97]  }
0x2e: {  	s3 =	simm.s32 @!p0 $0x1082;
	s9 =	sld [smem:$0x3F98]  }
0x2f: {  	lr =	sadd.s32 s0, s3;
	s0 =	sld [smem:$0x3F8F]  }
0x30: {  	s3 =	sld [smem:$0x3F92]  }
0x31: {  	[smem:$0x3F9B] =	sst s10  }
0x32: {  	s10 =	sld [smem:$0x3F99];
	_ =	sdelay $0x3  }
0x33: {  	p0 =	seq.s32 s10, $0x1;
	s10 =	sld [smem:$0x3F9B];
	_ =	sdelay $0x3  }
0x34: {  	[smem:$0x3F9B] =	sst s10  }
0x35: {  	s10 =	sld [smem:$0x3F9A];
	_ =	sdelay $0x3  }
0x36: {  	p1 =	seq.s32 s10, $0x1;
	s10 =	sld [smem:$0x3F9B];
	_ =	sdelay $0x3  }
0x37: {  	[smem:$0x3F9B] =	sst s10  }
0x38: {  	s10 =	sld [smem:$0x3F9C]  }
0x39: {  	_ = 	snop;
	(pc) =	sbr.ind lr, $3  }
0x3a: {  	_ = 	snop  }
0x3b: {  	_ = 	snop  }
0x3c: {  	p2 =	seq.s32 s10, $0x1;
	s10 =	sld [smem:$0x3F9B]  }
0x3d: {  	_ =	shalt  }
0x3e: {  	_ =	shalt  }
0x3f: {  	_ =	shalt  }
0x40: {  	_ =	shalt  }
0x41: {  	_ =	shalt  }
0x42: {  	_ =	shalt  }
0x43: {  	_ =	shalt  }
0x44: {  	_ =	shalt  }
0x45: {  	_ =	shalt  }
0x46: {  	_ =	shalt  }
0x47: {  	_ =	shalt  }
0x48: {  	_ =	shalt  }
0x49: {  	_ =	shalt  }
0x4a: {  	_ =	shalt  }
0x4b: {  	_ =	shalt  }
0x4c: {  	_ =	shalt  }
0x4d: {  	_ =	shalt  }
0x4e: {  	_ =	shalt  }
0x4f: {  	_ =	shalt  }
0x50: {  	_ =	shalt  }
0x51: {  	_ =	shalt  }
0x52: {  	_ =	shalt  }
0x53: {  	_ =	shalt  }
0x54: {  	_ =	shalt  }
0x55: {  	_ =	shalt  }
0x56: {  	_ =	shalt  }
0x57: {  	_ =	shalt  }
0x58: {  	_ =	shalt  }
0x59: {  	_ =	shalt  }
0x5a: {  	_ =	shalt  }
0x5b: {  	_ =	shalt  }
0x5c: {  	_ =	shalt  }
0x5d: {  	_ =	shalt  }
0x5e: {  	_ =	shalt  }
0x5f: {  	_ =	shalt  }
0x60: {  	_ =	shalt  }
0x61: {  	_ =	shalt  }
0x62: {  	_ =	shalt  }
0x63: {  	_ =	shalt  }
0x64: {  	_ =	shalt  }
0x65: {  	_ =	shalt  }
0x66: {  	_ =	shalt  }
0x67: {  	_ =	shalt  }
0x68: {  	_ =	shalt  }
0x69: {  	_ =	shalt  }
0x6a: {  	_ =	shalt  }
0x6b: {  	_ =	shalt  }
0x6c: {  	_ =	shalt  }
0x6d: {  	_ =	shalt  }
0x6e: {  	_ =	shalt  }
0x6f: {  	_ =	shalt  }
0x70: {  	_ =	shalt  }
0x71: {  	_ =	shalt  }
0x72: {  	_ =	shalt  }
0x73: {  	_ =	shalt  }
0x74: {  	_ =	shalt  }
0x75: {  	_ =	shalt  }
0x76: {  	_ =	shalt  }
0x77: {  	_ =	shalt  }
0x78: {  	_ =	shalt  }
0x79: {  	_ =	shalt  }
0x7a: {  	_ =	shalt  }
0x7b: {  	_ =	shalt  }
0x7c: {  	_ =	shalt  }
0x7d: {  	_ =	shalt  }
0x7e: {  	_ =	shalt  }
0x7f: {  	_ =	shalt  }
0x80: {  	_ =	shalt  }
0x81: {  	_ =	shalt  }
0x82: {  	_ =	shalt  }
0x83: {  	_ =	shalt  }
0x84: {  	_ =	shalt  }
0x85: {  	_ =	shalt  }
0x86: {  	_ =	shalt  }
0x87: {  	_ =	shalt  }
.Lfunc_end0:
.L_simem_size_0:
called_computation.2_lowered:
.L_overlay_start_0:
0x88: {  	s2 =	sld [smem:$0x3FD9]  }
0x89: {  	s3 =	sld [smem:$0x3FFE];
	_ =	sdelay $0x1  }
0x8a: {  	s1 =	srdreg.scid  }
0x8b: {  	s0 =	sand.u32 $0x1, s1  }
0x8c: {  	s17 =	sshll.u32 s0, $0xA;
	s2 =	sadd.s32 s3, s2  }
0x8d: {  	s2 =	sadd.s32 s2, s17  }
0x8e: {  	[smem:$0x3FA7] =	sst s2  }
0x8f: {  	_ = 	snop  }
0x90: {  	s2 =	sld [smem:$0x3FC9];
	(tm) =	ssettm $0x1  }
0x91: {  	s18 =	sld [smem:$0x3FFB];
	_ =	sdelay $0x3  }
0x92: {  	_ =	strace s18  }
0x93: {  	s3 =	sld [smem:$0x3FFC];
	_ =	sdelay $0x3  }
0x94: {  	_ =	strace s3  }
0x95: {  	s3 =	sld [smem:$0x3FFD];
	_ =	sdelay $0x3  }
0x96: {  	_ =	strace s3  }
0x97: {  	_ =	strace $0x8FFFFFFF  }
0x98: {  	s19 =	sld [smem:$0x3FDB];
	_ =	sdelay $0x1  }
0x99: {  	s4 =	simm.s32 $_scs_section_size  }
0x9a: {  	s5 =	simm.s32 $_size__tile_overlayer_lowered;
	s6 =	simm.s32 $_tile_overlayer_lowered  }
0x9b: {  	s22 =	simm.s32 $0x1BFF;
	s21 =	sshll.u32 s6, $0x1;
	s3 =	sadd.s32 s4, s19  }
0x9c: {  	s7 =	simm.s32 $0x0;
	s20 =	sshll.u32 s5, $0x1;
	s5 =	sadd.s32 s21, s3  }
0x9d: {  	[timem:s7], [sflag:s22] =	dma.local [hbm:s5], s20  }
0x9e: {  	_ =	swait.ge [sflag:s22], s20  }
0x9f: {  	s4 =	ssub.s32 $0x0, s20;
	[sflag:s22] =	ssyncset.done $0x0  }
0xa0: {  	[sflag:s22] =	ssyncadd.s32 s4;
	_ =	sdelay $0x1  }
0xa1: {  	s23 =	simm.s32 $0x1B8B  }
0xa2: {  	_ =	swait.ge [sflag:s23], $0x1  }
0xa3: {  	[sflag:s23] =	ssyncset.done $0x0  }
0xa4: {  	s25 =	simm.s32 $0x1B8E;
	s24 =	sld [smem:$0x3FFE];
	[sflag:s23] =	ssyncadd.s32 $0xFFFFFFFF  }
0xa5: {  	s26 =	simm.s32 $execute0_lowered;
	[smem:$0x3FD2] =	sst s25  }
0xa6: {  	s5 =	sshll.u32 s26, $0x1;
	_ =	strace $0x8000004C;
	[dreg:$0x1] =	wrdreg $0xFFFFFFFF  }
0xa7: {  	s28 =	simm.s32 $_size_execute0_lowered;
	s3 =	sadd.s32 s3, s5;
	[dreg:$0x0] =	wrdreg $0x0  }
0xa8: {  	s5 =	sshll.u32 s28, $0x1;
	[dreg:$0x2] =	wrdreg s3  }
0xa9: {  	[dreg:$0x3] =	wrdreg s5  }
0xaa: {  	[dreg:$0x4] =	wrdreg $0xC0  }
0xab: {  	_ =	task [dreg:s7], $0x5FFFF  }
0xac: {  	[dreg:$0x1] =	wrdreg $0xFFFFFFFF  }
0xad: {  	[dreg:$0x0] =	wrdreg $0x60  }
0xae: {  	[dreg:$0x2] =	wrdreg s2  }
0xaf: {  	[dreg:$0x3] =	wrdreg s24  }
0xb0: {  	[dreg:$0x4] =	wrdreg $0x6C000  }
0xb1: {  	[dreg:$0x5] =	wrdreg $0x9  }
0xb2: {  	_ =	task.clear_ibuf [dreg:s7], $0x6FFFF;
	_ =	strace $0x9000004C  }
0xb3: {  	s29 =	simm.s32 $0x9;
	_ =	strace $0x8000004E  }
0xb4: {  	_ =	swait.ge [sflag:s29], $0x1  }
0xb5: {  	[sflag:s29] =	ssyncadd.s32 $0xFFFFFFFF  }
0xb6: {  	_ =	strace $0x9000004E  }
0xb7: {  	_ =	sfence  }
0xb8: {  	s30 =	sld [smem:$0x0];
	_ =	sdelay $0x2  }
0xb9: {  	s31 =	sshll.u32 s1, $0xD;
	s1 =	sshrl.u32 s1, $0x2  }
0xba: {  	s3 =	sand.u32 $0x4000, s31;
	s1 =	sadd.s32 s1, s30  }
0xbb: {  	s0 =	sor.u32 s3, s0;
	s1 =	sshll.u32 s1, $0x11  }
0xbc: {  	s0 =	sor.u32 s1, s0  }
0xbd: {  	s0 =	sadd.s32 $0x8F2B, s0  }
0xbe: {  	[sflag:s0] =	ssyncadd.remote.s32 $0x1  }
0xbf: {  	_ =	sfence.sel $0xFFFF  }
0xc0: {  	[dreg:$0x0] =	wrdreg $0xFFFFFFFF;
	(pc) =	sbr.abs _section_cstart, $3  }
0xc1: {  	[dreg:$0x1] =	wrdreg $0xFFFFFFFF  }
0xc2: {  	_ =	task.clear_ibuf [dreg:s7], $0x2FFFF;
	_ =	strace $0x9FFFFFFF  }
0xc3: {  	(tm) =	ssettm $0x7FFFFFFF  }
tec
execute0_lowered:
.L_overlay_start_1:
0x0: {  	(tag) =	ssettag $0x1  }
0x1: {  	s1 =	rddreg [dreg:$0x0]  }
0x2: {  	s5 =	rddreg [dreg:$0x1]  }
0x3: {  	s3 =	rddreg [dreg:$0x2]  }
0x4: {  	s0 =	rddreg [dreg:$0x3]  }
0x5: {  	s4 =	simm.s32 $0x0;
	s6 =	srdreg.scid;
	s2 =	stileid.u32  }
0x6: {  	s16 =	simm.s32 $0x6800;
	s17 =	simm.s32 $0x2;
	s18 =	simm.s32 $0x1400  }
0x7: {  	s19 =	simm.s32 $0x80;
	s20 =	simm.s32 $0x2800;
	s21 =	simm.s32 $0x1  }
0x8: {  	s22 =	simm.s32 $0x2780;
	[smem:$0x7FF] =	sst s4;
	s6 =	sand.u32 $0x1, s6  }
0x9: {  	s7 =	sshll.u32 s2, $0x1;
	s8 =	smul.u32 $0x4E000, s2;
	s9 =	sadd.s32 $0x2AC00, s5  }
0xa: {  	s10 =	sadd.s32 $0x3E800, s5;
	s12 =	sadd.s32 $0x48800, s5;
	s29 =	smul.u32 $0x13800, s2  }
0xb: {  	s23 =	sadd.s32 $0x124800, s3;
	p0 =	sne.s32 s2, $0xF;
	p1 =	seq.s32 s2, $0xF  }
0xc: {  	_ =	strace $0x8000004D;
	s7 =	sor.u32 s6, s7;
	s14 =	smul.u32 $0x138800, s6  }
0xd: {  	s26 =	ssub.s32 $0x2, s6;
	s23 =	sshrl.u32 @p1 s23, $0x3;
	s11 =	smul.u32 $0x500, s7  }
0xe: {  	s13 =	smul.u32 $0x2800, s7;
	s28 =	sshrl.u32 s26, $0x1;
	s8 =	sshrl.u32 s8, $0x2  }
0xf: {  	s15 =	ssub.s32 s26, s28;
	s5 =	sadd.s32 s8, s3;
	s31 =	sadd.s32 s29, s14  }
0x10: {  	s14 =	sshrl.u32 s14, $0x3;
	s6 =	sadd.s32 s9, s11;
	s30 =	sshrl.u32 s13, $0x3  }
0x11: {  	s7 =	sadd.s32 s10, s11;
	s13 =	sshrl.u32 s31, $0x3;
	s11 =	sadd.s32 $0x280, s30  }
0x12: {  	s14 =	sadd.s32 s12, s14;
	s8 =	sadd.s32 s9, s11;
	s9 =	sadd.s32 s10, s11  }
0x13: {  	s10 =	sadd.s32 s12, s13;
	s11 =	sadd.s32 $0x24900, s14;
	s13 =	sadd.s32 $0x138400, s3  }
0x14: {  	v0 =	vimm.f32 $0.0e+00;
	s12 =	smax.u32 s15, $0x1;
	s14 =	sadd.s32 $0x138000, s3;
	s15 =	sadd.s32 $0x138800, s3  }
.LBB2_1:
0x15: {  	s24 =	simm.s32 $0x0;
	s25 =	simm.s32 $0x0  }
.LBB2_2:
0x16: {  	p2 =	sne.s32 s25, $0xFC0  }
.Ltmp0:
0x17: {  	_ = 	snop;
	(pc) =	sbr.rel @p2 .LBB2_2-.Ltmp0, $4  }
0x18: {  	s26 =	sand.u32 $0xE00, s25  }
0x19: {  	s28 =	sand.u32 $0x70, s24;
	s26 =	sshrl.u32 s26, $0x2  }
0x1a: {  	s26 =	sor.u32 s28, s26  }
0x1b: {  	s24 =	sadd.s32 $0x10, s24;
	s25 =	sadd.s32 $0x40, s25;
	[tilespmem:s26+$0x6800] =	vst v0  }
0x1c: {  	s24 =	sadd.s32 $0x0, s5  }
0x1d: {  	[spmem:s24] =	stream.linear.scatter [tilespmem:s16], [sflag:$0x2], $0x400, $0x38;
	[tilespmem:$0x1A4C0] =	vst v63  }
0x1e: {  	s24 =	simm.s32 $0x1000;
	_ =	swait.ge [sflag:s17], $0x400  }
.LBB2_4:
0x1f: {  	s25 =	sshra.s32 s24, $0x2;
	[sflag:s17] =	ssyncset.done $0x0;
	p2 =	sne.s32 s24, $0x4D000  }
.Ltmp1:
0x20: {  	s25 =	sadd.s32 s25, s5;
	[sflag:s17] =	ssyncadd.s32 $0xFFFFFC00;
	(pc) =	sbr.rel @p2 .LBB2_4-.Ltmp1, $3  }
0x21: {  	[spmem:s25] =	stream.linear.scatter [tilespmem:s16], [sflag:$0x2], $0x400, $0x38;
	[tilespmem:$0x1A4C0] =	vst v63  }
0x22: {  	s24 =	sadd.s32 $0x1000, s24;
	_ =	sdelay $0x1  }
0x23: {  	_ =	swait.ge [sflag:s17], $0x400  }
0x24: {  	[sflag:s17] =	ssyncset.done $0x0  }
0x25: {  	s24 =	simm.s32 @!p0 $0x6800;
	s25 =	simm.s32 @!p0 $0x2;
	[sflag:s17] =	ssyncadd.s32 $0xFFFFFC00  }
0x26: {  	[spmem:s14] =	stream.linear.scatter @!p0 [tilespmem:s24], [sflag:$0x2], $0x400, $0x38;
	[tilespmem:$0x1A4C0] =	vst v63  }
0x27: {  	_ =	swait.ge @!p0 [sflag:s25], $0x400  }
0x28: {  	[sflag:s25] =	ssyncset.done @!p0 $0x0  }
0x29: {  	[sflag:s25] =	ssyncadd.s32 @!p0 $0xFFFFFC00  }
0x2a: {  	[spmem:s13] =	stream.linear.scatter @!p0 [tilespmem:s24], [sflag:$0x2], $0x400, $0x38;
	[tilespmem:$0x1A4C0] =	vst v63  }
0x2b: {  	_ =	swait.ge @!p0 [sflag:s25], $0x400  }
0x2c: {  	[sflag:s25] =	ssyncset.done @!p0 $0x0  }
0x2d: {  	[sflag:s25] =	ssyncadd.s32 @!p0 $0xFFFFFC00  }
0x2e: {  	[spmem:s15] =	stream.linear.scatter @!p0 [tilespmem:s24], [sflag:$0x2], $0x400, $0x38;
	[tilespmem:$0x1A4C0] =	vst v63  }
0x2f: {  	_ =	swait.ge @!p0 [sflag:s25], $0x400  }
0x30: {  	[sflag:s25] =	ssyncset.done @!p0 $0x0  }
0x31: {  	[sflag:s25] =	ssyncadd.s32 @!p0 $0xFFFFFC00  }
0x32: {  	s30 =	simm.s32 $0x0;
	[bflag:$0x0] =	sbarrier.arrive $0xFFFF  }
0x33: {  	[tilespmem:s30], [sflag:$0x2] =	stream.linear.gather [hbm4b:s6+s30], $0x1400, $0x38;
	[tilespmem:$0x1A4C0] =	vst v63  }
0x34: {  	_ =	swait.ge [sflag:s17], $0x1400  }
0x35: {  	[sflag:s17] =	ssyncset.done $0x0  }
0x36: {  	[sflag:s17] =	ssyncadd.s32 $0xFFFFEC00  }
0x37: {  	[tilespmem:s18], [sflag:$0x2] =	stream.linear.gather [hbm4b:s7+s30], $0x1400, $0x38;
	[tilespmem:$0x1A4C0] =	vst v63  }
0x38: {  	_ =	swait.ge [sflag:s17], $0x1400  }
0x39: {  	[sflag:s17] =	ssyncset.done $0x0  }
0x3a: {  	[sflag:s17] =	ssyncadd.s32 $0xFFFFEC00  }
0x3b: {  	[tilespmem:s20], [sflag:$0x1] =	stream.indirect.gather [hbm4b:s1+s19], $0x80, s30, s19, $0xb8;
	[tilespmem:$0x1A4C0] =	vst v63  }
0x3c: {  	_ =	swait.ge [sflag:s21], $0x4000  }
0x3d: {  	[sflag:s21] =	ssyncset.done $0x0  }
0x3e: {  	s31 =	simm.s32 $0x1400;
	[sflag:s21] =	ssyncadd.s32 $0xFFFFC000  }
0x3f: {  	[spmem:s3] =	stream.indirect.scatter.add.f32 [tilespmem:s20], [sflag:$0x2], $0x80, s31, s19, $0xb8;
	[tilespmem:$0x1A4C0] =	vst v63  }
0x40: {  	_ =	swait.ge [sflag:s17], $0x4000  }
0x41: {  	[sflag:s17] =	ssyncset.done $0x0  }
0x42: {  	s24 =	simm.s32 $0x200;
	s25 =	simm.s32 $0x80;
	[sflag:s17] =	ssyncadd.s32 $0xFFFFC000  }
.LBB2_6:
0x43: {  	[tilespmem:s20], [sflag:$0x1] =	stream.indirect.gather [hbm4b:s1+s19], $0x80, s25, s19, $0xb8;
	[tilespmem:$0x1A4C0] =	vst v63  }
0x44: {  	s25 =	smov.u32 s24  }
0x45: {  	p2 =	sne.s32 s24, $0x4C00;
	s24 =	sadd.s32 $0x200, s24;
	_ =	swait.ge [sflag:s21], $0x4000  }
0x46: {  	s25 =	sshra.s32 s25, $0x2;
	[sflag:s21] =	ssyncset.done $0x0  }
.Ltmp2:
0x47: {  	s26 =	sadd.s32 $0x1400, s25;
	[sflag:s21] =	ssyncadd.s32 $0xFFFFC000;
	(pc) =	sbr.rel @p2 .LBB2_6-.Ltmp2, $4  }
0x48: {  	[spmem:s3] =	stream.indirect.scatter.add.f32 [tilespmem:s20], [sflag:$0x2], $0x80, s26, s19, $0xb8;
	[tilespmem:$0x1A4C0] =	vst v63  }
0x49: {  	_ =	swait.ge [sflag:s17], $0x4000  }
0x4a: {  	[sflag:s17] =	ssyncset.done $0x0  }
0x4b: {  	s25 =	sadd.s32 $0x80, s25;
	[sflag:s17] =	ssyncadd.s32 $0xFFFFC000  }
0x4c: {  	[tilespmem:s20], [sflag:$0x1] =	stream.indirect.gather [hbm4b:s1+s19], $0x80, s25, s19, $0xb8;
	[tilespmem:$0x1A4C0] =	vst v63  }
0x4d: {  	_ =	swait.ge [sflag:s21], $0x4000  }
0x4e: {  	[sflag:s21] =	ssyncset.done $0x0  }
0x4f: {  	[sflag:s21] =	ssyncadd.s32 $0xFFFFC000  }
0x50: {  	[spmem:s3] =	stream.indirect.scatter.add.f32 [tilespmem:s20], [sflag:$0x2], $0x80, s22, s19, $0xb8;
	[tilespmem:$0x1A4C0] =	vst v63  }
0x51: {  	_ =	swait.ge [sflag:s17], $0x4000  }
0x52: {  	[sflag:s17] =	ssyncset.done $0x0  }
0x53: {  	s24 =	simm.s32 $0x0;
	[sflag:s17] =	ssyncadd.s32 $0xFFFFC000  }
0x54: {  	[tilespmem:s24], [sflag:$0x2] =	stream.linear.gather [hbm4b:s8+s24], $0x1400, $0x38;
	[tilespmem:$0x1A4C0] =	vst v63  }
0x55: {  	_ =	swait.ge [sflag:s17], $0x1400  }
0x56: {  	[sflag:s17] =	ssyncset.done $0x0  }
0x57: {  	[sflag:s17] =	ssyncadd.s32 $0xFFFFEC00  }
0x58: {  	[tilespmem:s18], [sflag:$0x2] =	stream.linear.gather [hbm4b:s9+s24], $0x1400, $0x38;
	[tilespmem:$0x1A4C0] =	vst v63  }
0x59: {  	_ =	swait.ge [sflag:s17], $0x1400  }
0x5a: {  	[sflag:s17] =	ssyncset.done $0x0  }
0x5b: {  	[sflag:s17] =	ssyncadd.s32 $0xFFFFEC00  }
0x5c: {  	[tilespmem:s20], [sflag:$0x1] =	stream.indirect.gather [hbm4b:s1+s19], $0x80, s24, s19, $0xb8;
	[tilespmem:$0x1A4C0] =	vst v63  }
0x5d: {  	_ =	swait.ge [sflag:s21], $0x4000  }
0x5e: {  	[sflag:s21] =	ssyncset.done $0x0  }
0x5f: {  	s31 =	simm.s32 $0x1400;
	[sflag:s21] =	ssyncadd.s32 $0xFFFFC000  }
0x60: {  	[spmem:s3] =	stream.indirect.scatter.add.f32 [tilespmem:s20], [sflag:$0x2], $0x80, s31, s19, $0xb8;
	[tilespmem:$0x1A4C0] =	vst v63  }
0x61: {  	_ =	swait.ge [sflag:s17], $0x4000  }
0x62: {  	[sflag:s17] =	ssyncset.done $0x0  }
0x63: {  	s25 =	simm.s32 $0x80;
	s24 =	simm.s32 $0x200;
	[sflag:s17] =	ssyncadd.s32 $0xFFFFC000  }
.LBB2_8:
0x64: {  	[tilespmem:s20], [sflag:$0x1] =	stream.indirect.gather [hbm4b:s1+s19], $0x80, s25, s19, $0xb8;
	[tilespmem:$0x1A4C0] =	vst v63  }
0x65: {  	s25 =	smov.u32 s24  }
0x66: {  	p2 =	sne.s32 s24, $0x4C00;
	s24 =	sadd.s32 $0x200, s24;
	_ =	swait.ge [sflag:s21], $0x4000  }
0x67: {  	s25 =	sshra.s32 s25, $0x2;
	[sflag:s21] =	ssyncset.done $0x0  }
.Ltmp3:
0x68: {  	s26 =	sadd.s32 $0x1400, s25;
	[sflag:s21] =	ssyncadd.s32 $0xFFFFC000;
	(pc) =	sbr.rel @p2 .LBB2_8-.Ltmp3, $4  }
0x69: {  	[spmem:s3] =	stream.indirect.scatter.add.f32 [tilespmem:s20], [sflag:$0x2], $0x80, s26, s19, $0xb8;
	[tilespmem:$0x1A4C0] =	vst v63  }
0x6a: {  	_ =	swait.ge [sflag:s17], $0x4000  }
0x6b: {  	[sflag:s17] =	ssyncset.done $0x0  }
0x6c: {  	s25 =	sadd.s32 $0x80, s25;
	[sflag:s17] =	ssyncadd.s32 $0xFFFFC000  }
0x6d: {  	[tilespmem:s20], [sflag:$0x1] =	stream.indirect.gather [hbm4b:s1+s19], $0x80, s25, s19, $0xb8;
	[tilespmem:$0x1A4C0] =	vst v63  }
0x6e: {  	_ =	swait.ge [sflag:s21], $0x4000  }
0x6f: {  	[sflag:s21] =	ssyncset.done $0x0  }
0x70: {  	[sflag:s21] =	ssyncadd.s32 $0xFFFFC000  }
0x71: {  	[spmem:s3] =	stream.indirect.scatter.add.f32 [tilespmem:s20], [sflag:$0x2], $0x80, s22, s19, $0xb8;
	[tilespmem:$0x1A4C0] =	vst v63  }
0x72: {  	_ =	swait.ge [sflag:s17], $0x4000  }
0x73: {  	[sflag:s17] =	ssyncset.done $0x0  }
0x74: {  	[sflag:s17] =	ssyncadd.s32 $0xFFFFC000  }
0x75: {  	s24 =	simm.s32 @p1 $0x1FC2;
	[bflag:$0x0] =	sbarrier.arrive $0xFFFF  }
0x76: {  	[hbm:s11], [sflag:s24] =	dma.local @p1 [spmem:s23], $0x2800  }
0x77: {  	s24 =	simm.s32 @p1 $0x2  }
0x78: {  	s4 =	sadd.s32 $0x1, s4;
	_ =	swait.ge @p1 [sflag:s24], $0x2800  }
0x79: {  	s25 =	sshll.u32 @!p1 s2, $0x6;
	p2 =	sne.s32 s4, s12;
	[sflag:s24] =	ssyncset.done @p1 $0x0  }
0x7a: {  	[sflag:s24] =	ssyncadd.s32 @p1 $0xFFFFD800;
	s24 =	sor.u32 @!p1 $0x1C02, s25;
	s25 =	sshrl.u32 @!p1 s5, $0x3  }
0x7b: {  	[hbm:s10], [sflag:s24] =	dma.local @!p1 [spmem:s25], $0x2700  }
.Ltmp4:
0x7c: {  	_ = 	snop;
	(pc) =	sbr.rel @p2 .LBB2_1-.Ltmp4, $4  }
0x7d: {  	s24 =	simm.s32 @!p1 $0x2  }
0x7e: {  	_ =	swait.ge @!p1 [sflag:s24], $0x2700  }
0x7f: {  	[sflag:s24] =	ssyncset.done @!p1 $0x0  }
0x80: {  	[sflag:s24] =	ssyncadd.s32 @!p1 $0xFFFFD900  }
0x81: {  	_ =	sfence.sel $0x180000  }
0x82: {  	[bflag:$0x0] =	sbarrier.arrive $0xFFFF  }
0x83: {  	p0 =	sne.s32 s2, $0x0;
	_ =	strace $0x9000004D  }
0x84: {  	s0 =	sadd.s32 @!p0 $0x100000, s0;
	[bflag:$0x2] =	sbarrier.arrive $0xFFFF  }
0x85: {  	[sflag:s0] =	ssyncadd.tile.s32 @!p0 $0x1;
	_ =	shalt  }
.Lfunc_end2:
_tile_overlayer_lowered:
.L_overlay_start_2:
0x86: {  	(tag) =	ssettag $0x2  }
0x87: {  	s0 =	rddreg [dreg:$0x0];
	s2 =	stileid.u32  }
0x88: {  	s1 =	rddreg [dreg:$0x1];
	p0 =	sne.s32 s2, $0x0  }
0x89: {  	s3 =	rddreg [dreg:$0x2];
	[bflag:$0x3] =	sbarrier.arrive $0xFFFF;
	s2 =	simm.s32 @!p0 $0x1C02  }
0x8a: {  	[timem:s3], [sflag:s2] =	dma.local @!p0 [hbm:s0], s1  }
0x8b: {  	s0 =	simm.s32 @!p0 $0x2  }
0x8c: {  	_ =	swait.ge @!p0 [sflag:s0], s1  }
0x8d: {  	s1 =	ssub.s32 @!p0 $0x0, s1;
	[sflag:s0] =	ssyncset.done @!p0 $0x0  }
0x8e: {  	[sflag:s0] =	ssyncadd.s32 @!p0 s1  }
0x8f: {  	[bflag:$0x3] =	sbarrier.arrive $0xFFFF  }
0x90: {  	_ =	shalt  }

// kernel: kernel.19.cloned.1.call-start
scs
__scs_entry_jumppad:
0x0: {  	(pc) =	sbr.rel $0x88, $3  }
0x1: {  	(tag) =	ssettag $0x0;
	lr =	simm.s32 $0x1  }
0x2: {  	[smem:$0x3F80] =	sst lr;
	_ =	strace $0xD0000000  }
0x3: {  	_ = 	snop  }
0x4: {  	_ = 	snop  }
0x5: {  	_ = 	snop  }
0x6: {  	_ = 	snop  }
0x7: {  	_ = 	snop  }
__scs_overlays_trampoline_lowered:
0x8: {  	[smem:$0x3F8F] =	sst s0  }
0x9: {  	[smem:$0x3F90] =	sst s1  }
0xa: {  	[smem:$0x3F91] =	sst s2  }
0xb: {  	[smem:$0x3F92] =	sst s3  }
0xc: {  	[smem:$0x3F93] =	sst s4  }
0xd: {  	[smem:$0x3F94] =	sst s5  }
0xe: {  	[smem:$0x3F95] =	sst s6  }
0xf: {  	[smem:$0x3F96] =	sst s7  }
0x10: {  	[smem:$0x3F97] =	sst s8  }
0x11: {  	[smem:$0x3F98] =	sst s9;
	s0 =	simm.s32 @!p0 $0x0  }
0x12: {  	s1 =	sld [smem:$0x3F7E];
	s0 =	simm.s32 @p0 $0x1  }
0x13: {  	[smem:$0x3F99] =	sst s0;
	s0 =	simm.s32 @!p1 $0x0  }
0x14: {  	s2 =	sld [smem:$0x3F7D];
	s0 =	simm.s32 @p1 $0x1  }
0x15: {  	[smem:$0x3F9A] =	sst s0;
	s0 =	simm.s32 @!p2 $0x0  }
0x16: {  	s3 =	sld [smem:$0x3FDB];
	s0 =	simm.s32 @p2 $0x1  }
0x17: {  	s4 =	simm.s32 $0x1BF5;
	[smem:$0x3F9C] =	sst s0  }
0x18: {  	s0 =	sld [smem:$0x3F7F];
	_ =	swait.ge [sflag:s4], $0x0  }
0x19: {  	s7 =	sld [smem:$0x3F80]  }
0x1a: {  	s8 =	sadd.s32 $0xFFFFE003, lr  }
0x1b: {  	s9 =	sadd.s32 $0xFFFFFEF7, lr;
	s5 =	simm.s32 $0xFFFFFFFF;
	p2 =	slt.u32 s8, $0xFFFFF086  }
0x1c: {  	p1 =	slt.u32 s9, $0xF7A;
	s5 =	simm.s32 @!p2 $0x0  }
0x1d: {  	s5 =	simm.s32 @p1 $0x1;
	p0 =	seq.s32 s7, s2  }
0x1e: {  	s7 =	smul.u32 @!p0 $0xF7A, s2;
	p2 =	seq.s32 @!p0 s5, $0x0  }
0x1f: {  	s9 =	smul.u32 $0xF7A, s1;
	s8 =	simm.s32 @!p0 $0x1BF5;
	p2 =	por !p2, p0  }
0x20: {  	[sflag:s8] =	ssyncset.s32 @!p0 $0xFFFFF086;
	s6 =	sadd.s32 @!p0 s3, s7;
	s7 =	simm.s32 @!p0 $0x108  }
0x21: {  	s3 =	sadd.s32 s3, s9;
	s6 =	sadd.s32 @!p0 $0x88, s6;
	s7 =	simm.s32 @p2 $0x1082  }
0x22: {  	[simem:s7], [sflag:s8] =	dma.local @!p0 [hbm:s6], $0xF7A  }
0x23: {  	s9 =	sor.u32 $0xD0000000, s2;
	s6 =	simm.s32 $0x108;
	_ =	swait.ge @!p0 [sflag:s8], $0x0  }
0x24: {  	s3 =	sadd.s32 $0x88, s3;
	s6 =	simm.s32 @!p1 $0x1082;
	[sflag:s4] =	ssyncset.s32 $0xFFFFF086  }
0x25: {  	[simem:s6], [sflag:s4] =	dma.local [hbm:s3], $0xF7A  }
0x26: {  	[smem:$0x3F80] =	sst s1;
	(tag) =	ssettag s2;
	_ =	strace s9  }
0x27: {  	s1 =	sld [smem:$0x3F90]  }
0x28: {  	s2 =	sld [smem:$0x3F91]  }
0x29: {  	s4 =	sld [smem:$0x3F93]  }
0x2a: {  	p0 =	seq.s32 s5, $0x0;
	s5 =	sld [smem:$0x3F94]  }
0x2b: {  	s6 =	sld [smem:$0x3F95]  }
0x2c: {  	s7 =	sld [smem:$0x3F96]  }
0x2d: {  	s3 =	simm.s32 $0x108;
	s8 =	sld [smem:$0x3F97]  }
0x2e: {  	s3 =	simm.s32 @!p0 $0x1082;
	s9 =	sld [smem:$0x3F98]  }
0x2f: {  	lr =	sadd.s32 s0, s3;
	s0 =	sld [smem:$0x3F8F]  }
0x30: {  	s3 =	sld [smem:$0x3F92]  }
0x31: {  	[smem:$0x3F9B] =	sst s10  }
0x32: {  	s10 =	sld [smem:$0x3F99];
	_ =	sdelay $0x3  }
0x33: {  	p0 =	seq.s32 s10, $0x1;
	s10 =	sld [smem:$0x3F9B];
	_ =	sdelay $0x3  }
0x34: {  	[smem:$0x3F9B] =	sst s10  }
0x35: {  	s10 =	sld [smem:$0x3F9A];
	_ =	sdelay $0x3  }
0x36: {  	p1 =	seq.s32 s10, $0x1;
	s10 =	sld [smem:$0x3F9B];
	_ =	sdelay $0x3  }
0x37: {  	[smem:$0x3F9B] =	sst s10  }
0x38: {  	s10 =	sld [smem:$0x3F9C]  }
0x39: {  	_ = 	snop;
	(pc) =	sbr.ind lr, $3  }
0x3a: {  	_ = 	snop  }
0x3b: {  	_ = 	snop  }
0x3c: {  	p2 =	seq.s32 s10, $0x1;
	s10 =	sld [smem:$0x3F9B]  }
0x3d: {  	_ =	shalt  }
0x3e: {  	_ =	shalt  }
0x3f: {  	_ =	shalt  }
0x40: {  	_ =	shalt  }
0x41: {  	_ =	shalt  }
0x42: {  	_ =	shalt  }
0x43: {  	_ =	shalt  }
0x44: {  	_ =	shalt  }
0x45: {  	_ =	shalt  }
0x46: {  	_ =	shalt  }
0x47: {  	_ =	shalt  }
0x48: {  	_ =	shalt  }
0x49: {  	_ =	shalt  }
0x4a: {  	_ =	shalt  }
0x4b: {  	_ =	shalt  }
0x4c: {  	_ =	shalt  }
0x4d: {  	_ =	shalt  }
0x4e: {  	_ =	shalt  }
0x4f: {  	_ =	shalt  }
0x50: {  	_ =	shalt  }
0x51: {  	_ =	shalt  }
0x52: {  	_ =	shalt  }
0x53: {  	_ =	shalt  }
0x54: {  	_ =	shalt  }
0x55: {  	_ =	shalt  }
0x56: {  	_ =	shalt  }
0x57: {  	_ =	shalt  }
0x58: {  	_ =	shalt  }
0x59: {  	_ =	shalt  }
0x5a: {  	_ =	shalt  }
0x5b: {  	_ =	shalt  }
0x5c: {  	_ =	shalt  }
0x5d: {  	_ =	shalt  }
0x5e: {  	_ =	shalt  }
0x5f: {  	_ =	shalt  }
0x60: {  	_ =	shalt  }
0x61: {  	_ =	shalt  }
0x62: {  	_ =	shalt  }
0x63: {  	_ =	shalt  }
0x64: {  	_ =	shalt  }
0x65: {  	_ =	shalt  }
0x66: {  	_ =	shalt  }
0x67: {  	_ =	shalt  }
0x68: {  	_ =	shalt  }
0x69: {  	_ =	shalt  }
0x6a: {  	_ =	shalt  }
0x6b: {  	_ =	shalt  }
0x6c: {  	_ =	shalt  }
0x6d: {  	_ =	shalt  }
0x6e: {  	_ =	shalt  }
0x6f: {  	_ =	shalt  }
0x70: {  	_ =	shalt  }
0x71: {  	_ =	shalt  }
0x72: {  	_ =	shalt  }
0x73: {  	_ =	shalt  }
0x74: {  	_ =	shalt  }
0x75: {  	_ =	shalt  }
0x76: {  	_ =	shalt  }
0x77: {  	_ =	shalt  }
0x78: {  	_ =	shalt  }
0x79: {  	_ =	shalt  }
0x7a: {  	_ =	shalt  }
0x7b: {  	_ =	shalt  }
0x7c: {  	_ =	shalt  }
0x7d: {  	_ =	shalt  }
0x7e: {  	_ =	shalt  }
0x7f: {  	_ =	shalt  }
0x80: {  	_ =	shalt  }
0x81: {  	_ =	shalt  }
0x82: {  	_ =	shalt  }
0x83: {  	_ =	shalt  }
0x84: {  	_ =	shalt  }
0x85: {  	_ =	shalt  }
0x86: {  	_ =	shalt  }
0x87: {  	_ =	shalt  }
.Lfunc_end0:
.L_simem_size_0:
called_computation.3_lowered:
.L_overlay_start_0:
0x88: {  	s2 =	sld [smem:$0x3FD9]  }
0x89: {  	s3 =	sld [smem:$0x3FFE];
	_ =	sdelay $0x1  }
0x8a: {  	s1 =	srdreg.scid  }
0x8b: {  	s0 =	sand.u32 $0x1, s1  }
0x8c: {  	s16 =	sshll.u32 s0, $0xA;
	s2 =	sadd.s32 s3, s2  }
0x8d: {  	s2 =	sadd.s32 s2, s16  }
0x8e: {  	[smem:$0x3FA7] =	sst s2  }
0x8f: {  	_ = 	snop  }
0x90: {  	(tm) =	ssettm $0x1  }
0x91: {  	s17 =	sld [smem:$0x3FFB];
	_ =	sdelay $0x3  }
0x92: {  	_ =	strace s17  }
0x93: {  	s2 =	sld [smem:$0x3FFC];
	_ =	sdelay $0x3  }
0x94: {  	_ =	strace s2  }
0x95: {  	s2 =	sld [smem:$0x3FFD];
	_ =	sdelay $0x3  }
0x96: {  	_ =	strace s2  }
0x97: {  	_ =	strace $0x8FFFFFFF  }
0x98: {  	s18 =	sld [smem:$0x3FDB];
	_ =	sdelay $0x1  }
0x99: {  	s19 =	simm.s32 $_scs_section_size  }
0x9a: {  	s4 =	simm.s32 $_size__tile_overlayer_lowered;
	s5 =	simm.s32 $_tile_overlayer_lowered  }
0x9b: {  	s22 =	simm.s32 $0x1BFF;
	s21 =	sshll.u32 s5, $0x1;
	s2 =	sadd.s32 s19, s18  }
0x9c: {  	s6 =	simm.s32 $0x0;
	s20 =	sshll.u32 s4, $0x1;
	s4 =	sadd.s32 s21, s2  }
0x9d: {  	[timem:s6], [sflag:s22] =	dma.local [hbm:s4], s20  }
0x9e: {  	_ =	swait.ge [sflag:s22], s20  }
0x9f: {  	s3 =	ssub.s32 $0x0, s20;
	[sflag:s22] =	ssyncset.done $0x0  }
0xa0: {  	[sflag:s22] =	ssyncadd.s32 s3;
	_ =	sdelay $0x1  }
0xa1: {  	s23 =	simm.s32 $0x1B8B  }
0xa2: {  	_ =	swait.ge [sflag:s23], $0x1  }
0xa3: {  	[sflag:s23] =	ssyncset.done $0x0  }
0xa4: {  	s25 =	simm.s32 $0x1B8E;
	s24 =	sld [smem:$0x3FFE];
	[sflag:s23] =	ssyncadd.s32 $0xFFFFFFFF  }
0xa5: {  	s26 =	simm.s32 $execute0_lowered;
	[smem:$0x3FD2] =	sst s25  }
0xa6: {  	s4 =	sshll.u32 s26, $0x1;
	_ =	strace $0x8000004F;
	[dreg:$0x1] =	wrdreg $0xFFFFFFFF  }
0xa7: {  	s28 =	simm.s32 $_size_execute0_lowered;
	s2 =	sadd.s32 s2, s4;
	[dreg:$0x0] =	wrdreg $0x0  }
0xa8: {  	s4 =	sshll.u32 s28, $0x1;
	[dreg:$0x2] =	wrdreg s2  }
0xa9: {  	[dreg:$0x3] =	wrdreg s4  }
0xaa: {  	[dreg:$0x4] =	wrdreg $0xC0  }
0xab: {  	_ =	task [dreg:s6], $0x5FFFF  }
0xac: {  	[dreg:$0x1] =	wrdreg $0xFFFFFFFF  }
0xad: {  	[dreg:$0x0] =	wrdreg $0x60  }
0xae: {  	[dreg:$0x2] =	wrdreg s24  }
0xaf: {  	[dreg:$0x3] =	wrdreg $0x6C000  }
0xb0: {  	[dreg:$0x4] =	wrdreg $0x9  }
0xb1: {  	_ =	task.clear_ibuf [dreg:s6], $0x5FFFF;
	_ =	strace $0x9000004F  }
0xb2: {  	s29 =	simm.s32 $0x9;
	_ =	strace $0x80000051  }
0xb3: {  	_ =	swait.ge [sflag:s29], $0x1  }
0xb4: {  	[sflag:s29] =	ssyncadd.s32 $0xFFFFFFFF  }
0xb5: {  	_ =	strace $0x90000051  }
0xb6: {  	_ =	sfence  }
0xb7: {  	s30 =	sld [smem:$0x0];
	_ =	sdelay $0x2  }
0xb8: {  	s31 =	sshll.u32 s1, $0xD;
	s1 =	sshrl.u32 s1, $0x2  }
0xb9: {  	s3 =	sand.u32 $0x4000, s31;
	s1 =	sadd.s32 s1, s30  }
0xba: {  	s0 =	sor.u32 s3, s0;
	s1 =	sshll.u32 s1, $0x11  }
0xbb: {  	s0 =	sor.u32 s1, s0  }
0xbc: {  	s0 =	sadd.s32 $0x8F2B, s0  }
0xbd: {  	[sflag:s0] =	ssyncadd.remote.s32 $0x1  }
0xbe: {  	_ =	sfence.sel $0xFFFF  }
0xbf: {  	[dreg:$0x0] =	wrdreg $0xFFFFFFFF;
	(pc) =	sbr.abs _section_cstart, $3  }
0xc0: {  	[dreg:$0x1] =	wrdreg $0xFFFFFFFF  }
0xc1: {  	_ =	task.clear_ibuf [dreg:s6], $0x2FFFF;
	_ =	strace $0x9FFFFFFF  }
0xc2: {  	(tm) =	ssettm $0x7FFFFFFF  }
0xc3: {  	_ =	shalt  }
tec
execute0_lowered:
.L_overlay_start_1:
0x0: {  	(tag) =	ssettag $0x1  }
0x1: {  	s5 =	rddreg [dreg:$0x0]  }
0x2: {  	s1 =	rddreg [dreg:$0x1]  }
0x3: {  	s0 =	rddreg [dreg:$0x2];
	s3 =	simm.s32 $0x0  }
0x4: {  	s4 =	srdreg.scid;
	s2 =	stileid.u32;
	s16 =	simm.s32 $0x6800  }
0x5: {  	s17 =	simm.s32 $0x2;
	s18 =	simm.s32 $0x1400;
	s19 =	simm.s32 $0x80  }
0x6: {  	s20 =	simm.s32 $0x2800;
	s21 =	simm.s32 $0x1;
	s22 =	simm.s32 $0x2780  }
0x7: {  	[smem:$0x7FF] =	sst s3;
	s6 =	sand.u32 $0x1, s4;
	s7 =	sshll.u32 s2, $0x1  }
0x8: {  	s4 =	sadd.s32 $0x2C00, s5;
	s8 =	smul.u32 $0x4E000, s2;
	s9 =	sadd.s32 $0x2AC00, s5  }
0x9: {  	s10 =	sadd.s32 $0x3E800, s5;
	s12 =	sadd.s32 $0x48800, s5;
	s29 =	smul.u32 $0x13800, s2  }
0xa: {  	s23 =	sadd.s32 $0x124800, s1;
	p0 =	sne.s32 s2, $0xF;
	p1 =	seq.s32 s2, $0xF  }
0xb: {  	_ =	strace $0x80000050;
	s7 =	sor.u32 s6, s7;
	s14 =	smul.u32 $0x138800, s6  }
0xc: {  	s26 =	ssub.s32 $0x2, s6;
	s23 =	sshrl.u32 @p1 s23, $0x3;
	s11 =	smul.u32 $0x500, s7  }
0xd: {  	s13 =	smul.u32 $0x2800, s7;
	s28 =	sshrl.u32 s26, $0x1;
	s8 =	sshrl.u32 s8, $0x2  }
0xe: {  	s15 =	ssub.s32 s26, s28;
	s5 =	sadd.s32 s8, s1;
	s31 =	sadd.s32 s29, s14  }
0xf: {  	s14 =	sshrl.u32 s14, $0x3;
	s6 =	sadd.s32 s9, s11;
	s30 =	sshrl.u32 s13, $0x3  }
0x10: {  	s7 =	sadd.s32 s10, s11;
	s13 =	sshrl.u32 s31, $0x3;
	s11 =	sadd.s32 $0x280, s30  }
0x11: {  	s14 =	sadd.s32 s12, s14;
	s8 =	sadd.s32 s9, s11;
	s9 =	sadd.s32 s10, s11  }
0x12: {  	s10 =	sadd.s32 s12, s13;
	s11 =	sadd.s32 $0x24900, s14;
	s13 =	sadd.s32 $0x138400, s1  }
0x13: {  	v0 =	vimm.f32 $0.0e+00;
	s12 =	smax.u32 s15, $0x1;
	s14 =	sadd.s32 $0x138000, s1;
	s15 =	sadd.s32 $0x138800, s1  }
.LBB2_1:
0x14: {  	s24 =	simm.s32 $0x0;
	s25 =	simm.s32 $0x0  }
.LBB2_2:
0x15: {  	p2 =	sne.s32 s25, $0xFC0  }
.Ltmp0:
0x16: {  	_ = 	snop;
	(pc) =	sbr.rel @p2 .LBB2_2-.Ltmp0, $4  }
0x17: {  	s26 =	sand.u32 $0xE00, s25  }
0x18: {  	s28 =	sand.u32 $0x70, s24;
	s26 =	sshrl.u32 s26, $0x2  }
0x19: {  	s26 =	sor.u32 s28, s26  }
0x1a: {  	s24 =	sadd.s32 $0x10, s24;
	s25 =	sadd.s32 $0x40, s25;
	[tilespmem:s26+$0x6800] =	vst v0  }
0x1b: {  	s24 =	sadd.s32 $0x0, s5  }
0x1c: {  	[spmem:s24] =	stream.linear.scatter [tilespmem:s16], [sflag:$0x2], $0x400, $0x38;
	[tilespmem:$0x1A4C0] =	vst v63  }
0x1d: {  	s24 =	simm.s32 $0x1000;
	_ =	swait.ge [sflag:s17], $0x400  }
.LBB2_4:
0x1e: {  	s25 =	sshra.s32 s24, $0x2;
	[sflag:s17] =	ssyncset.done $0x0;
	p2 =	sne.s32 s24, $0x4D000  }
.Ltmp1:
0x1f: {  	s25 =	sadd.s32 s25, s5;
	[sflag:s17] =	ssyncadd.s32 $0xFFFFFC00;
	(pc) =	sbr.rel @p2 .LBB2_4-.Ltmp1, $3  }
0x20: {  	[spmem:s25] =	stream.linear.scatter [tilespmem:s16], [sflag:$0x2], $0x400, $0x38;
	[tilespmem:$0x1A4C0] =	vst v63  }
0x21: {  	s24 =	sadd.s32 $0x1000, s24;
	_ =	sdelay $0x1  }
0x22: {  	_ =	swait.ge [sflag:s17], $0x400  }
0x23: {  	[sflag:s17] =	ssyncset.done $0x0  }
0x24: {  	s24 =	simm.s32 @!p0 $0x6800;
	s25 =	simm.s32 @!p0 $0x2;
	[sflag:s17] =	ssyncadd.s32 $0xFFFFFC00  }
0x25: {  	[spmem:s14] =	stream.linear.scatter @!p0 [tilespmem:s24], [sflag:$0x2], $0x400, $0x38;
	[tilespmem:$0x1A4C0] =	vst v63  }
0x26: {  	_ =	swait.ge @!p0 [sflag:s25], $0x400  }
0x27: {  	[sflag:s25] =	ssyncset.done @!p0 $0x0  }
0x28: {  	[sflag:s25] =	ssyncadd.s32 @!p0 $0xFFFFFC00  }
0x29: {  	[spmem:s13] =	stream.linear.scatter @!p0 [tilespmem:s24], [sflag:$0x2], $0x400, $0x38;
	[tilespmem:$0x1A4C0] =	vst v63  }
0x2a: {  	_ =	swait.ge @!p0 [sflag:s25], $0x400  }
0x2b: {  	[sflag:s25] =	ssyncset.done @!p0 $0x0  }
0x2c: {  	[sflag:s25] =	ssyncadd.s32 @!p0 $0xFFFFFC00  }
0x2d: {  	[spmem:s15] =	stream.linear.scatter @!p0 [tilespmem:s24], [sflag:$0x2], $0x400, $0x38;
	[tilespmem:$0x1A4C0] =	vst v63  }
0x2e: {  	_ =	swait.ge @!p0 [sflag:s25], $0x400  }
0x2f: {  	[sflag:s25] =	ssyncset.done @!p0 $0x0  }
0x30: {  	[sflag:s25] =	ssyncadd.s32 @!p0 $0xFFFFFC00  }
0x31: {  	s30 =	simm.s32 $0x0;
	[bflag:$0x0] =	sbarrier.arrive $0xFFFF  }
0x32: {  	[tilespmem:s30], [sflag:$0x2] =	stream.linear.gather [hbm4b:s6+s30], $0x1400, $0x38;
	[tilespmem:$0x1A4C0] =	vst v63  }
0x33: {  	_ =	swait.ge [sflag:s17], $0x1400  }
0x34: {  	[sflag:s17] =	ssyncset.done $0x0  }
0x35: {  	[sflag:s17] =	ssyncadd.s32 $0xFFFFEC00  }
0x36: {  	[tilespmem:s18], [sflag:$0x2] =	stream.linear.gather [hbm4b:s7+s30], $0x1400, $0x38;
	[tilespmem:$0x1A4C0] =	vst v63  }
0x37: {  	_ =	swait.ge [sflag:s17], $0x1400  }
0x38: {  	[sflag:s17] =	ssyncset.done $0x0  }
0x39: {  	[sflag:s17] =	ssyncadd.s32 $0xFFFFEC00  }
0x3a: {  	[tilespmem:s20], [sflag:$0x1] =	stream.indirect.gather [hbm4b:s4+s19], $0x80, s30, s19, $0xb8;
	[tilespmem:$0x1A4C0] =	vst v63  }
0x3b: {  	_ =	swait.ge [sflag:s21], $0x4000  }
0x3c: {  	[sflag:s21] =	ssyncset.done $0x0  }
0x3d: {  	s31 =	simm.s32 $0x1400;
	[sflag:s21] =	ssyncadd.s32 $0xFFFFC000  }
0x3e: {  	[spmem:s1] =	stream.indirect.scatter.add.f32 [tilespmem:s20], [sflag:$0x2], $0x80, s31, s19, $0xb8;
	[tilespmem:$0x1A4C0] =	vst v63  }
0x3f: {  	_ =	swait.ge [sflag:s17], $0x4000  }
0x40: {  	[sflag:s17] =	ssyncset.done $0x0  }
0x41: {  	s24 =	simm.s32 $0x200;
	s25 =	simm.s32 $0x80;
	[sflag:s17] =	ssyncadd.s32 $0xFFFFC000  }
.LBB2_6:
0x42: {  	[tilespmem:s20], [sflag:$0x1] =	stream.indirect.gather [hbm4b:s4+s19], $0x80, s25, s19, $0xb8;
	[tilespmem:$0x1A4C0] =	vst v63  }
0x43: {  	s25 =	smov.u32 s24  }
0x44: {  	p2 =	sne.s32 s24, $0x4C00;
	s24 =	sadd.s32 $0x200, s24;
	_ =	swait.ge [sflag:s21], $0x4000  }
0x45: {  	s25 =	sshra.s32 s25, $0x2;
	[sflag:s21] =	ssyncset.done $0x0  }
.Ltmp2:
0x46: {  	s26 =	sadd.s32 $0x1400, s25;
	[sflag:s21] =	ssyncadd.s32 $0xFFFFC000;
	(pc) =	sbr.rel @p2 .LBB2_6-.Ltmp2, $4  }
0x47: {  	[spmem:s1] =	stream.indirect.scatter.add.f32 [tilespmem:s20], [sflag:$0x2], $0x80, s26, s19, $0xb8;
	[tilespmem:$0x1A4C0] =	vst v63  }
0x48: {  	_ =	swait.ge [sflag:s17], $0x4000  }
0x49: {  	[sflag:s17] =	ssyncset.done $0x0  }
0x4a: {  	s25 =	sadd.s32 $0x80, s25;
	[sflag:s17] =	ssyncadd.s32 $0xFFFFC000  }
0x4b: {  	[tilespmem:s20], [sflag:$0x1] =	stream.indirect.gather [hbm4b:s4+s19], $0x80, s25, s19, $0xb8;
	[tilespmem:$0x1A4C0] =	vst v63  }
0x4c: {  	_ =	swait.ge [sflag:s21], $0x4000  }
0x4d: {  	[sflag:s21] =	ssyncset.done $0x0  }
0x4e: {  	[sflag:s21] =	ssyncadd.s32 $0xFFFFC000  }
0x4f: {  	[spmem:s1] =	stream.indirect.scatter.add.f32 [tilespmem:s20], [sflag:$0x2], $0x80, s22, s19, $0xb8;
	[tilespmem:$0x1A4C0] =	vst v63  }
0x50: {  	_ =	swait.ge [sflag:s17], $0x4000  }
0x51: {  	[sflag:s17] =	ssyncset.done $0x0  }
0x52: {  	s24 =	simm.s32 $0x0;
	[sflag:s17] =	ssyncadd.s32 $0xFFFFC000  }
0x53: {  	[tilespmem:s24], [sflag:$0x2] =	stream.linear.gather [hbm4b:s8+s24], $0x1400, $0x38;
	[tilespmem:$0x1A4C0] =	vst v63  }
0x54: {  	_ =	swait.ge [sflag:s17], $0x1400  }
0x55: {  	[sflag:s17] =	ssyncset.done $0x0  }
0x56: {  	[sflag:s17] =	ssyncadd.s32 $0xFFFFEC00  }
0x57: {  	[tilespmem:s18], [sflag:$0x2] =	stream.linear.gather [hbm4b:s9+s24], $0x1400, $0x38;
	[tilespmem:$0x1A4C0] =	vst v63  }
0x58: {  	_ =	swait.ge [sflag:s17], $0x1400  }
0x59: {  	[sflag:s17] =	ssyncset.done $0x0  }
0x5a: {  	[sflag:s17] =	ssyncadd.s32 $0xFFFFEC00  }
0x5b: {  	[tilespmem:s20], [sflag:$0x1] =	stream.indirect.gather [hbm4b:s4+s19], $0x80, s24, s19, $0xb8;
	[tilespmem:$0x1A4C0] =	vst v63  }
0x5c: {  	_ =	swait.ge [sflag:s21], $0x4000  }
0x5d: {  	[sflag:s21] =	ssyncset.done $0x0  }
0x5e: {  	s31 =	simm.s32 $0x1400;
	[sflag:s21] =	ssyncadd.s32 $0xFFFFC000  }
0x5f: {  	[spmem:s1] =	stream.indirect.scatter.add.f32 [tilespmem:s20], [sflag:$0x2], $0x80, s31, s19, $0xb8;
	[tilespmem:$0x1A4C0] =	vst v63  }
0x60: {  	_ =	swait.ge [sflag:s17], $0x4000  }
0x61: {  	[sflag:s17] =	ssyncset.done $0x0  }
0x62: {  	s25 =	simm.s32 $0x80;
	s24 =	simm.s32 $0x200;
	[sflag:s17] =	ssyncadd.s32 $0xFFFFC000  }
.LBB2_8:
0x63: {  	[tilespmem:s20], [sflag:$0x1] =	stream.indirect.gather [hbm4b:s4+s19], $0x80, s25, s19, $0xb8;
	[tilespmem:$0x1A4C0] =	vst v63  }
0x64: {  	s25 =	smov.u32 s24  }
0x65: {  	p2 =	sne.s32 s24, $0x4C00;
	s24 =	sadd.s32 $0x200, s24;
	_ =	swait.ge [sflag:s21], $0x4000  }
0x66: {  	s25 =	sshra.s32 s25, $0x2;
	[sflag:s21] =	ssyncset.done $0x0  }
.Ltmp3:
0x67: {  	s26 =	sadd.s32 $0x1400, s25;
	[sflag:s21] =	ssyncadd.s32 $0xFFFFC000;
	(pc) =	sbr.rel @p2 .LBB2_8-.Ltmp3, $4  }
0x68: {  	[spmem:s1] =	stream.indirect.scatter.add.f32 [tilespmem:s20], [sflag:$0x2], $0x80, s26, s19, $0xb8;
	[tilespmem:$0x1A4C0] =	vst v63  }
0x69: {  	_ =	swait.ge [sflag:s17], $0x4000  }
0x6a: {  	[sflag:s17] =	ssyncset.done $0x0  }
0x6b: {  	s25 =	sadd.s32 $0x80, s25;
	[sflag:s17] =	ssyncadd.s32 $0xFFFFC000  }
0x6c: {  	[tilespmem:s20], [sflag:$0x1] =	stream.indirect.gather [hbm4b:s4+s19], $0x80, s25, s19, $0xb8;
	[tilespmem:$0x1A4C0] =	vst v63  }
0x6d: {  	_ =	swait.ge [sflag:s21], $0x4000  }
0x6e: {  	[sflag:s21] =	ssyncset.done $0x0  }
0x6f: {  	[sflag:s21] =	ssyncadd.s32 $0xFFFFC000  }
0x70: {  	[spmem:s1] =	stream.indirect.scatter.add.f32 [tilespmem:s20], [sflag:$0x2], $0x80, s22, s19, $0xb8;
	[tilespmem:$0x1A4C0] =	vst v63  }
0x71: {  	_ =	swait.ge [sflag:s17], $0x4000  }
0x72: {  	[sflag:s17] =	ssyncset.done $0x0  }
0x73: {  	[sflag:s17] =	ssyncadd.s32 $0xFFFFC000  }
0x74: {  	s24 =	simm.s32 @p1 $0x1FC2;
	[bflag:$0x0] =	sbarrier.arrive $0xFFFF  }
0x75: {  	[hbm:s11], [sflag:s24] =	dma.local @p1 [spmem:s23], $0x2800  }
0x76: {  	s24 =	simm.s32 @p1 $0x2  }
0x77: {  	s3 =	sadd.s32 $0x1, s3;
	_ =	swait.ge @p1 [sflag:s24], $0x2800  }
0x78: {  	s25 =	sshll.u32 @!p1 s2, $0x6;
	p2 =	sne.s32 s3, s12;
	[sflag:s24] =	ssyncset.done @p1 $0x0  }
0x79: {  	[sflag:s24] =	ssyncadd.s32 @p1 $0xFFFFD800;
	s24 =	sor.u32 @!p1 $0x1C02, s25;
	s25 =	sshrl.u32 @!p1 s5, $0x3  }
0x7a: {  	[hbm:s10], [sflag:s24] =	dma.local @!p1 [spmem:s25], $0x2700  }
.Ltmp4:
0x7b: {  	_ = 	snop;
	(pc) =	sbr.rel @p2 .LBB2_1-.Ltmp4, $4  }
0x7c: {  	s24 =	simm.s32 @!p1 $0x2  }
0x7d: {  	_ =	swait.ge @!p1 [sflag:s24], $0x2700  }
0x7e: {  	[sflag:s24] =	ssyncset.done @!p1 $0x0  }
0x7f: {  	[sflag:s24] =	ssyncadd.s32 @!p1 $0xFFFFD900  }
0x80: {  	_ =	sfence.sel $0x180000  }
0x81: {  	[bflag:$0x0] =	sbarrier.arrive $0xFFFF  }
0x82: {  	p0 =	sne.s32 s2, $0x0;
	_ =	strace $0x90000050  }
0x83: {  	s0 =	sadd.s32 @!p0 $0x100000, s0;
	[bflag:$0x2] =	sbarrier.arrive $0xFFFF  }
0x84: {  	[sflag:s0] =	ssyncadd.tile.s32 @!p0 $0x1;
	_ =	shalt  }
.Lfunc_end2:
_tile_overlayer_lowered:
.L_overlay_start_2:
0x85: {  	(tag) =	ssettag $0x2  }
0x86: {  	s0 =	rddreg [dreg:$0x0];
	s2 =	stileid.u32  }
0x87: {  	s1 =	rddreg [dreg:$0x1];
	p0 =	sne.s32 s2, $0x0  }
0x88: {  	s3 =	rddreg [dreg:$0x2];
	[bflag:$0x3] =	sbarrier.arrive $0xFFFF;
	s2 =	simm.s32 @!p0 $0x1C02  }
0x89: {  	[timem:s3], [sflag:s2] =	dma.local @!p0 [hbm:s0], s1  }
0x8a: {  	s0 =	simm.s32 @!p0 $0x2  }
0x8b: {  	_ =	swait.ge @!p0 [sflag:s0], s1  }
0x8c: {  	s1 =	ssub.s32 @!p0 $0x0, s1;
	[sflag:s0] =	ssyncset.done @!p0 $0x0  }
0x8d: {  	[sflag:s0] =	ssyncadd.s32 @!p0 s1  }
0x8e: {  	[bflag:$0x3] =	sbarrier.arrive $0xFFFF  }
0x8f: {  	_ =	shalt  }

// kernel: kernel.22.cloned.1.call-start
scs
__scs_entry_jumppad:
0x0: {  	(pc) =	sbr.rel $0x88, $3  }
0x1: {  	(tag) =	ssettag $0x0;
	lr =	simm.s32 $0x1  }
0x2: {  	[smem:$0x3F80] =	sst lr;
	_ =	strace $0xD0000000  }
0x3: {  	_ = 	snop  }
0x4: {  	_ = 	snop  }
0x5: {  	_ = 	snop  }
0x6: {  	_ = 	snop  }
0x7: {  	_ = 	snop  }
__scs_overlays_trampoline_lowered:
0x8: {  	[smem:$0x3F8F] =	sst s0  }
0x9: {  	[smem:$0x3F90] =	sst s1  }
0xa: {  	[smem:$0x3F91] =	sst s2  }
0xb: {  	[smem:$0x3F92] =	sst s3  }
0xc: {  	[smem:$0x3F93] =	sst s4  }
0xd: {  	[smem:$0x3F94] =	sst s5  }
0xe: {  	[smem:$0x3F95] =	sst s6  }
0xf: {  	[smem:$0x3F96] =	sst s7  }
0x10: {  	[smem:$0x3F97] =	sst s8  }
0x11: {  	[smem:$0x3F98] =	sst s9;
	s0 =	simm.s32 @!p0 $0x0  }
0x12: {  	s1 =	sld [smem:$0x3F7E];
	s0 =	simm.s32 @p0 $0x1  }
0x13: {  	[smem:$0x3F99] =	sst s0;
	s0 =	simm.s32 @!p1 $0x0  }
0x14: {  	s2 =	sld [smem:$0x3F7D];
	s0 =	simm.s32 @p1 $0x1  }
0x15: {  	[smem:$0x3F9A] =	sst s0;
	s0 =	simm.s32 @!p2 $0x0  }
0x16: {  	s3 =	sld [smem:$0x3FDB];
	s0 =	simm.s32 @p2 $0x1  }
0x17: {  	s4 =	simm.s32 $0x1BF5;
	[smem:$0x3F9C] =	sst s0  }
0x18: {  	s0 =	sld [smem:$0x3F7F];
	_ =	swait.ge [sflag:s4], $0x0  }
0x19: {  	s7 =	sld [smem:$0x3F80]  }
0x1a: {  	s8 =	sadd.s32 $0xFFFFE003, lr  }
0x1b: {  	s9 =	sadd.s32 $0xFFFFFEF7, lr;
	s5 =	simm.s32 $0xFFFFFFFF;
	p2 =	slt.u32 s8, $0xFFFFF086  }
0x1c: {  	p1 =	slt.u32 s9, $0xF7A;
	s5 =	simm.s32 @!p2 $0x0  }
0x1d: {  	s5 =	simm.s32 @p1 $0x1;
	p0 =	seq.s32 s7, s2  }
0x1e: {  	s7 =	smul.u32 @!p0 $0xF7A, s2;
	p2 =	seq.s32 @!p0 s5, $0x0  }
0x1f: {  	s9 =	smul.u32 $0xF7A, s1;
	s8 =	simm.s32 @!p0 $0x1BF5;
	p2 =	por !p2, p0  }
0x20: {  	[sflag:s8] =	ssyncset.s32 @!p0 $0xFFFFF086;
	s6 =	sadd.s32 @!p0 s3, s7;
	s7 =	simm.s32 @!p0 $0x108  }
0x21: {  	s3 =	sadd.s32 s3, s9;
	s6 =	sadd.s32 @!p0 $0x88, s6;
	s7 =	simm.s32 @p2 $0x1082  }
0x22: {  	[simem:s7], [sflag:s8] =	dma.local @!p0 [hbm:s6], $0xF7A  }
0x23: {  	s9 =	sor.u32 $0xD0000000, s2;
	s6 =	simm.s32 $0x108;
	_ =	swait.ge @!p0 [sflag:s8], $0x0  }
0x24: {  	s3 =	sadd.s32 $0x88, s3;
	s6 =	simm.s32 @!p1 $0x1082;
	[sflag:s4] =	ssyncset.s32 $0xFFFFF086  }
0x25: {  	[simem:s6], [sflag:s4] =	dma.local [hbm:s3], $0xF7A  }
0x26: {  	[smem:$0x3F80] =	sst s1;
	(tag) =	ssettag s2;
	_ =	strace s9  }
0x27: {  	s1 =	sld [smem:$0x3F90]  }
0x28: {  	s2 =	sld [smem:$0x3F91]  }
0x29: {  	s4 =	sld [smem:$0x3F93]  }
0x2a: {  	p0 =	seq.s32 s5, $0x0;
	s5 =	sld [smem:$0x3F94]  }
0x2b: {  	s6 =	sld [smem:$0x3F95]  }
0x2c: {  	s7 =	sld [smem:$0x3F96]  }
0x2d: {  	s3 =	simm.s32 $0x108;
	s8 =	sld [smem:$0x3F97]  }
0x2e: {  	s3 =	simm.s32 @!p0 $0x1082;
	s9 =	sld [smem:$0x3F98]  }
0x2f: {  	lr =	sadd.s32 s0, s3;
	s0 =	sld [smem:$0x3F8F]  }
0x30: {  	s3 =	sld [smem:$0x3F92]  }
0x31: {  	[smem:$0x3F9B] =	sst s10  }
0x32: {  	s10 =	sld [smem:$0x3F99];
	_ =	sdelay $0x3  }
0x33: {  	p0 =	seq.s32 s10, $0x1;
	s10 =	sld [smem:$0x3F9B];
	_ =	sdelay $0x3  }
0x34: {  	[smem:$0x3F9B] =	sst s10  }
0x35: {  	s10 =	sld [smem:$0x3F9A];
	_ =	sdelay $0x3  }
0x36: {  	p1 =	seq.s32 s10, $0x1;
	s10 =	sld [smem:$0x3F9B];
	_ =	sdelay $0x3  }
0x37: {  	[smem:$0x3F9B] =	sst s10  }
0x38: {  	s10 =	sld [smem:$0x3F9C]  }
0x39: {  	_ = 	snop;
	(pc) =	sbr.ind lr, $3  }
0x3a: {  	_ = 	snop  }
0x3b: {  	_ = 	snop  }
0x3c: {  	p2 =	seq.s32 s10, $0x1;
	s10 =	sld [smem:$0x3F9B]  }
0x3d: {  	_ =	shalt  }
0x3e: {  	_ =	shalt  }
0x3f: {  	_ =	shalt  }
0x40: {  	_ =	shalt  }
0x41: {  	_ =	shalt  }
0x42: {  	_ =	shalt  }
0x43: {  	_ =	shalt  }
0x44: {  	_ =	shalt  }
0x45: {  	_ =	shalt  }
0x46: {  	_ =	shalt  }
0x47: {  	_ =	shalt  }
0x48: {  	_ =	shalt  }
0x49: {  	_ =	shalt  }
0x4a: {  	_ =	shalt  }
0x4b: {  	_ =	shalt  }
0x4c: {  	_ =	shalt  }
0x4d: {  	_ =	shalt  }
0x4e: {  	_ =	shalt  }
0x4f: {  	_ =	shalt  }
0x50: {  	_ =	shalt  }
0x51: {  	_ =	shalt  }
0x52: {  	_ =	shalt  }
0x53: {  	_ =	shalt  }
0x54: {  	_ =	shalt  }
0x55: {  	_ =	shalt  }
0x56: {  	_ =	shalt  }
0x57: {  	_ =	shalt  }
0x58: {  	_ =	shalt  }
0x59: {  	_ =	shalt  }
0x5a: {  	_ =	shalt  }
0x5b: {  	_ =	shalt  }
0x5c: {  	_ =	shalt  }
0x5d: {  	_ =	shalt  }
0x5e: {  	_ =	shalt  }
0x5f: {  	_ =	shalt  }
0x60: {  	_ =	shalt  }
0x61: {  	_ =	shalt  }
0x62: {  	_ =	shalt  }
0x63: {  	_ =	shalt  }
0x64: {  	_ =	shalt  }
0x65: {  	_ =	shalt  }
0x66: {  	_ =	shalt  }
0x67: {  	_ =	shalt  }
0x68: {  	_ =	shalt  }
0x69: {  	_ =	shalt  }
0x6a: {  	_ =	shalt  }
0x6b: {  	_ =	shalt  }
0x6c: {  	_ =	shalt  }
0x6d: {  	_ =	shalt  }
0x6e: {  	_ =	shalt  }
0x6f: {  	_ =	shalt  }
0x70: {  	_ =	shalt  }
0x71: {  	_ =	shalt  }
0x72: {  	_ =	shalt  }
0x73: {  	_ =	shalt  }
0x74: {  	_ =	shalt  }
0x75: {  	_ =	shalt  }
0x76: {  	_ =	shalt  }
0x77: {  	_ =	shalt  }
0x78: {  	_ =	shalt  }
0x79: {  	_ =	shalt  }
0x7a: {  	_ =	shalt  }
0x7b: {  	_ =	shalt  }
0x7c: {  	_ =	shalt  }
0x7d: {  	_ =	shalt  }
0x7e: {  	_ =	shalt  }
0x7f: {  	_ =	shalt  }
0x80: {  	_ =	shalt  }
0x81: {  	_ =	shalt  }
0x82: {  	_ =	shalt  }
0x83: {  	_ =	shalt  }
0x84: {  	_ =	shalt  }
0x85: {  	_ =	shalt  }
0x86: {  	_ =	shalt  }
0x87: {  	_ =	shalt  }
.Lfunc_end0:
.L_simem_size_0:
called_computation.4_lowered:
.L_overlay_start_0:
0x88: {  	s2 =	sld [smem:$0x3FD9]  }
0x89: {  	s3 =	sld [smem:$0x3FFE];
	_ =	sdelay $0x1  }
0x8a: {  	s1 =	srdreg.scid  }
0x8b: {  	s0 =	sand.u32 $0x1, s1  }
0x8c: {  	s16 =	sshll.u32 s0, $0xA;
	s2 =	sadd.s32 s3, s2  }
0x8d: {  	s2 =	sadd.s32 s2, s16  }
0x8e: {  	[smem:$0x3FA7] =	sst s2  }
0x8f: {  	_ = 	snop  }
0x90: {  	(tm) =	ssettm $0x1  }
0x91: {  	s17 =	sld [smem:$0x3FFB];
	_ =	sdelay $0x3  }
0x92: {  	_ =	strace s17  }
0x93: {  	s2 =	sld [smem:$0x3FFC];
	_ =	sdelay $0x3  }
0x94: {  	_ =	strace s2  }
0x95: {  	s2 =	sld [smem:$0x3FFD];
	_ =	sdelay $0x3  }
0x96: {  	_ =	strace s2  }
0x97: {  	_ =	strace $0x8FFFFFFF  }
0x98: {  	s18 =	sld [smem:$0x3FDB];
	_ =	sdelay $0x1  }
0x99: {  	s19 =	simm.s32 $_scs_section_size  }
0x9a: {  	s4 =	simm.s32 $_size__tile_overlayer_lowered;
	s5 =	simm.s32 $_tile_overlayer_lowered  }
0x9b: {  	s22 =	simm.s32 $0x1BFF;
	s21 =	sshll.u32 s5, $0x1;
	s2 =	sadd.s32 s19, s18  }
0x9c: {  	s6 =	simm.s32 $0x0;
	s20 =	sshll.u32 s4, $0x1;
	s4 =	sadd.s32 s21, s2  }
0x9d: {  	[timem:s6], [sflag:s22] =	dma.local [hbm:s4], s20  }
0x9e: {  	_ =	swait.ge [sflag:s22], s20  }
0x9f: {  	s3 =	ssub.s32 $0x0, s20;
	[sflag:s22] =	ssyncset.done $0x0  }
0xa0: {  	[sflag:s22] =	ssyncadd.s32 s3;
	_ =	sdelay $0x1  }
0xa1: {  	s23 =	simm.s32 $0x1B8B  }
0xa2: {  	_ =	swait.ge [sflag:s23], $0x1  }
0xa3: {  	[sflag:s23] =	ssyncset.done $0x0  }
0xa4: {  	s25 =	simm.s32 $0x1B8E;
	s24 =	sld [smem:$0x3FFE];
	[sflag:s23] =	ssyncadd.s32 $0xFFFFFFFF  }
0xa5: {  	s26 =	simm.s32 $execute0_lowered;
	[smem:$0x3FD2] =	sst s25  }
0xa6: {  	s4 =	sshll.u32 s26, $0x1;
	_ =	strace $0x80000052;
	[dreg:$0x1] =	wrdreg $0xFFFFFFFF  }
0xa7: {  	s28 =	simm.s32 $_size_execute0_lowered;
	s2 =	sadd.s32 s2, s4;
	[dreg:$0x0] =	wrdreg $0x0  }
0xa8: {  	s4 =	sshll.u32 s28, $0x1;
	[dreg:$0x2] =	wrdreg s2  }
0xa9: {  	[dreg:$0x3] =	wrdreg s4  }
0xaa: {  	[dreg:$0x4] =	wrdreg $0xC0  }
0xab: {  	_ =	task [dreg:s6], $0x5FFFF  }
0xac: {  	[dreg:$0x1] =	wrdreg $0xFFFFFFFF  }
0xad: {  	[dreg:$0x0] =	wrdreg $0x60  }
0xae: {  	[dreg:$0x2] =	wrdreg s24  }
0xaf: {  	[dreg:$0x3] =	wrdreg $0x6C000  }
0xb0: {  	[dreg:$0x4] =	wrdreg $0x9  }
0xb1: {  	_ =	task.clear_ibuf [dreg:s6], $0x5FFFF;
	_ =	strace $0x90000052  }
0xb2: {  	s29 =	simm.s32 $0x9;
	_ =	strace $0x80000054  }
0xb3: {  	_ =	swait.ge [sflag:s29], $0x1  }
0xb4: {  	[sflag:s29] =	ssyncadd.s32 $0xFFFFFFFF  }
0xb5: {  	_ =	strace $0x90000054  }
0xb6: {  	_ =	sfence  }
0xb7: {  	s30 =	sld [smem:$0x0];
	_ =	sdelay $0x2  }
0xb8: {  	s31 =	sshll.u32 s1, $0xD;
	s1 =	sshrl.u32 s1, $0x2  }
0xb9: {  	s3 =	sand.u32 $0x4000, s31;
	s1 =	sadd.s32 s1, s30  }
0xba: {  	s0 =	sor.u32 s3, s0;
	s1 =	sshll.u32 s1, $0x11  }
0xbb: {  	s0 =	sor.u32 s1, s0  }
0xbc: {  	s0 =	sadd.s32 $0x8F2B, s0  }
0xbd: {  	[sflag:s0] =	ssyncadd.remote.s32 $0x1  }
0xbe: {  	_ =	sfence.sel $0xFFFF  }
0xbf: {  	[dreg:$0x0] =	wrdreg $0xFFFFFFFF;
	(pc) =	sbr.abs _section_cstart, $3  }
0xc0: {  	[dreg:$0x1] =	wrdreg $0xFFFFFFFF  }
0xc1: {  	_ =	task.clear_ibuf [dreg:s6], $0x2FFFF;
	_ =	strace $0x9FFFFFFF  }
0xc2: {  	(tm) =	ssettm $0x7FFFFFFF  }
0xc3: {  	_ =	shalt  }
tec
execute0_lowered:
.L_overlay_start_1:
0x0: {  	(tag) =	ssettag $0x1  }
0x1: {  	s5 =	rddreg [dreg:$0x0]  }
0x2: {  	s1 =	rddreg [dreg:$0x1]  }
0x3: {  	s0 =	rddreg [dreg:$0x2];
	s3 =	simm.s32 $0x0  }
0x4: {  	s4 =	srdreg.scid;
	s2 =	stileid.u32;
	s16 =	simm.s32 $0x6800  }
0x5: {  	s17 =	simm.s32 $0x2;
	s18 =	simm.s32 $0x1400;
	s19 =	simm.s32 $0x80  }
0x6: {  	s20 =	simm.s32 $0x2800;
	s21 =	simm.s32 $0x1;
	s22 =	simm.s32 $0x2780  }
0x7: {  	[smem:$0x7FF] =	sst s3;
	s6 =	sand.u32 $0x1, s4;
	s7 =	sshll.u32 s2, $0x1  }
0x8: {  	s4 =	sadd.s32 $0x2C00, s5;
	s8 =	smul.u32 $0x4E000, s2;
	s9 =	sadd.s32 $0x2AC00, s5  }
0x9: {  	s10 =	sadd.s32 $0x3E800, s5;
	s12 =	sadd.s32 $0x48800, s5;
	s29 =	smul.u32 $0x13800, s2  }
0xa: {  	s23 =	sadd.s32 $0x124800, s1;
	p0 =	sne.s32 s2, $0xF;
	p1 =	seq.s32 s2, $0xF  }
0xb: {  	_ =	strace $0x80000053;
	s7 =	sor.u32 s6, s7;
	s14 =	smul.u32 $0x138800, s6  }
0xc: {  	s26 =	ssub.s32 $0x2, s6;
	s23 =	sshrl.u32 @p1 s23, $0x3;
	s11 =	smul.u32 $0x500, s7  }
0xd: {  	s13 =	smul.u32 $0x2800, s7;
	s28 =	sshrl.u32 s26, $0x1;
	s8 =	sshrl.u32 s8, $0x2  }
0xe: {  	s15 =	ssub.s32 s26, s28;
	s5 =	sadd.s32 s8, s1;
	s31 =	sadd.s32 s29, s14  }
0xf: {  	s14 =	sshrl.u32 s14, $0x3;
	s6 =	sadd.s32 s9, s11;
	s30 =	sshrl.u32 s13, $0x3  }
0x10: {  	s7 =	sadd.s32 s10, s11;
	s13 =	sshrl.u32 s31, $0x3;
	s11 =	sadd.s32 $0x280, s30  }
0x11: {  	s14 =	sadd.s32 s12, s14;
	s8 =	sadd.s32 s9, s11;
	s9 =	sadd.s32 s10, s11  }
0x12: {  	s10 =	sadd.s32 s12, s13;
	s11 =	sadd.s32 $0x24900, s14;
	s13 =	sadd.s32 $0x138400, s1  }
0x13: {  	v0 =	vimm.f32 $0.0e+00;
	s12 =	smax.u32 s15, $0x1;
	s14 =	sadd.s32 $0x138000, s1;
	s15 =	sadd.s32 $0x138800, s1  }
.LBB2_1:
0x14: {  	s24 =	simm.s32 $0x0;
	s25 =	simm.s32 $0x0  }
.LBB2_2:
0x15: {  	p2 =	sne.s32 s25, $0xFC0  }
.Ltmp0:
0x16: {  	_ = 	snop;
	(pc) =	sbr.rel @p2 .LBB2_2-.Ltmp0, $4  }
0x17: {  	s26 =	sand.u32 $0xE00, s25  }
0x18: {  	s28 =	sand.u32 $0x70, s24;
	s26 =	sshrl.u32 s26, $0x2  }
0x19: {  	s26 =	sor.u32 s28, s26  }
0x1a: {  	s24 =	sadd.s32 $0x10, s24;
	s25 =	sadd.s32 $0x40, s25;
	[tilespmem:s26+$0x6800] =	vst v0  }
0x1b: {  	s24 =	sadd.s32 $0x0, s5  }
0x1c: {  	[spmem:s24] =	stream.linear.scatter [tilespmem:s16], [sflag:$0x2], $0x400, $0x38;
	[tilespmem:$0x1A4C0] =	vst v63  }
0x1d: {  	s24 =	simm.s32 $0x1000;
	_ =	swait.ge [sflag:s17], $0x400  }
.LBB2_4:
0x1e: {  	s25 =	sshra.s32 s24, $0x2;
	[sflag:s17] =	ssyncset.done $0x0;
	p2 =	sne.s32 s24, $0x4D000  }
.Ltmp1:
0x1f: {  	s25 =	sadd.s32 s25, s5;
	[sflag:s17] =	ssyncadd.s32 $0xFFFFFC00;
	(pc) =	sbr.rel @p2 .LBB2_4-.Ltmp1, $3  }
0x20: {  	[spmem:s25] =	stream.linear.scatter [tilespmem:s16], [sflag:$0x2], $0x400, $0x38;
	[tilespmem:$0x1A4C0] =	vst v63  }
0x21: {  	s24 =	sadd.s32 $0x1000, s24;
	_ =	sdelay $0x1  }
0x22: {  	_ =	swait.ge [sflag:s17], $0x400  }
0x23: {  	[sflag:s17] =	ssyncset.done $0x0  }
0x24: {  	s24 =	simm.s32 @!p0 $0x6800;
	s25 =	simm.s32 @!p0 $0x2;
	[sflag:s17] =	ssyncadd.s32 $0xFFFFFC00  }
0x25: {  	[spmem:s14] =	stream.linear.scatter @!p0 [tilespmem:s24], [sflag:$0x2], $0x400, $0x38;
	[tilespmem:$0x1A4C0] =	vst v63  }
0x26: {  	_ =	swait.ge @!p0 [sflag:s25], $0x400  }
0x27: {  	[sflag:s25] =	ssyncset.done @!p0 $0x0  }
0x28: {  	[sflag:s25] =	ssyncadd.s32 @!p0 $0xFFFFFC00  }
0x29: {  	[spmem:s13] =	stream.linear.scatter @!p0 [tilespmem:s24], [sflag:$0x2], $0x400, $0x38;
	[tilespmem:$0x1A4C0] =	vst v63  }
0x2a: {  	_ =	swait.ge @!p0 [sflag:s25], $0x400  }
0x2b: {  	[sflag:s25] =	ssyncset.done @!p0 $0x0  }
0x2c: {  	[sflag:s25] =	ssyncadd.s32 @!p0 $0xFFFFFC00  }
0x2d: {  	[spmem:s15] =	stream.linear.scatter @!p0 [tilespmem:s24], [sflag:$0x2], $0x400, $0x38;
	[tilespmem:$0x1A4C0] =	vst v63  }
0x2e: {  	_ =	swait.ge @!p0 [sflag:s25], $0x400  }
0x2f: {  	[sflag:s25] =	ssyncset.done @!p0 $0x0  }
0x30: {  	[sflag:s25] =	ssyncadd.s32 @!p0 $0xFFFFFC00  }
0x31: {  	s30 =	simm.s32 $0x0;
	[bflag:$0x0] =	sbarrier.arrive $0xFFFF  }
0x32: {  	[tilespmem:s30], [sflag:$0x2] =	stream.linear.gather [hbm4b:s6+s30], $0x1400, $0x38;
	[tilespmem:$0x1A4C0] =	vst v63  }
0x33: {  	_ =	swait.ge [sflag:s17], $0x1400  }
0x34: {  	[sflag:s17] =	ssyncset.done $0x0  }
0x35: {  	[sflag:s17] =	ssyncadd.s32 $0xFFFFEC00  }
0x36: {  	[tilespmem:s18], [sflag:$0x2] =	stream.linear.gather [hbm4b:s7+s30], $0x1400, $0x38;
	[tilespmem:$0x1A4C0] =	vst v63  }
0x37: {  	_ =	swait.ge [sflag:s17], $0x1400  }
0x38: {  	[sflag:s17] =	ssyncset.done $0x0  }
0x39: {  	[sflag:s17] =	ssyncadd.s32 $0xFFFFEC00  }
0x3a: {  	[tilespmem:s20], [sflag:$0x1] =	stream.indirect.gather [hbm4b:s4+s19], $0x80, s30, s19, $0xb8;
	[tilespmem:$0x1A4C0] =	vst v63  }
0x3b: {  	_ =	swait.ge [sflag:s21], $0x4000  }
0x3c: {  	[sflag:s21] =	ssyncset.done $0x0  }
0x3d: {  	s31 =	simm.s32 $0x1400;
	[sflag:s21] =	ssyncadd.s32 $0xFFFFC000  }
0x3e: {  	[spmem:s1] =	stream.indirect.scatter.add.f32 [tilespmem:s20], [sflag:$0x2], $0x80, s31, s19, $0xb8;
	[tilespmem:$0x1A4C0] =	vst v63  }
0x3f: {  	_ =	swait.ge [sflag:s17], $0x4000  }
0x40: {  	[sflag:s17] =	ssyncset.done $0x0  }
0x41: {  	s24 =	simm.s32 $0x200;
	s25 =	simm.s32 $0x80;
	[sflag:s17] =	ssyncadd.s32 $0xFFFFC000  }
.LBB2_6:
0x42: {  	[tilespmem:s20], [sflag:$0x1] =	stream.indirect.gather [hbm4b:s4+s19], $0x80, s25, s19, $0xb8;
	[tilespmem:$0x1A4C0] =	vst v63  }
0x43: {  	s25 =	smov.u32 s24  }
0x44: {  	p2 =	sne.s32 s24, $0x4C00;
	s24 =	sadd.s32 $0x200, s24;
	_ =	swait.ge [sflag:s21], $0x4000  }
0x45: {  	s25 =	sshra.s32 s25, $0x2;
	[sflag:s21] =	ssyncset.done $0x0  }
.Ltmp2:
0x46: {  	s26 =	sadd.s32 $0x1400, s25;
	[sflag:s21] =	ssyncadd.s32 $0xFFFFC000;
	(pc) =	sbr.rel @p2 .LBB2_6-.Ltmp2, $4  }
0x47: {  	[spmem:s1] =	stream.indirect.scatter.add.f32 [tilespmem:s20], [sflag:$0x2], $0x80, s26, s19, $0xb8;
	[tilespmem:$0x1A4C0] =	vst v63  }
0x48: {  	_ =	swait.ge [sflag:s17], $0x4000  }
0x49: {  	[sflag:s17] =	ssyncset.done $0x0  }
0x4a: {  	s25 =	sadd.s32 $0x80, s25;
	[sflag:s17] =	ssyncadd.s32 $0xFFFFC000  }
0x4b: {  	[tilespmem:s20], [sflag:$0x1] =	stream.indirect.gather [hbm4b:s4+s19], $0x80, s25, s19, $0xb8;
	[tilespmem:$0x1A4C0] =	vst v63  }
0x4c: {  	_ =	swait.ge [sflag:s21], $0x4000  }
0x4d: {  	[sflag:s21] =	ssyncset.done $0x0  }
0x4e: {  	[sflag:s21] =	ssyncadd.s32 $0xFFFFC000  }
0x4f: {  	[spmem:s1] =	stream.indirect.scatter.add.f32 [tilespmem:s20], [sflag:$0x2], $0x80, s22, s19, $0xb8;
	[tilespmem:$0x1A4C0] =	vst v63  }
0x50: {  	_ =	swait.ge [sflag:s17], $0x4000  }
0x51: {  	[sflag:s17] =	ssyncset.done $0x0  }
0x52: {  	s24 =	simm.s32 $0x0;
	[sflag:s17] =	ssyncadd.s32 $0xFFFFC000  }
0x53: {  	[tilespmem:s24], [sflag:$0x2] =	stream.linear.gather [hbm4b:s8+s24], $0x1400, $0x38;
	[tilespmem:$0x1A4C0] =	vst v63  }
0x54: {  	_ =	swait.ge [sflag:s17], $0x1400  }
0x55: {  	[sflag:s17] =	ssyncset.done $0x0  }
0x56: {  	[sflag:s17] =	ssyncadd.s32 $0xFFFFEC00  }
0x57: {  	[tilespmem:s18], [sflag:$0x2] =	stream.linear.gather [hbm4b:s9+s24], $0x1400, $0x38;
	[tilespmem:$0x1A4C0] =	vst v63  }
0x58: {  	_ =	swait.ge [sflag:s17], $0x1400  }
0x59: {  	[sflag:s17] =	ssyncset.done $0x0  }
0x5a: {  	[sflag:s17] =	ssyncadd.s32 $0xFFFFEC00  }
0x5b: {  	[tilespmem:s20], [sflag:$0x1] =	stream.indirect.gather [hbm4b:s4+s19], $0x80, s24, s19, $0xb8;
	[tilespmem:$0x1A4C0] =	vst v63  }
0x5c: {  	_ =	swait.ge [sflag:s21], $0x4000  }
0x5d: {  	[sflag:s21] =	ssyncset.done $0x0  }
0x5e: {  	s31 =	simm.s32 $0x1400;
	[sflag:s21] =	ssyncadd.s32 $0xFFFFC000  }
0x5f: {  	[spmem:s1] =	stream.indirect.scatter.add.f32 [tilespmem:s20], [sflag:$0x2], $0x80, s31, s19, $0xb8;
	[tilespmem:$0x1A4C0] =	vst v63  }
0x60: {  	_ =	swait.ge [sflag:s17], $0x4000  }
0x61: {  	[sflag:s17] =	ssyncset.done $0x0  }
0x62: {  	s25 =	simm.s32 $0x80;
	s24 =	simm.s32 $0x200;
	[sflag:s17] =	ssyncadd.s32 $0xFFFFC000  }
.LBB2_8:
0x63: {  	[tilespmem:s20], [sflag:$0x1] =	stream.indirect.gather [hbm4b:s4+s19], $0x80, s25, s19, $0xb8;
	[tilespmem:$0x1A4C0] =	vst v63  }
0x64: {  	s25 =	smov.u32 s24  }
0x65: {  	p2 =	sne.s32 s24, $0x4C00;
	s24 =	sadd.s32 $0x200, s24;
	_ =	swait.ge [sflag:s21], $0x4000  }
0x66: {  	s25 =	sshra.s32 s25, $0x2;
	[sflag:s21] =	ssyncset.done $0x0  }
.Ltmp3:
0x67: {  	s26 =	sadd.s32 $0x1400, s25;
	[sflag:s21] =	ssyncadd.s32 $0xFFFFC000;
	(pc) =	sbr.rel @p2 .LBB2_8-.Ltmp3, $4  }
0x68: {  	[spmem:s1] =	stream.indirect.scatter.add.f32 [tilespmem:s20], [sflag:$0x2], $0x80, s26, s19, $0xb8;
	[tilespmem:$0x1A4C0] =	vst v63  }
0x69: {  	_ =	swait.ge [sflag:s17], $0x4000  }
0x6a: {  	[sflag:s17] =	ssyncset.done $0x0  }
0x6b: {  	s25 =	sadd.s32 $0x80, s25;
	[sflag:s17] =	ssyncadd.s32 $0xFFFFC000  }
0x6c: {  	[tilespmem:s20], [sflag:$0x1] =	stream.indirect.gather [hbm4b:s4+s19], $0x80, s25, s19, $0xb8;
	[tilespmem:$0x1A4C0] =	vst v63  }
0x6d: {  	_ =	swait.ge [sflag:s21], $0x4000  }
0x6e: {  	[sflag:s21] =	ssyncset.done $0x0  }
0x6f: {  	[sflag:s21] =	ssyncadd.s32 $0xFFFFC000  }
0x70: {  	[spmem:s1] =	stream.indirect.scatter.add.f32 [tilespmem:s20], [sflag:$0x2], $0x80, s22, s19, $0xb8;
	[tilespmem:$0x1A4C0] =	vst v63  }
0x71: {  	_ =	swait.ge [sflag:s17], $0x4000  }
0x72: {  	[sflag:s17] =	ssyncset.done $0x0  }
0x73: {  	[sflag:s17] =	ssyncadd.s32 $0xFFFFC000  }
0x74: {  	s24 =	simm.s32 @p1 $0x1FC2;
	[bflag:$0x0] =	sbarrier.arrive $0xFFFF  }
0x75: {  	[hbm:s11], [sflag:s24] =	dma.local @p1 [spmem:s23], $0x2800  }
0x76: {  	s24 =	simm.s32 @p1 $0x2  }
0x77: {  	s3 =	sadd.s32 $0x1, s3;
	_ =	swait.ge @p1 [sflag:s24], $0x2800  }
0x78: {  	s25 =	sshll.u32 @!p1 s2, $0x6;
	p2 =	sne.s32 s3, s12;
	[sflag:s24] =	ssyncset.done @p1 $0x0  }
0x79: {  	[sflag:s24] =	ssyncadd.s32 @p1 $0xFFFFD800;
	s24 =	sor.u32 @!p1 $0x1C02, s25;
	s25 =	sshrl.u32 @!p1 s5, $0x3  }
0x7a: {  	[hbm:s10], [sflag:s24] =	dma.local @!p1 [spmem:s25], $0x2700  }
.Ltmp4:
0x7b: {  	_ = 	snop;
	(pc) =	sbr.rel @p2 .LBB2_1-.Ltmp4, $4  }
0x7c: {  	s24 =	simm.s32 @!p1 $0x2  }
0x7d: {  	_ =	swait.ge @!p1 [sflag:s24], $0x2700  }
0x7e: {  	[sflag:s24] =	ssyncset.done @!p1 $0x0  }
0x7f: {  	[sflag:s24] =	ssyncadd.s32 @!p1 $0xFFFFD900  }
0x80: {  	_ =	sfence.sel $0x180000  }
0x81: {  	[bflag:$0x0] =	sbarrier.arrive $0xFFFF  }
0x82: {  	p0 =	sne.s32 s2, $0x0;
	_ =	strace $0x90000053  }
0x83: {  	s0 =	sadd.s32 @!p0 $0x100000, s0;
	[bflag:$0x2] =	sbarrier.arrive $0xFFFF  }
0x84: {  	[sflag:s0] =	ssyncadd.tile.s32 @!p0 $0x1;
	_ =	shalt  }
.Lfunc_end2:
_tile_overlayer_lowered:
.L_overlay_start_2:
0x85: {  	(tag) =	ssettag $0x2  }
0x86: {  	s0 =	rddreg [dreg:$0x0];
	s2 =	stileid.u32  }
0x87: {  	s1 =	rddreg [dreg:$0x1];
	p0 =	sne.s32 s2, $0x0  }
0x88: {  	s3 =	rddreg [dreg:$0x2];
	[bflag:$0x3] =	sbarrier.arrive $0xFFFF;
	s2 =	simm.s32 @!p0 $0x1C02  }
0x89: {  	[timem:s3], [sflag:s2] =	dma.local @!p0 [hbm:s0], s1  }
0x8a: {  	s0 =	simm.s32 @!p0 $0x2  }
0x8b: {  	_ =	swait.ge @!p0 [sflag:s0], s1  }
0x8c: {  	s1 =	ssub.s32 @!p0 $0x0, s1;
	[sflag:s0] =	ssyncset.done @!p0 $0x0  }
0x8d: {  	[sflag:s0] =	ssyncadd.s32 @!p0 s1  }
0x8e: {  	[bflag:$0x3] =	sbarrier.arrive $0xFFFF  }
0x8f: {  	_ =	shalt  }

</sc_bundles>
